<compile_context>
chip_gen: v7x
topology: tpu7x:2x2x1
jax: 0.10.2.dev20260603
libtpu: 0.0.44.dev20260713+nightly
codegen_flags: <defaults>
</compile_context>

<pallas_src>
import functools

import jax
import jax.numpy as jnp
from jax import lax
from jax.experimental import pallas as pl
from jax.experimental.pallas import tpu as pltpu
from jax.experimental.pallas import tpu_sc as plsc

D_E = 128
NUM_WORKERS = 32
NBUF = 8


def _sc_gather(idx2d, table, per_w, seq):
    n_batch = NUM_WORKERS * per_w
    n_chunks = per_w // 2
    chunk_idx = 2 * seq
    mesh = plsc.VectorSubcoreMesh(core_axis_name="c", subcore_axis_name="s")

    @functools.partial(
        pl.kernel,
        out_type=jax.ShapeDtypeStruct((n_batch, seq, D_E), jnp.float32),
        mesh=mesh,
        scratch_types=[
            pltpu.VMEM((n_chunks, 128), jnp.int32),
            pltpu.VMEM((NBUF, chunk_idx, D_E), jnp.float32),
        ]
        + [pltpu.SemaphoreType.DMA] * (2 * NBUF),
    )
    def k(idx_hbm, table_hbm, out_hbm, idx_v, rows_v, *sems):
        gs = sems[:NBUF]
        ws = sems[NBUF:]
        wid = lax.axis_index("s") * 2 + lax.axis_index("c")
        base_b = wid * per_w
        base_c = wid * n_chunks
        pltpu.sync_copy(idx_hbm.at[pl.ds(base_c, n_chunks)], idx_v)

        def gather(c, r):
            pltpu.async_copy(
                table_hbm.at[idx_v.at[c].at[pl.ds(0, chunk_idx)]],
                rows_v.at[r],
                gs[r],
            )

        def wait_gather(c, r):
            pltpu.make_async_copy(
                table_hbm.at[idx_v.at[c].at[pl.ds(0, chunk_idx)]],
                rows_v.at[r],
                gs[r],
            ).wait()

        def write(c, r):
            for h in range(2):
                pltpu.async_copy(
                    rows_v.at[r].at[pl.ds(h * seq, seq)],
                    out_hbm.at[base_b + 2 * c + h],
                    ws[r],
                )

        def wait_write(c, r):
            for h in range(2):
                pltpu.make_async_copy(
                    rows_v.at[r].at[pl.ds(h * seq, seq)],
                    out_hbm.at[base_b + 2 * c + h],
                    ws[r],
                ).wait()

        for r in range(NBUF):
            gather(r, r)

        def body(i, _):
            for r in range(NBUF):
                c = i * NBUF + r
                wait_gather(c, r)
                write(c, r)

                @pl.when(c + NBUF < n_chunks)
                def _():
                    wait_write(c, r)
                    gather(c + NBUF, r)

            return 0

        lax.fori_loop(0, n_chunks // NBUF, body, 0, unroll=False)

        for r in range(NBUF):
            wait_write(n_chunks - NBUF + r, r)

    return k(idx2d, table)


def kernel(input_ids, table):
    b, s = input_ids.shape
    per_w = b // NUM_WORKERS
    assert per_w * NUM_WORKERS == b and per_w % (2 * NBUF) == 0
    ids = input_ids.astype(jnp.int32).reshape(b // 2, 2 * s)
    ids = jnp.pad(ids, ((0, 0), (0, 128 - 2 * s)))
    return _sc_gather(ids, table, per_w, s)

# --- scband reference (transcript-rebuilt; emitter-appended) ---
"""Pipeline reference for scband-content-embeddings-16638703304819 (READ-ONLY COPY).

The authoritative reference and input builder live on the scoring server;
editing this copy changes nothing except your own understanding.
"""

import jax, jax.numpy as jnp
import numpy as np

N_V = 100000
D_E = 128
PADDING_IDX = 0

def setup_inputs(seed: int = 0) -> dict:
    key = jax.random.key(seed)
    k1, k2 = jax.random.split(key)
    input_ids = jax.random.randint(k1, (4096, 50), 0, N_V)
    # nn.Embedding weight ~ N(0, 1); padding_idx row initialized to zeros
    table = jax.random.normal(k2, (N_V, D_E), dtype=jnp.float32)
    table = table.at[PADDING_IDX].set(0.0)
    return {"input_ids": input_ids, "table": table}

def reference(input_ids, table):
    # embeddings: [b, s, d_e]
    return jnp.take(table, input_ids, axis=0)

if __name__ == "__main__":
    import jax
    _d = setup_inputs()
    print(jax.jit(kernel)(*tuple(_d.values())))

</pallas_src>

<mosaic_0001>
#map = affine_map<(d0, d1) -> (0, 0)>
#map1 = affine_map<(d0, d1) -> (0, 0, 0)>
module attributes {stable_mosaic.version = 14 : i64} {
  func.func @k(%arg0: i32, %arg1: i32, %arg2: memref<2048x128xi32, #tpu.memory_space<hbm>>, %arg3: memref<100000x128xf32, #tpu.memory_space<hbm>>, %arg4: memref<4096x50x128xf32, #tpu.memory_space<hbm>>, %arg5: memref<64x128xi32, #tpu.memory_space<vmem>>, %arg6: memref<8x100x128xf32, #tpu.memory_space<vmem>>, %arg7: memref<!tpu.dma_semaphore, #tpu.memory_space<semaphore_mem>>, %arg8: memref<!tpu.dma_semaphore, #tpu.memory_space<semaphore_mem>>, %arg9: memref<!tpu.dma_semaphore, #tpu.memory_space<semaphore_mem>>, %arg10: memref<!tpu.dma_semaphore, #tpu.memory_space<semaphore_mem>>, %arg11: memref<!tpu.dma_semaphore, #tpu.memory_space<semaphore_mem>>, %arg12: memref<!tpu.dma_semaphore, #tpu.memory_space<semaphore_mem>>, %arg13: memref<!tpu.dma_semaphore, #tpu.memory_space<semaphore_mem>>, %arg14: memref<!tpu.dma_semaphore, #tpu.memory_space<semaphore_mem>>, %arg15: memref<!tpu.dma_semaphore, #tpu.memory_space<semaphore_mem>>, %arg16: memref<!tpu.dma_semaphore, #tpu.memory_space<semaphore_mem>>, %arg17: memref<!tpu.dma_semaphore, #tpu.memory_space<semaphore_mem>>, %arg18: memref<!tpu.dma_semaphore, #tpu.memory_space<semaphore_mem>>, %arg19: memref<!tpu.dma_semaphore, #tpu.memory_space<semaphore_mem>>, %arg20: memref<!tpu.dma_semaphore, #tpu.memory_space<semaphore_mem>>, %arg21: memref<!tpu.dma_semaphore, #tpu.memory_space<semaphore_mem>>, %arg22: memref<!tpu.dma_semaphore, #tpu.memory_space<semaphore_mem>>) attributes {dimension_semantics = [#tpu.dimension_semantics<core_parallel>, #tpu.dimension_semantics<subcore_parallel>], iteration_bounds = array<i64: 2, 16>, scalar_prefetch = 0 : i64, scratch_operands = 18 : i64, tpu.core_type = #tpu.core_type<sc_vector_subcore>, window_params = [{transform_indices = #map}, {transform_indices = #map}, {transform_indices = #map1}]} {
    %mul3A = arith.constant 2 : i32
    %mul3A_0 = arith.muli %arg1, %mul3A : i32
    %add3A = arith.addi %mul3A_0, %arg0 : i32
    %mul3A_1 = arith.constant 128 : i32
    %mul3A_2 = arith.muli %add3A, %mul3A_1 : i32
    %mul3A_3 = arith.constant 64 : i32
    %mul3A_4 = arith.muli %add3A, %mul3A_3 : i32
    "tpu.region"() ({
      %run_scoped3A = tpu.sem_alloc : memref<!tpu.dma_semaphore, #tpu.memory_space<semaphore_mem>>
      %dma_start3A_553 = arith.constant 0 : i32
      %dma_start3A_554 = tpu.memref_slice %arg2[%mul3A_4, %dma_start3A_553] : memref<2048x128xi32, #tpu.memory_space<hbm>> -> memref<64x128xi32, #tpu.memory_space<hbm>>
      %dma_start3A_555 = arith.constant 0 : i32
      %dma_start3A_556 = tpu.memref_slice %arg2[%mul3A_4, %dma_start3A_555] : memref<2048x128xi32, #tpu.memory_space<hbm>> -> memref<64x128xi32, #tpu.memory_space<hbm>>
      tpu.enqueue_dma source(%dma_start3A_556 : memref<64x128xi32, #tpu.memory_space<hbm>>) target(%arg5 : memref<64x128xi32, #tpu.memory_space<vmem>>) target_semaphore(%run_scoped3A : memref<!tpu.dma_semaphore, #tpu.memory_space<semaphore_mem>>)
      %dma_wait3A_557 = arith.constant 0 : i32
      %dma_wait3A_558 = tpu.memref_slice %arg2[%mul3A_4, %dma_wait3A_557] : memref<2048x128xi32, #tpu.memory_space<hbm>> -> memref<64x128xi32, #tpu.memory_space<hbm>>
      %dma_wait3A_559 = arith.constant 0 : i32
      %dma_wait3A_560 = tpu.memref_slice %arg2[%mul3A_4, %dma_wait3A_559] : memref<2048x128xi32, #tpu.memory_space<hbm>> -> memref<64x128xi32, #tpu.memory_space<hbm>>
      tpu.wait_dma2 semaphore(%run_scoped3A : memref<!tpu.dma_semaphore, #tpu.memory_space<semaphore_mem>>) src(%dma_wait3A_560 : memref<64x128xi32, #tpu.memory_space<hbm>>) dst(%arg5 : memref<64x128xi32, #tpu.memory_space<vmem>>)
      tpu.yield
    }) : () -> ()
    %dma_start3A = arith.constant 0 : i32
    %dma_start3A_5 = arith.constant 0 : i32
    %dma_start3A_6 = arith.constant 0 : i32
    %dma_start3A_7 = arith.constant 0 : i32
    %dma_start3A_8 = tpu.memref_slice %arg6[%dma_start3A_5, %dma_start3A_6, %dma_start3A_7] : memref<8x100x128xf32, #tpu.memory_space<vmem>> -> memref<1x100x128xf32, #tpu.memory_space<vmem>>
    %dma_start3A_9 = tpu.memref_squeeze %dma_start3A_8 : memref<1x100x128xf32, #tpu.memory_space<vmem>> -> memref<100x128xf32, #tpu.memory_space<vmem>>
    %dma_start3A_10 = arith.constant 0 : i32
    %dma_start3A_11 = tpu.memref_slice %arg5[%dma_start3A, %dma_start3A_10] : memref<64x128xi32, #tpu.memory_space<vmem>> -> memref<1x128xi32, #tpu.memory_space<vmem>>
    %dma_start3A_12 = tpu.memref_squeeze %dma_start3A_11 : memref<1x128xi32, #tpu.memory_space<vmem>> -> memref<128xi32, #tpu.memory_space<vmem>>
    %dma_start3A_13 = arith.constant 0 : i32
    %dma_start3A_14 = tpu.memref_slice %dma_start3A_12[%dma_start3A_13] : memref<128xi32, #tpu.memory_space<vmem>> -> memref<100xi32, #tpu.memory_space<vmem>>
    %dma_start3A_15 = arith.constant 0 : i32
    %dma_start3A_16 = arith.constant 0 : i32
    %dma_start3A_17 = tpu.memref_slice %arg3[%dma_start3A_15, %dma_start3A_16] : memref<100000x128xf32, #tpu.memory_space<hbm>> -> memref<100000x128xf32, #tpu.memory_space<hbm>>
    tpu.enqueue_indirect_dma source(%dma_start3A_17 : memref<100000x128xf32, #tpu.memory_space<hbm>>) target(%dma_start3A_9 : memref<100x128xf32, #tpu.memory_space<vmem>>) offsets(%dma_start3A_14 : memref<100xi32, #tpu.memory_space<vmem>>) semaphore(%arg7 : memref<!tpu.dma_semaphore, #tpu.memory_space<semaphore_mem>>)
    %dma_start3A_18 = arith.constant 1 : i32
    %dma_start3A_19 = arith.constant 1 : i32
    %dma_start3A_20 = arith.constant 0 : i32
    %dma_start3A_21 = arith.constant 0 : i32
    %dma_start3A_22 = tpu.memref_slice %arg6[%dma_start3A_19, %dma_start3A_20, %dma_start3A_21] : memref<8x100x128xf32, #tpu.memory_space<vmem>> -> memref<1x100x128xf32, #tpu.memory_space<vmem>>
    %dma_start3A_23 = tpu.memref_squeeze %dma_start3A_22 : memref<1x100x128xf32, #tpu.memory_space<vmem>> -> memref<100x128xf32, #tpu.memory_space<vmem>>
    %dma_start3A_24 = arith.constant 0 : i32
    %dma_start3A_25 = tpu.memref_slice %arg5[%dma_start3A_18, %dma_start3A_24] : memref<64x128xi32, #tpu.memory_space<vmem>> -> memref<1x128xi32, #tpu.memory_space<vmem>>
    %dma_start3A_26 = tpu.memref_squeeze %dma_start3A_25 : memref<1x128xi32, #tpu.memory_space<vmem>> -> memref<128xi32, #tpu.memory_space<vmem>>
    %dma_start3A_27 = arith.constant 0 : i32
    %dma_start3A_28 = tpu.memref_slice %dma_start3A_26[%dma_start3A_27] : memref<128xi32, #tpu.memory_space<vmem>> -> memref<100xi32, #tpu.memory_space<vmem>>
    %dma_start3A_29 = arith.constant 0 : i32
    %dma_start3A_30 = arith.constant 0 : i32
    %dma_start3A_31 = tpu.memref_slice %arg3[%dma_start3A_29, %dma_start3A_30] : memref<100000x128xf32, #tpu.memory_space<hbm>> -> memref<100000x128xf32, #tpu.memory_space<hbm>>
    tpu.enqueue_indirect_dma source(%dma_start3A_31 : memref<100000x128xf32, #tpu.memory_space<hbm>>) target(%dma_start3A_23 : memref<100x128xf32, #tpu.memory_space<vmem>>) offsets(%dma_start3A_28 : memref<100xi32, #tpu.memory_space<vmem>>) semaphore(%arg8 : memref<!tpu.dma_semaphore, #tpu.memory_space<semaphore_mem>>)
    %dma_start3A_32 = arith.constant 2 : i32
    %dma_start3A_33 = arith.constant 2 : i32
    %dma_start3A_34 = arith.constant 0 : i32
    %dma_start3A_35 = arith.constant 0 : i32
    %dma_start3A_36 = tpu.memref_slice %arg6[%dma_start3A_33, %dma_start3A_34, %dma_start3A_35] : memref<8x100x128xf32, #tpu.memory_space<vmem>> -> memref<1x100x128xf32, #tpu.memory_space<vmem>>
    %dma_start3A_37 = tpu.memref_squeeze %dma_start3A_36 : memref<1x100x128xf32, #tpu.memory_space<vmem>> -> memref<100x128xf32, #tpu.memory_space<vmem>>
    %dma_start3A_38 = arith.constant 0 : i32
    %dma_start3A_39 = tpu.memref_slice %arg5[%dma_start3A_32, %dma_start3A_38] : memref<64x128xi32, #tpu.memory_space<vmem>> -> memref<1x128xi32, #tpu.memory_space<vmem>>
    %dma_start3A_40 = tpu.memref_squeeze %dma_start3A_39 : memref<1x128xi32, #tpu.memory_space<vmem>> -> memref<128xi32, #tpu.memory_space<vmem>>
    %dma_start3A_41 = arith.constant 0 : i32
    %dma_start3A_42 = tpu.memref_slice %dma_start3A_40[%dma_start3A_41] : memref<128xi32, #tpu.memory_space<vmem>> -> memref<100xi32, #tpu.memory_space<vmem>>
    %dma_start3A_43 = arith.constant 0 : i32
    %dma_start3A_44 = arith.constant 0 : i32
    %dma_start3A_45 = tpu.memref_slice %arg3[%dma_start3A_43, %dma_start3A_44] : memref<100000x128xf32, #tpu.memory_space<hbm>> -> memref<100000x128xf32, #tpu.memory_space<hbm>>
    tpu.enqueue_indirect_dma source(%dma_start3A_45 : memref<100000x128xf32, #tpu.memory_space<hbm>>) target(%dma_start3A_37 : memref<100x128xf32, #tpu.memory_space<vmem>>) offsets(%dma_start3A_42 : memref<100xi32, #tpu.memory_space<vmem>>) semaphore(%arg9 : memref<!tpu.dma_semaphore, #tpu.memory_space<semaphore_mem>>)
    %dma_start3A_46 = arith.constant 3 : i32
    %dma_start3A_47 = arith.constant 3 : i32
    %dma_start3A_48 = arith.constant 0 : i32
    %dma_start3A_49 = arith.constant 0 : i32
    %dma_start3A_50 = tpu.memref_slice %arg6[%dma_start3A_47, %dma_start3A_48, %dma_start3A_49] : memref<8x100x128xf32, #tpu.memory_space<vmem>> -> memref<1x100x128xf32, #tpu.memory_space<vmem>>
    %dma_start3A_51 = tpu.memref_squeeze %dma_start3A_50 : memref<1x100x128xf32, #tpu.memory_space<vmem>> -> memref<100x128xf32, #tpu.memory_space<vmem>>
    %dma_start3A_52 = arith.constant 0 : i32
    %dma_start3A_53 = tpu.memref_slice %arg5[%dma_start3A_46, %dma_start3A_52] : memref<64x128xi32, #tpu.memory_space<vmem>> -> memref<1x128xi32, #tpu.memory_space<vmem>>
    %dma_start3A_54 = tpu.memref_squeeze %dma_start3A_53 : memref<1x128xi32, #tpu.memory_space<vmem>> -> memref<128xi32, #tpu.memory_space<vmem>>
    %dma_start3A_55 = arith.constant 0 : i32
    %dma_start3A_56 = tpu.memref_slice %dma_start3A_54[%dma_start3A_55] : memref<128xi32, #tpu.memory_space<vmem>> -> memref<100xi32, #tpu.memory_space<vmem>>
    %dma_start3A_57 = arith.constant 0 : i32
    %dma_start3A_58 = arith.constant 0 : i32
    %dma_start3A_59 = tpu.memref_slice %arg3[%dma_start3A_57, %dma_start3A_58] : memref<100000x128xf32, #tpu.memory_space<hbm>> -> memref<100000x128xf32, #tpu.memory_space<hbm>>
    tpu.enqueue_indirect_dma source(%dma_start3A_59 : memref<100000x128xf32, #tpu.memory_space<hbm>>) target(%dma_start3A_51 : memref<100x128xf32, #tpu.memory_space<vmem>>) offsets(%dma_start3A_56 : memref<100xi32, #tpu.memory_space<vmem>>) semaphore(%arg10 : memref<!tpu.dma_semaphore, #tpu.memory_space<semaphore_mem>>)
    %dma_start3A_60 = arith.constant 4 : i32
    %dma_start3A_61 = arith.constant 4 : i32
    %dma_start3A_62 = arith.constant 0 : i32
    %dma_start3A_63 = arith.constant 0 : i32
    %dma_start3A_64 = tpu.memref_slice %arg6[%dma_start3A_61, %dma_start3A_62, %dma_start3A_63] : memref<8x100x128xf32, #tpu.memory_space<vmem>> -> memref<1x100x128xf32, #tpu.memory_space<vmem>>
    %dma_start3A_65 = tpu.memref_squeeze %dma_start3A_64 : memref<1x100x128xf32, #tpu.memory_space<vmem>> -> memref<100x128xf32, #tpu.memory_space<vmem>>
    %dma_start3A_66 = arith.constant 0 : i32
    %dma_start3A_67 = tpu.memref_slice %arg5[%dma_start3A_60, %dma_start3A_66] : memref<64x128xi32, #tpu.memory_space<vmem>> -> memref<1x128xi32, #tpu.memory_space<vmem>>
    %dma_start3A_68 = tpu.memref_squeeze %dma_start3A_67 : memref<1x128xi32, #tpu.memory_space<vmem>> -> memref<128xi32, #tpu.memory_space<vmem>>
    %dma_start3A_69 = arith.constant 0 : i32
    %dma_start3A_70 = tpu.memref_slice %dma_start3A_68[%dma_start3A_69] : memref<128xi32, #tpu.memory_space<vmem>> -> memref<100xi32, #tpu.memory_space<vmem>>
    %dma_start3A_71 = arith.constant 0 : i32
    %dma_start3A_72 = arith.constant 0 : i32
    %dma_start3A_73 = tpu.memref_slice %arg3[%dma_start3A_71, %dma_start3A_72] : memref<100000x128xf32, #tpu.memory_space<hbm>> -> memref<100000x128xf32, #tpu.memory_space<hbm>>
    tpu.enqueue_indirect_dma source(%dma_start3A_73 : memref<100000x128xf32, #tpu.memory_space<hbm>>) target(%dma_start3A_65 : memref<100x128xf32, #tpu.memory_space<vmem>>) offsets(%dma_start3A_70 : memref<100xi32, #tpu.memory_space<vmem>>) semaphore(%arg11 : memref<!tpu.dma_semaphore, #tpu.memory_space<semaphore_mem>>)
    %dma_start3A_74 = arith.constant 5 : i32
    %dma_start3A_75 = arith.constant 5 : i32
    %dma_start3A_76 = arith.constant 0 : i32
    %dma_start3A_77 = arith.constant 0 : i32
    %dma_start3A_78 = tpu.memref_slice %arg6[%dma_start3A_75, %dma_start3A_76, %dma_start3A_77] : memref<8x100x128xf32, #tpu.memory_space<vmem>> -> memref<1x100x128xf32, #tpu.memory_space<vmem>>
    %dma_start3A_79 = tpu.memref_squeeze %dma_start3A_78 : memref<1x100x128xf32, #tpu.memory_space<vmem>> -> memref<100x128xf32, #tpu.memory_space<vmem>>
    %dma_start3A_80 = arith.constant 0 : i32
    %dma_start3A_81 = tpu.memref_slice %arg5[%dma_start3A_74, %dma_start3A_80] : memref<64x128xi32, #tpu.memory_space<vmem>> -> memref<1x128xi32, #tpu.memory_space<vmem>>
    %dma_start3A_82 = tpu.memref_squeeze %dma_start3A_81 : memref<1x128xi32, #tpu.memory_space<vmem>> -> memref<128xi32, #tpu.memory_space<vmem>>
    %dma_start3A_83 = arith.constant 0 : i32
    %dma_start3A_84 = tpu.memref_slice %dma_start3A_82[%dma_start3A_83] : memref<128xi32, #tpu.memory_space<vmem>> -> memref<100xi32, #tpu.memory_space<vmem>>
    %dma_start3A_85 = arith.constant 0 : i32
    %dma_start3A_86 = arith.constant 0 : i32
    %dma_start3A_87 = tpu.memref_slice %arg3[%dma_start3A_85, %dma_start3A_86] : memref<100000x128xf32, #tpu.memory_space<hbm>> -> memref<100000x128xf32, #tpu.memory_space<hbm>>
    tpu.enqueue_indirect_dma source(%dma_start3A_87 : memref<100000x128xf32, #tpu.memory_space<hbm>>) target(%dma_start3A_79 : memref<100x128xf32, #tpu.memory_space<vmem>>) offsets(%dma_start3A_84 : memref<100xi32, #tpu.memory_space<vmem>>) semaphore(%arg12 : memref<!tpu.dma_semaphore, #tpu.memory_space<semaphore_mem>>)
    %dma_start3A_88 = arith.constant 6 : i32
    %dma_start3A_89 = arith.constant 6 : i32
    %dma_start3A_90 = arith.constant 0 : i32
    %dma_start3A_91 = arith.constant 0 : i32
    %dma_start3A_92 = tpu.memref_slice %arg6[%dma_start3A_89, %dma_start3A_90, %dma_start3A_91] : memref<8x100x128xf32, #tpu.memory_space<vmem>> -> memref<1x100x128xf32, #tpu.memory_space<vmem>>
    %dma_start3A_93 = tpu.memref_squeeze %dma_start3A_92 : memref<1x100x128xf32, #tpu.memory_space<vmem>> -> memref<100x128xf32, #tpu.memory_space<vmem>>
    %dma_start3A_94 = arith.constant 0 : i32
    %dma_start3A_95 = tpu.memref_slice %arg5[%dma_start3A_88, %dma_start3A_94] : memref<64x128xi32, #tpu.memory_space<vmem>> -> memref<1x128xi32, #tpu.memory_space<vmem>>
    %dma_start3A_96 = tpu.memref_squeeze %dma_start3A_95 : memref<1x128xi32, #tpu.memory_space<vmem>> -> memref<128xi32, #tpu.memory_space<vmem>>
    %dma_start3A_97 = arith.constant 0 : i32
    %dma_start3A_98 = tpu.memref_slice %dma_start3A_96[%dma_start3A_97] : memref<128xi32, #tpu.memory_space<vmem>> -> memref<100xi32, #tpu.memory_space<vmem>>
    %dma_start3A_99 = arith.constant 0 : i32
    %dma_start3A_100 = arith.constant 0 : i32
    %dma_start3A_101 = tpu.memref_slice %arg3[%dma_start3A_99, %dma_start3A_100] : memref<100000x128xf32, #tpu.memory_space<hbm>> -> memref<100000x128xf32, #tpu.memory_space<hbm>>
    tpu.enqueue_indirect_dma source(%dma_start3A_101 : memref<100000x128xf32, #tpu.memory_space<hbm>>) target(%dma_start3A_93 : memref<100x128xf32, #tpu.memory_space<vmem>>) offsets(%dma_start3A_98 : memref<100xi32, #tpu.memory_space<vmem>>) semaphore(%arg13 : memref<!tpu.dma_semaphore, #tpu.memory_space<semaphore_mem>>)
    %dma_start3A_102 = arith.constant 7 : i32
    %dma_start3A_103 = arith.constant 7 : i32
    %dma_start3A_104 = arith.constant 0 : i32
    %dma_start3A_105 = arith.constant 0 : i32
    %dma_start3A_106 = tpu.memref_slice %arg6[%dma_start3A_103, %dma_start3A_104, %dma_start3A_105] : memref<8x100x128xf32, #tpu.memory_space<vmem>> -> memref<1x100x128xf32, #tpu.memory_space<vmem>>
    %dma_start3A_107 = tpu.memref_squeeze %dma_start3A_106 : memref<1x100x128xf32, #tpu.memory_space<vmem>> -> memref<100x128xf32, #tpu.memory_space<vmem>>
    %dma_start3A_108 = arith.constant 0 : i32
    %dma_start3A_109 = tpu.memref_slice %arg5[%dma_start3A_102, %dma_start3A_108] : memref<64x128xi32, #tpu.memory_space<vmem>> -> memref<1x128xi32, #tpu.memory_space<vmem>>
    %dma_start3A_110 = tpu.memref_squeeze %dma_start3A_109 : memref<1x128xi32, #tpu.memory_space<vmem>> -> memref<128xi32, #tpu.memory_space<vmem>>
    %dma_start3A_111 = arith.constant 0 : i32
    %dma_start3A_112 = tpu.memref_slice %dma_start3A_110[%dma_start3A_111] : memref<128xi32, #tpu.memory_space<vmem>> -> memref<100xi32, #tpu.memory_space<vmem>>
    %dma_start3A_113 = arith.constant 0 : i32
    %dma_start3A_114 = arith.constant 0 : i32
    %dma_start3A_115 = tpu.memref_slice %arg3[%dma_start3A_113, %dma_start3A_114] : memref<100000x128xf32, #tpu.memory_space<hbm>> -> memref<100000x128xf32, #tpu.memory_space<hbm>>
    tpu.enqueue_indirect_dma source(%dma_start3A_115 : memref<100000x128xf32, #tpu.memory_space<hbm>>) target(%dma_start3A_107 : memref<100x128xf32, #tpu.memory_space<vmem>>) offsets(%dma_start3A_112 : memref<100xi32, #tpu.memory_space<vmem>>) semaphore(%arg14 : memref<!tpu.dma_semaphore, #tpu.memory_space<semaphore_mem>>)
    %scan3A = arith.constant 0 : i32
    %scan3A_116 = arith.constant 0 : i32
    %scan3A_117 = arith.constant 8 : i32
    %scan3A_118 = arith.addi %scan3A_116, %scan3A_117 : i32
    %scan3A_119 = arith.constant 1 : i32
    %scan3A_120 = scf.for %scan3A_553 = %scan3A_116 to %scan3A_118 step %scan3A_119 iter_args(%scan3A_554 = %scan3A) -> (i32)  : i32 {
      %mul3A_555 = arith.constant 8 : i32
      %mul3A_556 = arith.muli %scan3A_553, %mul3A_555 : i32
      %add3A_557 = arith.constant 0 : i32
      %add3A_558 = arith.addi %mul3A_556, %add3A_557 : i32
      %dma_wait3A_559 = arith.constant 0 : i32
      %dma_wait3A_560 = arith.constant 0 : i32
      %dma_wait3A_561 = arith.constant 0 : i32
      %dma_wait3A_562 = tpu.memref_slice %arg6[%dma_wait3A_559, %dma_wait3A_560, %dma_wait3A_561] : memref<8x100x128xf32, #tpu.memory_space<vmem>> -> memref<1x100x128xf32, #tpu.memory_space<vmem>>
      %dma_wait3A_563 = tpu.memref_squeeze %dma_wait3A_562 : memref<1x100x128xf32, #tpu.memory_space<vmem>> -> memref<100x128xf32, #tpu.memory_space<vmem>>
      %dma_wait3A_564 = arith.constant 0 : i32
      %dma_wait3A_565 = tpu.memref_slice %arg5[%add3A_558, %dma_wait3A_564] : memref<64x128xi32, #tpu.memory_space<vmem>> -> memref<1x128xi32, #tpu.memory_space<vmem>>
      %dma_wait3A_566 = tpu.memref_squeeze %dma_wait3A_565 : memref<1x128xi32, #tpu.memory_space<vmem>> -> memref<128xi32, #tpu.memory_space<vmem>>
      %dma_wait3A_567 = arith.constant 0 : i32
      %dma_wait3A_568 = tpu.memref_slice %dma_wait3A_566[%dma_wait3A_567] : memref<128xi32, #tpu.memory_space<vmem>> -> memref<100xi32, #tpu.memory_space<vmem>>
      %dma_wait3A_569 = arith.constant 0 : i32
      %dma_wait3A_570 = arith.constant 0 : i32
      %dma_wait3A_571 = tpu.memref_slice %arg3[%dma_wait3A_569, %dma_wait3A_570] : memref<100000x128xf32, #tpu.memory_space<hbm>> -> memref<100000x128xf32, #tpu.memory_space<hbm>>
      tpu.wait_indirect_dma semaphore(%arg7 : memref<!tpu.dma_semaphore, #tpu.memory_space<semaphore_mem>>) src(%dma_wait3A_571 : memref<100000x128xf32, #tpu.memory_space<hbm>>) dst(%dma_wait3A_563 : memref<100x128xf32, #tpu.memory_space<vmem>>)
      %mul3A_572 = arith.constant 2 : i32
      %mul3A_573 = arith.muli %mul3A_572, %add3A_558 : i32
      %add3A_574 = arith.addi %mul3A_2, %mul3A_573 : i32
      %add3A_575 = arith.constant 0 : i32
      %add3A_576 = arith.addi %add3A_574, %add3A_575 : i32
      %dma_start3A_577 = arith.constant 0 : i32
      %dma_start3A_578 = arith.constant 0 : i32
      %dma_start3A_579 = arith.constant 0 : i32
      %dma_start3A_580 = tpu.memref_slice %arg6[%dma_start3A_577, %dma_start3A_578, %dma_start3A_579] : memref<8x100x128xf32, #tpu.memory_space<vmem>> -> memref<1x100x128xf32, #tpu.memory_space<vmem>>
      %dma_start3A_581 = tpu.memref_squeeze %dma_start3A_580 : memref<1x100x128xf32, #tpu.memory_space<vmem>> -> memref<100x128xf32, #tpu.memory_space<vmem>>
      %dma_start3A_582 = arith.constant 0 : i32
      %dma_start3A_583 = arith.constant 0 : i32
      %dma_start3A_584 = tpu.memref_slice %dma_start3A_581[%dma_start3A_582, %dma_start3A_583] : memref<100x128xf32, #tpu.memory_space<vmem>> -> memref<50x128xf32, #tpu.memory_space<vmem>>
      %dma_start3A_585 = arith.constant 0 : i32
      %dma_start3A_586 = arith.constant 0 : i32
      %dma_start3A_587 = tpu.memref_slice %arg4[%add3A_576, %dma_start3A_585, %dma_start3A_586] : memref<4096x50x128xf32, #tpu.memory_space<hbm>> -> memref<1x50x128xf32, #tpu.memory_space<hbm>>
      %dma_start3A_588 = tpu.memref_squeeze %dma_start3A_587 : memref<1x50x128xf32, #tpu.memory_space<hbm>> -> memref<50x128xf32, #tpu.memory_space<hbm>>
      %dma_start3A_589 = arith.constant 0 : i32
      %dma_start3A_590 = arith.constant 0 : i32
      %dma_start3A_591 = tpu.memref_slice %arg4[%add3A_576, %dma_start3A_589, %dma_start3A_590] : memref<4096x50x128xf32, #tpu.memory_space<hbm>> -> memref<1x50x128xf32, #tpu.memory_space<hbm>>
      %dma_start3A_592 = tpu.memref_squeeze %dma_start3A_591 : memref<1x50x128xf32, #tpu.memory_space<hbm>> -> memref<50x128xf32, #tpu.memory_space<hbm>>
      %dma_start3A_593 = arith.constant 0 : i32
      %dma_start3A_594 = arith.constant 0 : i32
      %dma_start3A_595 = tpu.memref_slice %arg6[%dma_start3A_577, %dma_start3A_593, %dma_start3A_594] : memref<8x100x128xf32, #tpu.memory_space<vmem>> -> memref<1x100x128xf32, #tpu.memory_space<vmem>>
      %dma_start3A_596 = tpu.memref_squeeze %dma_start3A_595 : memref<1x100x128xf32, #tpu.memory_space<vmem>> -> memref<100x128xf32, #tpu.memory_space<vmem>>
      %dma_start3A_597 = arith.constant 0 : i32
      %dma_start3A_598 = arith.constant 0 : i32
      %dma_start3A_599 = tpu.memref_slice %dma_start3A_596[%dma_start3A_597, %dma_start3A_598] : memref<100x128xf32, #tpu.memory_space<vmem>> -> memref<50x128xf32, #tpu.memory_space<vmem>>
      tpu.enqueue_dma source(%dma_start3A_599 : memref<50x128xf32, #tpu.memory_space<vmem>>) target(%dma_start3A_592 : memref<50x128xf32, #tpu.memory_space<hbm>>) target_semaphore(%arg15 : memref<!tpu.dma_semaphore, #tpu.memory_space<semaphore_mem>>)
      %mul3A_600 = arith.constant 2 : i32
      %mul3A_601 = arith.muli %mul3A_600, %add3A_558 : i32
      %add3A_602 = arith.addi %mul3A_2, %mul3A_601 : i32
      %add3A_603 = arith.constant 1 : i32
      %add3A_604 = arith.addi %add3A_602, %add3A_603 : i32
      %dma_start3A_605 = arith.constant 0 : i32
      %dma_start3A_606 = arith.constant 0 : i32
      %dma_start3A_607 = arith.constant 0 : i32
      %dma_start3A_608 = tpu.memref_slice %arg6[%dma_start3A_605, %dma_start3A_606, %dma_start3A_607] : memref<8x100x128xf32, #tpu.memory_space<vmem>> -> memref<1x100x128xf32, #tpu.memory_space<vmem>>
      %dma_start3A_609 = tpu.memref_squeeze %dma_start3A_608 : memref<1x100x128xf32, #tpu.memory_space<vmem>> -> memref<100x128xf32, #tpu.memory_space<vmem>>
      %dma_start3A_610 = arith.constant 50 : i32
      %dma_start3A_611 = arith.constant 0 : i32
      %dma_start3A_612 = tpu.memref_slice %dma_start3A_609[%dma_start3A_610, %dma_start3A_611] : memref<100x128xf32, #tpu.memory_space<vmem>> -> memref<50x128xf32, #tpu.memory_space<vmem>>
      %dma_start3A_613 = arith.constant 0 : i32
      %dma_start3A_614 = arith.constant 0 : i32
      %dma_start3A_615 = tpu.memref_slice %arg4[%add3A_604, %dma_start3A_613, %dma_start3A_614] : memref<4096x50x128xf32, #tpu.memory_space<hbm>> -> memref<1x50x128xf32, #tpu.memory_space<hbm>>
      %dma_start3A_616 = tpu.memref_squeeze %dma_start3A_615 : memref<1x50x128xf32, #tpu.memory_space<hbm>> -> memref<50x128xf32, #tpu.memory_space<hbm>>
      %dma_start3A_617 = arith.constant 0 : i32
      %dma_start3A_618 = arith.constant 0 : i32
      %dma_start3A_619 = tpu.memref_slice %arg4[%add3A_604, %dma_start3A_617, %dma_start3A_618] : memref<4096x50x128xf32, #tpu.memory_space<hbm>> -> memref<1x50x128xf32, #tpu.memory_space<hbm>>
      %dma_start3A_620 = tpu.memref_squeeze %dma_start3A_619 : memref<1x50x128xf32, #tpu.memory_space<hbm>> -> memref<50x128xf32, #tpu.memory_space<hbm>>
      %dma_start3A_621 = arith.constant 0 : i32
      %dma_start3A_622 = arith.constant 0 : i32
      %dma_start3A_623 = tpu.memref_slice %arg6[%dma_start3A_605, %dma_start3A_621, %dma_start3A_622] : memref<8x100x128xf32, #tpu.memory_space<vmem>> -> memref<1x100x128xf32, #tpu.memory_space<vmem>>
      %dma_start3A_624 = tpu.memref_squeeze %dma_start3A_623 : memref<1x100x128xf32, #tpu.memory_space<vmem>> -> memref<100x128xf32, #tpu.memory_space<vmem>>
      %dma_start3A_625 = arith.constant 50 : i32
      %dma_start3A_626 = arith.constant 0 : i32
      %dma_start3A_627 = tpu.memref_slice %dma_start3A_624[%dma_start3A_625, %dma_start3A_626] : memref<100x128xf32, #tpu.memory_space<vmem>> -> memref<50x128xf32, #tpu.memory_space<vmem>>
      tpu.enqueue_dma source(%dma_start3A_627 : memref<50x128xf32, #tpu.memory_space<vmem>>) target(%dma_start3A_620 : memref<50x128xf32, #tpu.memory_space<hbm>>) target_semaphore(%arg15 : memref<!tpu.dma_semaphore, #tpu.memory_space<semaphore_mem>>)
      %add3A_628 = arith.constant 8 : i32
      %add3A_629 = arith.addi %add3A_558, %add3A_628 : i32
      %lt3A = arith.constant 64 : i32
      %lt3A_630 = arith.cmpi slt, %add3A_629, %lt3A : i32
      %convert_element_type3A = arith.extui %lt3A_630 : i1 to i32
      %cond3A = arith.constant 0 : i32
      %cond3A_631 = arith.cmpi ne, %convert_element_type3A, %cond3A : i32
      scf.if %cond3A_631 {
        %mul3A_1193 = arith.constant 2 : i32
        %mul3A_1194 = arith.muli %mul3A_1193, %add3A_558 : i32
        %add3A_1195 = arith.addi %mul3A_2, %mul3A_1194 : i32
        %add3A_1196 = arith.constant 0 : i32
        %add3A_1197 = arith.addi %add3A_1195, %add3A_1196 : i32
        %dma_wait3A_1198 = arith.constant 0 : i32
        %dma_wait3A_1199 = arith.constant 0 : i32
        %dma_wait3A_1200 = arith.constant 0 : i32
        %dma_wait3A_1201 = tpu.memref_slice %arg6[%dma_wait3A_1198, %dma_wait3A_1199, %dma_wait3A_1200] : memref<8x100x128xf32, #tpu.memory_space<vmem>> -> memref<1x100x128xf32, #tpu.memory_space<vmem>>
        %dma_wait3A_1202 = tpu.memref_squeeze %dma_wait3A_1201 : memref<1x100x128xf32, #tpu.memory_space<vmem>> -> memref<100x128xf32, #tpu.memory_space<vmem>>
        %dma_wait3A_1203 = arith.constant 0 : i32
        %dma_wait3A_1204 = arith.constant 0 : i32
        %dma_wait3A_1205 = tpu.memref_slice %dma_wait3A_1202[%dma_wait3A_1203, %dma_wait3A_1204] : memref<100x128xf32, #tpu.memory_space<vmem>> -> memref<50x128xf32, #tpu.memory_space<vmem>>
        %dma_wait3A_1206 = arith.constant 0 : i32
        %dma_wait3A_1207 = arith.constant 0 : i32
        %dma_wait3A_1208 = tpu.memref_slice %arg4[%add3A_1197, %dma_wait3A_1206, %dma_wait3A_1207] : memref<4096x50x128xf32, #tpu.memory_space<hbm>> -> memref<1x50x128xf32, #tpu.memory_space<hbm>>
        %dma_wait3A_1209 = tpu.memref_squeeze %dma_wait3A_1208 : memref<1x50x128xf32, #tpu.memory_space<hbm>> -> memref<50x128xf32, #tpu.memory_space<hbm>>
        %dma_wait3A_1210 = arith.constant 0 : i32
        %dma_wait3A_1211 = arith.constant 0 : i32
        %dma_wait3A_1212 = tpu.memref_slice %arg4[%add3A_1197, %dma_wait3A_1210, %dma_wait3A_1211] : memref<4096x50x128xf32, #tpu.memory_space<hbm>> -> memref<1x50x128xf32, #tpu.memory_space<hbm>>
        %dma_wait3A_1213 = tpu.memref_squeeze %dma_wait3A_1212 : memref<1x50x128xf32, #tpu.memory_space<hbm>> -> memref<50x128xf32, #tpu.memory_space<hbm>>
        %dma_wait3A_1214 = arith.constant 0 : i32
        %dma_wait3A_1215 = arith.constant 0 : i32
        %dma_wait3A_1216 = tpu.memref_slice %arg6[%dma_wait3A_1198, %dma_wait3A_1214, %dma_wait3A_1215] : memref<8x100x128xf32, #tpu.memory_space<vmem>> -> memref<1x100x128xf32, #tpu.memory_space<vmem>>
        %dma_wait3A_1217 = tpu.memref_squeeze %dma_wait3A_1216 : memref<1x100x128xf32, #tpu.memory_space<vmem>> -> memref<100x128xf32, #tpu.memory_space<vmem>>
        %dma_wait3A_1218 = arith.constant 0 : i32
        %dma_wait3A_1219 = arith.constant 0 : i32
        %dma_wait3A_1220 = tpu.memref_slice %dma_wait3A_1217[%dma_wait3A_1218, %dma_wait3A_1219] : memref<100x128xf32, #tpu.memory_space<vmem>> -> memref<50x128xf32, #tpu.memory_space<vmem>>
        tpu.wait_dma2 semaphore(%arg15 : memref<!tpu.dma_semaphore, #tpu.memory_space<semaphore_mem>>) src(%dma_wait3A_1220 : memref<50x128xf32, #tpu.memory_space<vmem>>) dst(%dma_wait3A_1213 : memref<50x128xf32, #tpu.memory_space<hbm>>)
        %mul3A_1221 = arith.constant 2 : i32
        %mul3A_1222 = arith.muli %mul3A_1221, %add3A_558 : i32
        %add3A_1223 = arith.addi %mul3A_2, %mul3A_1222 : i32
        %add3A_1224 = arith.constant 1 : i32
        %add3A_1225 = arith.addi %add3A_1223, %add3A_1224 : i32
        %dma_wait3A_1226 = arith.constant 0 : i32
        %dma_wait3A_1227 = arith.constant 0 : i32
        %dma_wait3A_1228 = arith.constant 0 : i32
        %dma_wait3A_1229 = tpu.memref_slice %arg6[%dma_wait3A_1226, %dma_wait3A_1227, %dma_wait3A_1228] : memref<8x100x128xf32, #tpu.memory_space<vmem>> -> memref<1x100x128xf32, #tpu.memory_space<vmem>>
        %dma_wait3A_1230 = tpu.memref_squeeze %dma_wait3A_1229 : memref<1x100x128xf32, #tpu.memory_space<vmem>> -> memref<100x128xf32, #tpu.memory_space<vmem>>
        %dma_wait3A_1231 = arith.constant 50 : i32
        %dma_wait3A_1232 = arith.constant 0 : i32
        %dma_wait3A_1233 = tpu.memref_slice %dma_wait3A_1230[%dma_wait3A_1231, %dma_wait3A_1232] : memref<100x128xf32, #tpu.memory_space<vmem>> -> memref<50x128xf32, #tpu.memory_space<vmem>>
        %dma_wait3A_1234 = arith.constant 0 : i32
        %dma_wait3A_1235 = arith.constant 0 : i32
        %dma_wait3A_1236 = tpu.memref_slice %arg4[%add3A_1225, %dma_wait3A_1234, %dma_wait3A_1235] : memref<4096x50x128xf32, #tpu.memory_space<hbm>> -> memref<1x50x128xf32, #tpu.memory_space<hbm>>
        %dma_wait3A_1237 = tpu.memref_squeeze %dma_wait3A_1236 : memref<1x50x128xf32, #tpu.memory_space<hbm>> -> memref<50x128xf32, #tpu.memory_space<hbm>>
        %dma_wait3A_1238 = arith.constant 0 : i32
        %dma_wait3A_1239 = arith.constant 0 : i32
        %dma_wait3A_1240 = tpu.memref_slice %arg4[%add3A_1225, %dma_wait3A_1238, %dma_wait3A_1239] : memref<4096x50x128xf32, #tpu.memory_space<hbm>> -> memref<1x50x128xf32, #tpu.memory_space<hbm>>
        %dma_wait3A_1241 = tpu.memref_squeeze %dma_wait3A_1240 : memref<1x50x128xf32, #tpu.memory_space<hbm>> -> memref<50x128xf32, #tpu.memory_space<hbm>>
        %dma_wait3A_1242 = arith.constant 0 : i32
        %dma_wait3A_1243 = arith.constant 0 : i32
        %dma_wait3A_1244 = tpu.memref_slice %arg6[%dma_wait3A_1226, %dma_wait3A_1242, %dma_wait3A_1243] : memref<8x100x128xf32, #tpu.memory_space<vmem>> -> memref<1x100x128xf32, #tpu.memory_space<vmem>>
        %dma_wait3A_1245 = tpu.memref_squeeze %dma_wait3A_1244 : memref<1x100x128xf32, #tpu.memory_space<vmem>> -> memref<100x128xf32, #tpu.memory_space<vmem>>
        %dma_wait3A_1246 = arith.constant 50 : i32
        %dma_wait3A_1247 = arith.constant 0 : i32
        %dma_wait3A_1248 = tpu.memref_slice %dma_wait3A_1245[%dma_wait3A_1246, %dma_wait3A_1247] : memref<100x128xf32, #tpu.memory_space<vmem>> -> memref<50x128xf32, #tpu.memory_space<vmem>>
        tpu.wait_dma2 semaphore(%arg15 : memref<!tpu.dma_semaphore, #tpu.memory_space<semaphore_mem>>) src(%dma_wait3A_1248 : memref<50x128xf32, #tpu.memory_space<vmem>>) dst(%dma_wait3A_1241 : memref<50x128xf32, #tpu.memory_space<hbm>>)
        %add3A_1249 = arith.constant 8 : i32
        %add3A_1250 = arith.addi %add3A_558, %add3A_1249 : i32
        %dma_start3A_1251 = arith.constant 0 : i32
        %dma_start3A_1252 = arith.constant 0 : i32
        %dma_start3A_1253 = arith.constant 0 : i32
        %dma_start3A_1254 = tpu.memref_slice %arg6[%dma_start3A_1251, %dma_start3A_1252, %dma_start3A_1253] : memref<8x100x128xf32, #tpu.memory_space<vmem>> -> memref<1x100x128xf32, #tpu.memory_space<vmem>>
        %dma_start3A_1255 = tpu.memref_squeeze %dma_start3A_1254 : memref<1x100x128xf32, #tpu.memory_space<vmem>> -> memref<100x128xf32, #tpu.memory_space<vmem>>
        %dma_start3A_1256 = arith.constant 0 : i32
        %dma_start3A_1257 = tpu.memref_slice %arg5[%add3A_1250, %dma_start3A_1256] : memref<64x128xi32, #tpu.memory_space<vmem>> -> memref<1x128xi32, #tpu.memory_space<vmem>>
        %dma_start3A_1258 = tpu.memref_squeeze %dma_start3A_1257 : memref<1x128xi32, #tpu.memory_space<vmem>> -> memref<128xi32, #tpu.memory_space<vmem>>
        %dma_start3A_1259 = arith.constant 0 : i32
        %dma_start3A_1260 = tpu.memref_slice %dma_start3A_1258[%dma_start3A_1259] : memref<128xi32, #tpu.memory_space<vmem>> -> memref<100xi32, #tpu.memory_space<vmem>>
        %dma_start3A_1261 = arith.constant 0 : i32
        %dma_start3A_1262 = arith.constant 0 : i32
        %dma_start3A_1263 = tpu.memref_slice %arg3[%dma_start3A_1261, %dma_start3A_1262] : memref<100000x128xf32, #tpu.memory_space<hbm>> -> memref<100000x128xf32, #tpu.memory_space<hbm>>
        tpu.enqueue_indirect_dma source(%dma_start3A_1263 : memref<100000x128xf32, #tpu.memory_space<hbm>>) target(%dma_start3A_1255 : memref<100x128xf32, #tpu.memory_space<vmem>>) offsets(%dma_start3A_1260 : memref<100xi32, #tpu.memory_space<vmem>>) semaphore(%arg7 : memref<!tpu.dma_semaphore, #tpu.memory_space<semaphore_mem>>)
      } else {
      }
      %mul3A_632 = arith.constant 8 : i32
      %mul3A_633 = arith.muli %scan3A_553, %mul3A_632 : i32
      %add3A_634 = arith.constant 1 : i32
      %add3A_635 = arith.addi %mul3A_633, %add3A_634 : i32
      %dma_wait3A_636 = arith.constant 1 : i32
      %dma_wait3A_637 = arith.constant 0 : i32
      %dma_wait3A_638 = arith.constant 0 : i32
      %dma_wait3A_639 = tpu.memref_slice %arg6[%dma_wait3A_636, %dma_wait3A_637, %dma_wait3A_638] : memref<8x100x128xf32, #tpu.memory_space<vmem>> -> memref<1x100x128xf32, #tpu.memory_space<vmem>>
      %dma_wait3A_640 = tpu.memref_squeeze %dma_wait3A_639 : memref<1x100x128xf32, #tpu.memory_space<vmem>> -> memref<100x128xf32, #tpu.memory_space<vmem>>
      %dma_wait3A_641 = arith.constant 0 : i32
      %dma_wait3A_642 = tpu.memref_slice %arg5[%add3A_635, %dma_wait3A_641] : memref<64x128xi32, #tpu.memory_space<vmem>> -> memref<1x128xi32, #tpu.memory_space<vmem>>
      %dma_wait3A_643 = tpu.memref_squeeze %dma_wait3A_642 : memref<1x128xi32, #tpu.memory_space<vmem>> -> memref<128xi32, #tpu.memory_space<vmem>>
      %dma_wait3A_644 = arith.constant 0 : i32
      %dma_wait3A_645 = tpu.memref_slice %dma_wait3A_643[%dma_wait3A_644] : memref<128xi32, #tpu.memory_space<vmem>> -> memref<100xi32, #tpu.memory_space<vmem>>
      %dma_wait3A_646 = arith.constant 0 : i32
      %dma_wait3A_647 = arith.constant 0 : i32
      %dma_wait3A_648 = tpu.memref_slice %arg3[%dma_wait3A_646, %dma_wait3A_647] : memref<100000x128xf32, #tpu.memory_space<hbm>> -> memref<100000x128xf32, #tpu.memory_space<hbm>>
      tpu.wait_indirect_dma semaphore(%arg8 : memref<!tpu.dma_semaphore, #tpu.memory_space<semaphore_mem>>) src(%dma_wait3A_648 : memref<100000x128xf32, #tpu.memory_space<hbm>>) dst(%dma_wait3A_640 : memref<100x128xf32, #tpu.memory_space<vmem>>)
      %mul3A_649 = arith.constant 2 : i32
      %mul3A_650 = arith.muli %mul3A_649, %add3A_635 : i32
      %add3A_651 = arith.addi %mul3A_2, %mul3A_650 : i32
      %add3A_652 = arith.constant 0 : i32
      %add3A_653 = arith.addi %add3A_651, %add3A_652 : i32
      %dma_start3A_654 = arith.constant 1 : i32
      %dma_start3A_655 = arith.constant 0 : i32
      %dma_start3A_656 = arith.constant 0 : i32
      %dma_start3A_657 = tpu.memref_slice %arg6[%dma_start3A_654, %dma_start3A_655, %dma_start3A_656] : memref<8x100x128xf32, #tpu.memory_space<vmem>> -> memref<1x100x128xf32, #tpu.memory_space<vmem>>
      %dma_start3A_658 = tpu.memref_squeeze %dma_start3A_657 : memref<1x100x128xf32, #tpu.memory_space<vmem>> -> memref<100x128xf32, #tpu.memory_space<vmem>>
      %dma_start3A_659 = arith.constant 0 : i32
      %dma_start3A_660 = arith.constant 0 : i32
      %dma_start3A_661 = tpu.memref_slice %dma_start3A_658[%dma_start3A_659, %dma_start3A_660] : memref<100x128xf32, #tpu.memory_space<vmem>> -> memref<50x128xf32, #tpu.memory_space<vmem>>
      %dma_start3A_662 = arith.constant 0 : i32
      %dma_start3A_663 = arith.constant 0 : i32
      %dma_start3A_664 = tpu.memref_slice %arg4[%add3A_653, %dma_start3A_662, %dma_start3A_663] : memref<4096x50x128xf32, #tpu.memory_space<hbm>> -> memref<1x50x128xf32, #tpu.memory_space<hbm>>
      %dma_start3A_665 = tpu.memref_squeeze %dma_start3A_664 : memref<1x50x128xf32, #tpu.memory_space<hbm>> -> memref<50x128xf32, #tpu.memory_space<hbm>>
      %dma_start3A_666 = arith.constant 0 : i32
      %dma_start3A_667 = arith.constant 0 : i32
      %dma_start3A_668 = tpu.memref_slice %arg4[%add3A_653, %dma_start3A_666, %dma_start3A_667] : memref<4096x50x128xf32, #tpu.memory_space<hbm>> -> memref<1x50x128xf32, #tpu.memory_space<hbm>>
      %dma_start3A_669 = tpu.memref_squeeze %dma_start3A_668 : memref<1x50x128xf32, #tpu.memory_space<hbm>> -> memref<50x128xf32, #tpu.memory_space<hbm>>
      %dma_start3A_670 = arith.constant 0 : i32
      %dma_start3A_671 = arith.constant 0 : i32
      %dma_start3A_672 = tpu.memref_slice %arg6[%dma_start3A_654, %dma_start3A_670, %dma_start3A_671] : memref<8x100x128xf32, #tpu.memory_space<vmem>> -> memref<1x100x128xf32, #tpu.memory_space<vmem>>
      %dma_start3A_673 = tpu.memref_squeeze %dma_start3A_672 : memref<1x100x128xf32, #tpu.memory_space<vmem>> -> memref<100x128xf32, #tpu.memory_space<vmem>>
      %dma_start3A_674 = arith.constant 0 : i32
      %dma_start3A_675 = arith.constant 0 : i32
      %dma_start3A_676 = tpu.memref_slice %dma_start3A_673[%dma_start3A_674, %dma_start3A_675] : memref<100x128xf32, #tpu.memory_space<vmem>> -> memref<50x128xf32, #tpu.memory_space<vmem>>
      tpu.enqueue_dma source(%dma_start3A_676 : memref<50x128xf32, #tpu.memory_space<vmem>>) target(%dma_start3A_669 : memref<50x128xf32, #tpu.memory_space<hbm>>) target_semaphore(%arg16 : memref<!tpu.dma_semaphore, #tpu.memory_space<semaphore_mem>>)
      %mul3A_677 = arith.constant 2 : i32
      %mul3A_678 = arith.muli %mul3A_677, %add3A_635 : i32
      %add3A_679 = arith.addi %mul3A_2, %mul3A_678 : i32
      %add3A_680 = arith.constant 1 : i32
      %add3A_681 = arith.addi %add3A_679, %add3A_680 : i32
      %dma_start3A_682 = arith.constant 1 : i32
      %dma_start3A_683 = arith.constant 0 : i32
      %dma_start3A_684 = arith.constant 0 : i32
      %dma_start3A_685 = tpu.memref_slice %arg6[%dma_start3A_682, %dma_start3A_683, %dma_start3A_684] : memref<8x100x128xf32, #tpu.memory_space<vmem>> -> memref<1x100x128xf32, #tpu.memory_space<vmem>>
      %dma_start3A_686 = tpu.memref_squeeze %dma_start3A_685 : memref<1x100x128xf32, #tpu.memory_space<vmem>> -> memref<100x128xf32, #tpu.memory_space<vmem>>
      %dma_start3A_687 = arith.constant 50 : i32
      %dma_start3A_688 = arith.constant 0 : i32
      %dma_start3A_689 = tpu.memref_slice %dma_start3A_686[%dma_start3A_687, %dma_start3A_688] : memref<100x128xf32, #tpu.memory_space<vmem>> -> memref<50x128xf32, #tpu.memory_space<vmem>>
      %dma_start3A_690 = arith.constant 0 : i32
      %dma_start3A_691 = arith.constant 0 : i32
      %dma_start3A_692 = tpu.memref_slice %arg4[%add3A_681, %dma_start3A_690, %dma_start3A_691] : memref<4096x50x128xf32, #tpu.memory_space<hbm>> -> memref<1x50x128xf32, #tpu.memory_space<hbm>>
      %dma_start3A_693 = tpu.memref_squeeze %dma_start3A_692 : memref<1x50x128xf32, #tpu.memory_space<hbm>> -> memref<50x128xf32, #tpu.memory_space<hbm>>
      %dma_start3A_694 = arith.constant 0 : i32
      %dma_start3A_695 = arith.constant 0 : i32
      %dma_start3A_696 = tpu.memref_slice %arg4[%add3A_681, %dma_start3A_694, %dma_start3A_695] : memref<4096x50x128xf32, #tpu.memory_space<hbm>> -> memref<1x50x128xf32, #tpu.memory_space<hbm>>
      %dma_start3A_697 = tpu.memref_squeeze %dma_start3A_696 : memref<1x50x128xf32, #tpu.memory_space<hbm>> -> memref<50x128xf32, #tpu.memory_space<hbm>>
      %dma_start3A_698 = arith.constant 0 : i32
      %dma_start3A_699 = arith.constant 0 : i32
      %dma_start3A_700 = tpu.memref_slice %arg6[%dma_start3A_682, %dma_start3A_698, %dma_start3A_699] : memref<8x100x128xf32, #tpu.memory_space<vmem>> -> memref<1x100x128xf32, #tpu.memory_space<vmem>>
      %dma_start3A_701 = tpu.memref_squeeze %dma_start3A_700 : memref<1x100x128xf32, #tpu.memory_space<vmem>> -> memref<100x128xf32, #tpu.memory_space<vmem>>
      %dma_start3A_702 = arith.constant 50 : i32
      %dma_start3A_703 = arith.constant 0 : i32
      %dma_start3A_704 = tpu.memref_slice %dma_start3A_701[%dma_start3A_702, %dma_start3A_703] : memref<100x128xf32, #tpu.memory_space<vmem>> -> memref<50x128xf32, #tpu.memory_space<vmem>>
      tpu.enqueue_dma source(%dma_start3A_704 : memref<50x128xf32, #tpu.memory_space<vmem>>) target(%dma_start3A_697 : memref<50x128xf32, #tpu.memory_space<hbm>>) target_semaphore(%arg16 : memref<!tpu.dma_semaphore, #tpu.memory_space<semaphore_mem>>)
      %add3A_705 = arith.constant 8 : i32
      %add3A_706 = arith.addi %add3A_635, %add3A_705 : i32
      %lt3A_707 = arith.constant 64 : i32
      %lt3A_708 = arith.cmpi slt, %add3A_706, %lt3A_707 : i32
      %convert_element_type3A_709 = arith.extui %lt3A_708 : i1 to i32
      %cond3A_710 = arith.constant 0 : i32
      %cond3A_711 = arith.cmpi ne, %convert_element_type3A_709, %cond3A_710 : i32
      scf.if %cond3A_711 {
        %mul3A_1193 = arith.constant 2 : i32
        %mul3A_1194 = arith.muli %mul3A_1193, %add3A_635 : i32
        %add3A_1195 = arith.addi %mul3A_2, %mul3A_1194 : i32
        %add3A_1196 = arith.constant 0 : i32
        %add3A_1197 = arith.addi %add3A_1195, %add3A_1196 : i32
        %dma_wait3A_1198 = arith.constant 1 : i32
        %dma_wait3A_1199 = arith.constant 0 : i32
        %dma_wait3A_1200 = arith.constant 0 : i32
        %dma_wait3A_1201 = tpu.memref_slice %arg6[%dma_wait3A_1198, %dma_wait3A_1199, %dma_wait3A_1200] : memref<8x100x128xf32, #tpu.memory_space<vmem>> -> memref<1x100x128xf32, #tpu.memory_space<vmem>>
        %dma_wait3A_1202 = tpu.memref_squeeze %dma_wait3A_1201 : memref<1x100x128xf32, #tpu.memory_space<vmem>> -> memref<100x128xf32, #tpu.memory_space<vmem>>
        %dma_wait3A_1203 = arith.constant 0 : i32
        %dma_wait3A_1204 = arith.constant 0 : i32
        %dma_wait3A_1205 = tpu.memref_slice %dma_wait3A_1202[%dma_wait3A_1203, %dma_wait3A_1204] : memref<100x128xf32, #tpu.memory_space<vmem>> -> memref<50x128xf32, #tpu.memory_space<vmem>>
        %dma_wait3A_1206 = arith.constant 0 : i32
        %dma_wait3A_1207 = arith.constant 0 : i32
        %dma_wait3A_1208 = tpu.memref_slice %arg4[%add3A_1197, %dma_wait3A_1206, %dma_wait3A_1207] : memref<4096x50x128xf32, #tpu.memory_space<hbm>> -> memref<1x50x128xf32, #tpu.memory_space<hbm>>
        %dma_wait3A_1209 = tpu.memref_squeeze %dma_wait3A_1208 : memref<1x50x128xf32, #tpu.memory_space<hbm>> -> memref<50x128xf32, #tpu.memory_space<hbm>>
        %dma_wait3A_1210 = arith.constant 0 : i32
        %dma_wait3A_1211 = arith.constant 0 : i32
        %dma_wait3A_1212 = tpu.memref_slice %arg4[%add3A_1197, %dma_wait3A_1210, %dma_wait3A_1211] : memref<4096x50x128xf32, #tpu.memory_space<hbm>> -> memref<1x50x128xf32, #tpu.memory_space<hbm>>
        %dma_wait3A_1213 = tpu.memref_squeeze %dma_wait3A_1212 : memref<1x50x128xf32, #tpu.memory_space<hbm>> -> memref<50x128xf32, #tpu.memory_space<hbm>>
        %dma_wait3A_1214 = arith.constant 0 : i32
        %dma_wait3A_1215 = arith.constant 0 : i32
        %dma_wait3A_1216 = tpu.memref_slice %arg6[%dma_wait3A_1198, %dma_wait3A_1214, %dma_wait3A_1215] : memref<8x100x128xf32, #tpu.memory_space<vmem>> -> memref<1x100x128xf32, #tpu.memory_space<vmem>>
        %dma_wait3A_1217 = tpu.memref_squeeze %dma_wait3A_1216 : memref<1x100x128xf32, #tpu.memory_space<vmem>> -> memref<100x128xf32, #tpu.memory_space<vmem>>
        %dma_wait3A_1218 = arith.constant 0 : i32
        %dma_wait3A_1219 = arith.constant 0 : i32
        %dma_wait3A_1220 = tpu.memref_slice %dma_wait3A_1217[%dma_wait3A_1218, %dma_wait3A_1219] : memref<100x128xf32, #tpu.memory_space<vmem>> -> memref<50x128xf32, #tpu.memory_space<vmem>>
        tpu.wait_dma2 semaphore(%arg16 : memref<!tpu.dma_semaphore, #tpu.memory_space<semaphore_mem>>) src(%dma_wait3A_1220 : memref<50x128xf32, #tpu.memory_space<vmem>>) dst(%dma_wait3A_1213 : memref<50x128xf32, #tpu.memory_space<hbm>>)
        %mul3A_1221 = arith.constant 2 : i32
        %mul3A_1222 = arith.muli %mul3A_1221, %add3A_635 : i32
        %add3A_1223 = arith.addi %mul3A_2, %mul3A_1222 : i32
        %add3A_1224 = arith.constant 1 : i32
        %add3A_1225 = arith.addi %add3A_1223, %add3A_1224 : i32
        %dma_wait3A_1226 = arith.constant 1 : i32
        %dma_wait3A_1227 = arith.constant 0 : i32
        %dma_wait3A_1228 = arith.constant 0 : i32
        %dma_wait3A_1229 = tpu.memref_slice %arg6[%dma_wait3A_1226, %dma_wait3A_1227, %dma_wait3A_1228] : memref<8x100x128xf32, #tpu.memory_space<vmem>> -> memref<1x100x128xf32, #tpu.memory_space<vmem>>
        %dma_wait3A_1230 = tpu.memref_squeeze %dma_wait3A_1229 : memref<1x100x128xf32, #tpu.memory_space<vmem>> -> memref<100x128xf32, #tpu.memory_space<vmem>>
        %dma_wait3A_1231 = arith.constant 50 : i32
        %dma_wait3A_1232 = arith.constant 0 : i32
        %dma_wait3A_1233 = tpu.memref_slice %dma_wait3A_1230[%dma_wait3A_1231, %dma_wait3A_1232] : memref<100x128xf32, #tpu.memory_space<vmem>> -> memref<50x128xf32, #tpu.memory_space<vmem>>
        %dma_wait3A_1234 = arith.constant 0 : i32
        %dma_wait3A_1235 = arith.constant 0 : i32
        %dma_wait3A_1236 = tpu.memref_slice %arg4[%add3A_1225, %dma_wait3A_1234, %dma_wait3A_1235] : memref<4096x50x128xf32, #tpu.memory_space<hbm>> -> memref<1x50x128xf32, #tpu.memory_space<hbm>>
        %dma_wait3A_1237 = tpu.memref_squeeze %dma_wait3A_1236 : memref<1x50x128xf32, #tpu.memory_space<hbm>> -> memref<50x128xf32, #tpu.memory_space<hbm>>
        %dma_wait3A_1238 = arith.constant 0 : i32
        %dma_wait3A_1239 = arith.constant 0 : i32
        %dma_wait3A_1240 = tpu.memref_slice %arg4[%add3A_1225, %dma_wait3A_1238, %dma_wait3A_1239] : memref<4096x50x128xf32, #tpu.memory_space<hbm>> -> memref<1x50x128xf32, #tpu.memory_space<hbm>>
        %dma_wait3A_1241 = tpu.memref_squeeze %dma_wait3A_1240 : memref<1x50x128xf32, #tpu.memory_space<hbm>> -> memref<50x128xf32, #tpu.memory_space<hbm>>
        %dma_wait3A_1242 = arith.constant 0 : i32
        %dma_wait3A_1243 = arith.constant 0 : i32
        %dma_wait3A_1244 = tpu.memref_slice %arg6[%dma_wait3A_1226, %dma_wait3A_1242, %dma_wait3A_1243] : memref<8x100x128xf32, #tpu.memory_space<vmem>> -> memref<1x100x128xf32, #tpu.memory_space<vmem>>
        %dma_wait3A_1245 = tpu.memref_squeeze %dma_wait3A_1244 : memref<1x100x128xf32, #tpu.memory_space<vmem>> -> memref<100x128xf32, #tpu.memory_space<vmem>>
        %dma_wait3A_1246 = arith.constant 50 : i32
        %dma_wait3A_1247 = arith.constant 0 : i32
        %dma_wait3A_1248 = tpu.memref_slice %dma_wait3A_1245[%dma_wait3A_1246, %dma_wait3A_1247] : memref<100x128xf32, #tpu.memory_space<vmem>> -> memref<50x128xf32, #tpu.memory_space<vmem>>
        tpu.wait_dma2 semaphore(%arg16 : memref<!tpu.dma_semaphore, #tpu.memory_space<semaphore_mem>>) src(%dma_wait3A_1248 : memref<50x128xf32, #tpu.memory_space<vmem>>) dst(%dma_wait3A_1241 : memref<50x128xf32, #tpu.memory_space<hbm>>)
        %add3A_1249 = arith.constant 8 : i32
        %add3A_1250 = arith.addi %add3A_635, %add3A_1249 : i32
        %dma_start3A_1251 = arith.constant 1 : i32
        %dma_start3A_1252 = arith.constant 0 : i32
        %dma_start3A_1253 = arith.constant 0 : i32
        %dma_start3A_1254 = tpu.memref_slice %arg6[%dma_start3A_1251, %dma_start3A_1252, %dma_start3A_1253] : memref<8x100x128xf32, #tpu.memory_space<vmem>> -> memref<1x100x128xf32, #tpu.memory_space<vmem>>
        %dma_start3A_1255 = tpu.memref_squeeze %dma_start3A_1254 : memref<1x100x128xf32, #tpu.memory_space<vmem>> -> memref<100x128xf32, #tpu.memory_space<vmem>>
        %dma_start3A_1256 = arith.constant 0 : i32
        %dma_start3A_1257 = tpu.memref_slice %arg5[%add3A_1250, %dma_start3A_1256] : memref<64x128xi32, #tpu.memory_space<vmem>> -> memref<1x128xi32, #tpu.memory_space<vmem>>
        %dma_start3A_1258 = tpu.memref_squeeze %dma_start3A_1257 : memref<1x128xi32, #tpu.memory_space<vmem>> -> memref<128xi32, #tpu.memory_space<vmem>>
        %dma_start3A_1259 = arith.constant 0 : i32
        %dma_start3A_1260 = tpu.memref_slice %dma_start3A_1258[%dma_start3A_1259] : memref<128xi32, #tpu.memory_space<vmem>> -> memref<100xi32, #tpu.memory_space<vmem>>
        %dma_start3A_1261 = arith.constant 0 : i32
        %dma_start3A_1262 = arith.constant 0 : i32
        %dma_start3A_1263 = tpu.memref_slice %arg3[%dma_start3A_1261, %dma_start3A_1262] : memref<100000x128xf32, #tpu.memory_space<hbm>> -> memref<100000x128xf32, #tpu.memory_space<hbm>>
        tpu.enqueue_indirect_dma source(%dma_start3A_1263 : memref<100000x128xf32, #tpu.memory_space<hbm>>) target(%dma_start3A_1255 : memref<100x128xf32, #tpu.memory_space<vmem>>) offsets(%dma_start3A_1260 : memref<100xi32, #tpu.memory_space<vmem>>) semaphore(%arg8 : memref<!tpu.dma_semaphore, #tpu.memory_space<semaphore_mem>>)
      } else {
      }
      %mul3A_712 = arith.constant 8 : i32
      %mul3A_713 = arith.muli %scan3A_553, %mul3A_712 : i32
      %add3A_714 = arith.constant 2 : i32
      %add3A_715 = arith.addi %mul3A_713, %add3A_714 : i32
      %dma_wait3A_716 = arith.constant 2 : i32
      %dma_wait3A_717 = arith.constant 0 : i32
      %dma_wait3A_718 = arith.constant 0 : i32
      %dma_wait3A_719 = tpu.memref_slice %arg6[%dma_wait3A_716, %dma_wait3A_717, %dma_wait3A_718] : memref<8x100x128xf32, #tpu.memory_space<vmem>> -> memref<1x100x128xf32, #tpu.memory_space<vmem>>
      %dma_wait3A_720 = tpu.memref_squeeze %dma_wait3A_719 : memref<1x100x128xf32, #tpu.memory_space<vmem>> -> memref<100x128xf32, #tpu.memory_space<vmem>>
      %dma_wait3A_721 = arith.constant 0 : i32
      %dma_wait3A_722 = tpu.memref_slice %arg5[%add3A_715, %dma_wait3A_721] : memref<64x128xi32, #tpu.memory_space<vmem>> -> memref<1x128xi32, #tpu.memory_space<vmem>>
      %dma_wait3A_723 = tpu.memref_squeeze %dma_wait3A_722 : memref<1x128xi32, #tpu.memory_space<vmem>> -> memref<128xi32, #tpu.memory_space<vmem>>
      %dma_wait3A_724 = arith.constant 0 : i32
      %dma_wait3A_725 = tpu.memref_slice %dma_wait3A_723[%dma_wait3A_724] : memref<128xi32, #tpu.memory_space<vmem>> -> memref<100xi32, #tpu.memory_space<vmem>>
      %dma_wait3A_726 = arith.constant 0 : i32
      %dma_wait3A_727 = arith.constant 0 : i32
      %dma_wait3A_728 = tpu.memref_slice %arg3[%dma_wait3A_726, %dma_wait3A_727] : memref<100000x128xf32, #tpu.memory_space<hbm>> -> memref<100000x128xf32, #tpu.memory_space<hbm>>
      tpu.wait_indirect_dma semaphore(%arg9 : memref<!tpu.dma_semaphore, #tpu.memory_space<semaphore_mem>>) src(%dma_wait3A_728 : memref<100000x128xf32, #tpu.memory_space<hbm>>) dst(%dma_wait3A_720 : memref<100x128xf32, #tpu.memory_space<vmem>>)
      %mul3A_729 = arith.constant 2 : i32
      %mul3A_730 = arith.muli %mul3A_729, %add3A_715 : i32
      %add3A_731 = arith.addi %mul3A_2, %mul3A_730 : i32
      %add3A_732 = arith.constant 0 : i32
      %add3A_733 = arith.addi %add3A_731, %add3A_732 : i32
      %dma_start3A_734 = arith.constant 2 : i32
      %dma_start3A_735 = arith.constant 0 : i32
      %dma_start3A_736 = arith.constant 0 : i32
      %dma_start3A_737 = tpu.memref_slice %arg6[%dma_start3A_734, %dma_start3A_735, %dma_start3A_736] : memref<8x100x128xf32, #tpu.memory_space<vmem>> -> memref<1x100x128xf32, #tpu.memory_space<vmem>>
      %dma_start3A_738 = tpu.memref_squeeze %dma_start3A_737 : memref<1x100x128xf32, #tpu.memory_space<vmem>> -> memref<100x128xf32, #tpu.memory_space<vmem>>
      %dma_start3A_739 = arith.constant 0 : i32
      %dma_start3A_740 = arith.constant 0 : i32
      %dma_start3A_741 = tpu.memref_slice %dma_start3A_738[%dma_start3A_739, %dma_start3A_740] : memref<100x128xf32, #tpu.memory_space<vmem>> -> memref<50x128xf32, #tpu.memory_space<vmem>>
      %dma_start3A_742 = arith.constant 0 : i32
      %dma_start3A_743 = arith.constant 0 : i32
      %dma_start3A_744 = tpu.memref_slice %arg4[%add3A_733, %dma_start3A_742, %dma_start3A_743] : memref<4096x50x128xf32, #tpu.memory_space<hbm>> -> memref<1x50x128xf32, #tpu.memory_space<hbm>>
      %dma_start3A_745 = tpu.memref_squeeze %dma_start3A_744 : memref<1x50x128xf32, #tpu.memory_space<hbm>> -> memref<50x128xf32, #tpu.memory_space<hbm>>
      %dma_start3A_746 = arith.constant 0 : i32
      %dma_start3A_747 = arith.constant 0 : i32
      %dma_start3A_748 = tpu.memref_slice %arg4[%add3A_733, %dma_start3A_746, %dma_start3A_747] : memref<4096x50x128xf32, #tpu.memory_space<hbm>> -> memref<1x50x128xf32, #tpu.memory_space<hbm>>
      %dma_start3A_749 = tpu.memref_squeeze %dma_start3A_748 : memref<1x50x128xf32, #tpu.memory_space<hbm>> -> memref<50x128xf32, #tpu.memory_space<hbm>>
      %dma_start3A_750 = arith.constant 0 : i32
      %dma_start3A_751 = arith.constant 0 : i32
      %dma_start3A_752 = tpu.memref_slice %arg6[%dma_start3A_734, %dma_start3A_750, %dma_start3A_751] : memref<8x100x128xf32, #tpu.memory_space<vmem>> -> memref<1x100x128xf32, #tpu.memory_space<vmem>>
      %dma_start3A_753 = tpu.memref_squeeze %dma_start3A_752 : memref<1x100x128xf32, #tpu.memory_space<vmem>> -> memref<100x128xf32, #tpu.memory_space<vmem>>
      %dma_start3A_754 = arith.constant 0 : i32
      %dma_start3A_755 = arith.constant 0 : i32
      %dma_start3A_756 = tpu.memref_slice %dma_start3A_753[%dma_start3A_754, %dma_start3A_755] : memref<100x128xf32, #tpu.memory_space<vmem>> -> memref<50x128xf32, #tpu.memory_space<vmem>>
      tpu.enqueue_dma source(%dma_start3A_756 : memref<50x128xf32, #tpu.memory_space<vmem>>) target(%dma_start3A_749 : memref<50x128xf32, #tpu.memory_space<hbm>>) target_semaphore(%arg17 : memref<!tpu.dma_semaphore, #tpu.memory_space<semaphore_mem>>)
      %mul3A_757 = arith.constant 2 : i32
      %mul3A_758 = arith.muli %mul3A_757, %add3A_715 : i32
      %add3A_759 = arith.addi %mul3A_2, %mul3A_758 : i32
      %add3A_760 = arith.constant 1 : i32
      %add3A_761 = arith.addi %add3A_759, %add3A_760 : i32
      %dma_start3A_762 = arith.constant 2 : i32
      %dma_start3A_763 = arith.constant 0 : i32
      %dma_start3A_764 = arith.constant 0 : i32
      %dma_start3A_765 = tpu.memref_slice %arg6[%dma_start3A_762, %dma_start3A_763, %dma_start3A_764] : memref<8x100x128xf32, #tpu.memory_space<vmem>> -> memref<1x100x128xf32, #tpu.memory_space<vmem>>
      %dma_start3A_766 = tpu.memref_squeeze %dma_start3A_765 : memref<1x100x128xf32, #tpu.memory_space<vmem>> -> memref<100x128xf32, #tpu.memory_space<vmem>>
      %dma_start3A_767 = arith.constant 50 : i32
      %dma_start3A_768 = arith.constant 0 : i32
      %dma_start3A_769 = tpu.memref_slice %dma_start3A_766[%dma_start3A_767, %dma_start3A_768] : memref<100x128xf32, #tpu.memory_space<vmem>> -> memref<50x128xf32, #tpu.memory_space<vmem>>
      %dma_start3A_770 = arith.constant 0 : i32
      %dma_start3A_771 = arith.constant 0 : i32
      %dma_start3A_772 = tpu.memref_slice %arg4[%add3A_761, %dma_start3A_770, %dma_start3A_771] : memref<4096x50x128xf32, #tpu.memory_space<hbm>> -> memref<1x50x128xf32, #tpu.memory_space<hbm>>
      %dma_start3A_773 = tpu.memref_squeeze %dma_start3A_772 : memref<1x50x128xf32, #tpu.memory_space<hbm>> -> memref<50x128xf32, #tpu.memory_space<hbm>>
      %dma_start3A_774 = arith.constant 0 : i32
      %dma_start3A_775 = arith.constant 0 : i32
      %dma_start3A_776 = tpu.memref_slice %arg4[%add3A_761, %dma_start3A_774, %dma_start3A_775] : memref<4096x50x128xf32, #tpu.memory_space<hbm>> -> memref<1x50x128xf32, #tpu.memory_space<hbm>>
      %dma_start3A_777 = tpu.memref_squeeze %dma_start3A_776 : memref<1x50x128xf32, #tpu.memory_space<hbm>> -> memref<50x128xf32, #tpu.memory_space<hbm>>
      %dma_start3A_778 = arith.constant 0 : i32
      %dma_start3A_779 = arith.constant 0 : i32
      %dma_start3A_780 = tpu.memref_slice %arg6[%dma_start3A_762, %dma_start3A_778, %dma_start3A_779] : memref<8x100x128xf32, #tpu.memory_space<vmem>> -> memref<1x100x128xf32, #tpu.memory_space<vmem>>
      %dma_start3A_781 = tpu.memref_squeeze %dma_start3A_780 : memref<1x100x128xf32, #tpu.memory_space<vmem>> -> memref<100x128xf32, #tpu.memory_space<vmem>>
      %dma_start3A_782 = arith.constant 50 : i32
      %dma_start3A_783 = arith.constant 0 : i32
      %dma_start3A_784 = tpu.memref_slice %dma_start3A_781[%dma_start3A_782, %dma_start3A_783] : memref<100x128xf32, #tpu.memory_space<vmem>> -> memref<50x128xf32, #tpu.memory_space<vmem>>
      tpu.enqueue_dma source(%dma_start3A_784 : memref<50x128xf32, #tpu.memory_space<vmem>>) target(%dma_start3A_777 : memref<50x128xf32, #tpu.memory_space<hbm>>) target_semaphore(%arg17 : memref<!tpu.dma_semaphore, #tpu.memory_space<semaphore_mem>>)
      %add3A_785 = arith.constant 8 : i32
      %add3A_786 = arith.addi %add3A_715, %add3A_785 : i32
      %lt3A_787 = arith.constant 64 : i32
      %lt3A_788 = arith.cmpi slt, %add3A_786, %lt3A_787 : i32
      %convert_element_type3A_789 = arith.extui %lt3A_788 : i1 to i32
      %cond3A_790 = arith.constant 0 : i32
      %cond3A_791 = arith.cmpi ne, %convert_element_type3A_789, %cond3A_790 : i32
      scf.if %cond3A_791 {
        %mul3A_1193 = arith.constant 2 : i32
        %mul3A_1194 = arith.muli %mul3A_1193, %add3A_715 : i32
        %add3A_1195 = arith.addi %mul3A_2, %mul3A_1194 : i32
        %add3A_1196 = arith.constant 0 : i32
        %add3A_1197 = arith.addi %add3A_1195, %add3A_1196 : i32
        %dma_wait3A_1198 = arith.constant 2 : i32
        %dma_wait3A_1199 = arith.constant 0 : i32
        %dma_wait3A_1200 = arith.constant 0 : i32
        %dma_wait3A_1201 = tpu.memref_slice %arg6[%dma_wait3A_1198, %dma_wait3A_1199, %dma_wait3A_1200] : memref<8x100x128xf32, #tpu.memory_space<vmem>> -> memref<1x100x128xf32, #tpu.memory_space<vmem>>
        %dma_wait3A_1202 = tpu.memref_squeeze %dma_wait3A_1201 : memref<1x100x128xf32, #tpu.memory_space<vmem>> -> memref<100x128xf32, #tpu.memory_space<vmem>>
        %dma_wait3A_1203 = arith.constant 0 : i32
        %dma_wait3A_1204 = arith.constant 0 : i32
        %dma_wait3A_1205 = tpu.memref_slice %dma_wait3A_1202[%dma_wait3A_1203, %dma_wait3A_1204] : memref<100x128xf32, #tpu.memory_space<vmem>> -> memref<50x128xf32, #tpu.memory_space<vmem>>
        %dma_wait3A_1206 = arith.constant 0 : i32
        %dma_wait3A_1207 = arith.constant 0 : i32
        %dma_wait3A_1208 = tpu.memref_slice %arg4[%add3A_1197, %dma_wait3A_1206, %dma_wait3A_1207] : memref<4096x50x128xf32, #tpu.memory_space<hbm>> -> memref<1x50x128xf32, #tpu.memory_space<hbm>>
        %dma_wait3A_1209 = tpu.memref_squeeze %dma_wait3A_1208 : memref<1x50x128xf32, #tpu.memory_space<hbm>> -> memref<50x128xf32, #tpu.memory_space<hbm>>
        %dma_wait3A_1210 = arith.constant 0 : i32
        %dma_wait3A_1211 = arith.constant 0 : i32
        %dma_wait3A_1212 = tpu.memref_slice %arg4[%add3A_1197, %dma_wait3A_1210, %dma_wait3A_1211] : memref<4096x50x128xf32, #tpu.memory_space<hbm>> -> memref<1x50x128xf32, #tpu.memory_space<hbm>>
        %dma_wait3A_1213 = tpu.memref_squeeze %dma_wait3A_1212 : memref<1x50x128xf32, #tpu.memory_space<hbm>> -> memref<50x128xf32, #tpu.memory_space<hbm>>
        %dma_wait3A_1214 = arith.constant 0 : i32
        %dma_wait3A_1215 = arith.constant 0 : i32
        %dma_wait3A_1216 = tpu.memref_slice %arg6[%dma_wait3A_1198, %dma_wait3A_1214, %dma_wait3A_1215] : memref<8x100x128xf32, #tpu.memory_space<vmem>> -> memref<1x100x128xf32, #tpu.memory_space<vmem>>
        %dma_wait3A_1217 = tpu.memref_squeeze %dma_wait3A_1216 : memref<1x100x128xf32, #tpu.memory_space<vmem>> -> memref<100x128xf32, #tpu.memory_space<vmem>>
        %dma_wait3A_1218 = arith.constant 0 : i32
        %dma_wait3A_1219 = arith.constant 0 : i32
        %dma_wait3A_1220 = tpu.memref_slice %dma_wait3A_1217[%dma_wait3A_1218, %dma_wait3A_1219] : memref<100x128xf32, #tpu.memory_space<vmem>> -> memref<50x128xf32, #tpu.memory_space<vmem>>
        tpu.wait_dma2 semaphore(%arg17 : memref<!tpu.dma_semaphore, #tpu.memory_space<semaphore_mem>>) src(%dma_wait3A_1220 : memref<50x128xf32, #tpu.memory_space<vmem>>) dst(%dma_wait3A_1213 : memref<50x128xf32, #tpu.memory_space<hbm>>)
        %mul3A_1221 = arith.constant 2 : i32
        %mul3A_1222 = arith.muli %mul3A_1221, %add3A_715 : i32
        %add3A_1223 = arith.addi %mul3A_2, %mul3A_1222 : i32
        %add3A_1224 = arith.constant 1 : i32
        %add3A_1225 = arith.addi %add3A_1223, %add3A_1224 : i32
        %dma_wait3A_1226 = arith.constant 2 : i32
        %dma_wait3A_1227 = arith.constant 0 : i32
        %dma_wait3A_1228 = arith.constant 0 : i32
        %dma_wait3A_1229 = tpu.memref_slice %arg6[%dma_wait3A_1226, %dma_wait3A_1227, %dma_wait3A_1228] : memref<8x100x128xf32, #tpu.memory_space<vmem>> -> memref<1x100x128xf32, #tpu.memory_space<vmem>>
        %dma_wait3A_1230 = tpu.memref_squeeze %dma_wait3A_1229 : memref<1x100x128xf32, #tpu.memory_space<vmem>> -> memref<100x128xf32, #tpu.memory_space<vmem>>
        %dma_wait3A_1231 = arith.constant 50 : i32
        %dma_wait3A_1232 = arith.constant 0 : i32
        %dma_wait3A_1233 = tpu.memref_slice %dma_wait3A_1230[%dma_wait3A_1231, %dma_wait3A_1232] : memref<100x128xf32, #tpu.memory_space<vmem>> -> memref<50x128xf32, #tpu.memory_space<vmem>>
        %dma_wait3A_1234 = arith.constant 0 : i32
        %dma_wait3A_1235 = arith.constant 0 : i32
        %dma_wait3A_1236 = tpu.memref_slice %arg4[%add3A_1225, %dma_wait3A_1234, %dma_wait3A_1235] : memref<4096x50x128xf32, #tpu.memory_space<hbm>> -> memref<1x50x128xf32, #tpu.memory_space<hbm>>
        %dma_wait3A_1237 = tpu.memref_squeeze %dma_wait3A_1236 : memref<1x50x128xf32, #tpu.memory_space<hbm>> -> memref<50x128xf32, #tpu.memory_space<hbm>>
        %dma_wait3A_1238 = arith.constant 0 : i32
        %dma_wait3A_1239 = arith.constant 0 : i32
        %dma_wait3A_1240 = tpu.memref_slice %arg4[%add3A_1225, %dma_wait3A_1238, %dma_wait3A_1239] : memref<4096x50x128xf32, #tpu.memory_space<hbm>> -> memref<1x50x128xf32, #tpu.memory_space<hbm>>
        %dma_wait3A_1241 = tpu.memref_squeeze %dma_wait3A_1240 : memref<1x50x128xf32, #tpu.memory_space<hbm>> -> memref<50x128xf32, #tpu.memory_space<hbm>>
        %dma_wait3A_1242 = arith.constant 0 : i32
        %dma_wait3A_1243 = arith.constant 0 : i32
        %dma_wait3A_1244 = tpu.memref_slice %arg6[%dma_wait3A_1226, %dma_wait3A_1242, %dma_wait3A_1243] : memref<8x100x128xf32, #tpu.memory_space<vmem>> -> memref<1x100x128xf32, #tpu.memory_space<vmem>>
        %dma_wait3A_1245 = tpu.memref_squeeze %dma_wait3A_1244 : memref<1x100x128xf32, #tpu.memory_space<vmem>> -> memref<100x128xf32, #tpu.memory_space<vmem>>
        %dma_wait3A_1246 = arith.constant 50 : i32
        %dma_wait3A_1247 = arith.constant 0 : i32
        %dma_wait3A_1248 = tpu.memref_slice %dma_wait3A_1245[%dma_wait3A_1246, %dma_wait3A_1247] : memref<100x128xf32, #tpu.memory_space<vmem>> -> memref<50x128xf32, #tpu.memory_space<vmem>>
        tpu.wait_dma2 semaphore(%arg17 : memref<!tpu.dma_semaphore, #tpu.memory_space<semaphore_mem>>) src(%dma_wait3A_1248 : memref<50x128xf32, #tpu.memory_space<vmem>>) dst(%dma_wait3A_1241 : memref<50x128xf32, #tpu.memory_space<hbm>>)
        %add3A_1249 = arith.constant 8 : i32
        %add3A_1250 = arith.addi %add3A_715, %add3A_1249 : i32
        %dma_start3A_1251 = arith.constant 2 : i32
        %dma_start3A_1252 = arith.constant 0 : i32
        %dma_start3A_1253 = arith.constant 0 : i32
        %dma_start3A_1254 = tpu.memref_slice %arg6[%dma_start3A_1251, %dma_start3A_1252, %dma_start3A_1253] : memref<8x100x128xf32, #tpu.memory_space<vmem>> -> memref<1x100x128xf32, #tpu.memory_space<vmem>>
        %dma_start3A_1255 = tpu.memref_squeeze %dma_start3A_1254 : memref<1x100x128xf32, #tpu.memory_space<vmem>> -> memref<100x128xf32, #tpu.memory_space<vmem>>
        %dma_start3A_1256 = arith.constant 0 : i32
        %dma_start3A_1257 = tpu.memref_slice %arg5[%add3A_1250, %dma_start3A_1256] : memref<64x128xi32, #tpu.memory_space<vmem>> -> memref<1x128xi32, #tpu.memory_space<vmem>>
        %dma_start3A_1258 = tpu.memref_squeeze %dma_start3A_1257 : memref<1x128xi32, #tpu.memory_space<vmem>> -> memref<128xi32, #tpu.memory_space<vmem>>
        %dma_start3A_1259 = arith.constant 0 : i32
        %dma_start3A_1260 = tpu.memref_slice %dma_start3A_1258[%dma_start3A_1259] : memref<128xi32, #tpu.memory_space<vmem>> -> memref<100xi32, #tpu.memory_space<vmem>>
        %dma_start3A_1261 = arith.constant 0 : i32
        %dma_start3A_1262 = arith.constant 0 : i32
        %dma_start3A_1263 = tpu.memref_slice %arg3[%dma_start3A_1261, %dma_start3A_1262] : memref<100000x128xf32, #tpu.memory_space<hbm>> -> memref<100000x128xf32, #tpu.memory_space<hbm>>
        tpu.enqueue_indirect_dma source(%dma_start3A_1263 : memref<100000x128xf32, #tpu.memory_space<hbm>>) target(%dma_start3A_1255 : memref<100x128xf32, #tpu.memory_space<vmem>>) offsets(%dma_start3A_1260 : memref<100xi32, #tpu.memory_space<vmem>>) semaphore(%arg9 : memref<!tpu.dma_semaphore, #tpu.memory_space<semaphore_mem>>)
      } else {
      }
      %mul3A_792 = arith.constant 8 : i32
      %mul3A_793 = arith.muli %scan3A_553, %mul3A_792 : i32
      %add3A_794 = arith.constant 3 : i32
      %add3A_795 = arith.addi %mul3A_793, %add3A_794 : i32
      %dma_wait3A_796 = arith.constant 3 : i32
      %dma_wait3A_797 = arith.constant 0 : i32
      %dma_wait3A_798 = arith.constant 0 : i32
      %dma_wait3A_799 = tpu.memref_slice %arg6[%dma_wait3A_796, %dma_wait3A_797, %dma_wait3A_798] : memref<8x100x128xf32, #tpu.memory_space<vmem>> -> memref<1x100x128xf32, #tpu.memory_space<vmem>>
      %dma_wait3A_800 = tpu.memref_squeeze %dma_wait3A_799 : memref<1x100x128xf32, #tpu.memory_space<vmem>> -> memref<100x128xf32, #tpu.memory_space<vmem>>
      %dma_wait3A_801 = arith.constant 0 : i32
      %dma_wait3A_802 = tpu.memref_slice %arg5[%add3A_795, %dma_wait3A_801] : memref<64x128xi32, #tpu.memory_space<vmem>> -> memref<1x128xi32, #tpu.memory_space<vmem>>
      %dma_wait3A_803 = tpu.memref_squeeze %dma_wait3A_802 : memref<1x128xi32, #tpu.memory_space<vmem>> -> memref<128xi32, #tpu.memory_space<vmem>>
      %dma_wait3A_804 = arith.constant 0 : i32
      %dma_wait3A_805 = tpu.memref_slice %dma_wait3A_803[%dma_wait3A_804] : memref<128xi32, #tpu.memory_space<vmem>> -> memref<100xi32, #tpu.memory_space<vmem>>
      %dma_wait3A_806 = arith.constant 0 : i32
      %dma_wait3A_807 = arith.constant 0 : i32
      %dma_wait3A_808 = tpu.memref_slice %arg3[%dma_wait3A_806, %dma_wait3A_807] : memref<100000x128xf32, #tpu.memory_space<hbm>> -> memref<100000x128xf32, #tpu.memory_space<hbm>>
      tpu.wait_indirect_dma semaphore(%arg10 : memref<!tpu.dma_semaphore, #tpu.memory_space<semaphore_mem>>) src(%dma_wait3A_808 : memref<100000x128xf32, #tpu.memory_space<hbm>>) dst(%dma_wait3A_800 : memref<100x128xf32, #tpu.memory_space<vmem>>)
      %mul3A_809 = arith.constant 2 : i32
      %mul3A_810 = arith.muli %mul3A_809, %add3A_795 : i32
      %add3A_811 = arith.addi %mul3A_2, %mul3A_810 : i32
      %add3A_812 = arith.constant 0 : i32
      %add3A_813 = arith.addi %add3A_811, %add3A_812 : i32
      %dma_start3A_814 = arith.constant 3 : i32
      %dma_start3A_815 = arith.constant 0 : i32
      %dma_start3A_816 = arith.constant 0 : i32
      %dma_start3A_817 = tpu.memref_slice %arg6[%dma_start3A_814, %dma_start3A_815, %dma_start3A_816] : memref<8x100x128xf32, #tpu.memory_space<vmem>> -> memref<1x100x128xf32, #tpu.memory_space<vmem>>
      %dma_start3A_818 = tpu.memref_squeeze %dma_start3A_817 : memref<1x100x128xf32, #tpu.memory_space<vmem>> -> memref<100x128xf32, #tpu.memory_space<vmem>>
      %dma_start3A_819 = arith.constant 0 : i32
      %dma_start3A_820 = arith.constant 0 : i32
      %dma_start3A_821 = tpu.memref_slice %dma_start3A_818[%dma_start3A_819, %dma_start3A_820] : memref<100x128xf32, #tpu.memory_space<vmem>> -> memref<50x128xf32, #tpu.memory_space<vmem>>
      %dma_start3A_822 = arith.constant 0 : i32
      %dma_start3A_823 = arith.constant 0 : i32
      %dma_start3A_824 = tpu.memref_slice %arg4[%add3A_813, %dma_start3A_822, %dma_start3A_823] : memref<4096x50x128xf32, #tpu.memory_space<hbm>> -> memref<1x50x128xf32, #tpu.memory_space<hbm>>
      %dma_start3A_825 = tpu.memref_squeeze %dma_start3A_824 : memref<1x50x128xf32, #tpu.memory_space<hbm>> -> memref<50x128xf32, #tpu.memory_space<hbm>>
      %dma_start3A_826 = arith.constant 0 : i32
      %dma_start3A_827 = arith.constant 0 : i32
      %dma_start3A_828 = tpu.memref_slice %arg4[%add3A_813, %dma_start3A_826, %dma_start3A_827] : memref<4096x50x128xf32, #tpu.memory_space<hbm>> -> memref<1x50x128xf32, #tpu.memory_space<hbm>>
      %dma_start3A_829 = tpu.memref_squeeze %dma_start3A_828 : memref<1x50x128xf32, #tpu.memory_space<hbm>> -> memref<50x128xf32, #tpu.memory_space<hbm>>
      %dma_start3A_830 = arith.constant 0 : i32
      %dma_start3A_831 = arith.constant 0 : i32
      %dma_start3A_832 = tpu.memref_slice %arg6[%dma_start3A_814, %dma_start3A_830, %dma_start3A_831] : memref<8x100x128xf32, #tpu.memory_space<vmem>> -> memref<1x100x128xf32, #tpu.memory_space<vmem>>
      %dma_start3A_833 = tpu.memref_squeeze %dma_start3A_832 : memref<1x100x128xf32, #tpu.memory_space<vmem>> -> memref<100x128xf32, #tpu.memory_space<vmem>>
      %dma_start3A_834 = arith.constant 0 : i32
      %dma_start3A_835 = arith.constant 0 : i32
      %dma_start3A_836 = tpu.memref_slice %dma_start3A_833[%dma_start3A_834, %dma_start3A_835] : memref<100x128xf32, #tpu.memory_space<vmem>> -> memref<50x128xf32, #tpu.memory_space<vmem>>
      tpu.enqueue_dma source(%dma_start3A_836 : memref<50x128xf32, #tpu.memory_space<vmem>>) target(%dma_start3A_829 : memref<50x128xf32, #tpu.memory_space<hbm>>) target_semaphore(%arg18 : memref<!tpu.dma_semaphore, #tpu.memory_space<semaphore_mem>>)
      %mul3A_837 = arith.constant 2 : i32
      %mul3A_838 = arith.muli %mul3A_837, %add3A_795 : i32
      %add3A_839 = arith.addi %mul3A_2, %mul3A_838 : i32
      %add3A_840 = arith.constant 1 : i32
      %add3A_841 = arith.addi %add3A_839, %add3A_840 : i32
      %dma_start3A_842 = arith.constant 3 : i32
      %dma_start3A_843 = arith.constant 0 : i32
      %dma_start3A_844 = arith.constant 0 : i32
      %dma_start3A_845 = tpu.memref_slice %arg6[%dma_start3A_842, %dma_start3A_843, %dma_start3A_844] : memref<8x100x128xf32, #tpu.memory_space<vmem>> -> memref<1x100x128xf32, #tpu.memory_space<vmem>>
      %dma_start3A_846 = tpu.memref_squeeze %dma_start3A_845 : memref<1x100x128xf32, #tpu.memory_space<vmem>> -> memref<100x128xf32, #tpu.memory_space<vmem>>
      %dma_start3A_847 = arith.constant 50 : i32
      %dma_start3A_848 = arith.constant 0 : i32
      %dma_start3A_849 = tpu.memref_slice %dma_start3A_846[%dma_start3A_847, %dma_start3A_848] : memref<100x128xf32, #tpu.memory_space<vmem>> -> memref<50x128xf32, #tpu.memory_space<vmem>>
      %dma_start3A_850 = arith.constant 0 : i32
      %dma_start3A_851 = arith.constant 0 : i32
      %dma_start3A_852 = tpu.memref_slice %arg4[%add3A_841, %dma_start3A_850, %dma_start3A_851] : memref<4096x50x128xf32, #tpu.memory_space<hbm>> -> memref<1x50x128xf32, #tpu.memory_space<hbm>>
      %dma_start3A_853 = tpu.memref_squeeze %dma_start3A_852 : memref<1x50x128xf32, #tpu.memory_space<hbm>> -> memref<50x128xf32, #tpu.memory_space<hbm>>
      %dma_start3A_854 = arith.constant 0 : i32
      %dma_start3A_855 = arith.constant 0 : i32
      %dma_start3A_856 = tpu.memref_slice %arg4[%add3A_841, %dma_start3A_854, %dma_start3A_855] : memref<4096x50x128xf32, #tpu.memory_space<hbm>> -> memref<1x50x128xf32, #tpu.memory_space<hbm>>
      %dma_start3A_857 = tpu.memref_squeeze %dma_start3A_856 : memref<1x50x128xf32, #tpu.memory_space<hbm>> -> memref<50x128xf32, #tpu.memory_space<hbm>>
      %dma_start3A_858 = arith.constant 0 : i32
      %dma_start3A_859 = arith.constant 0 : i32
      %dma_start3A_860 = tpu.memref_slice %arg6[%dma_start3A_842, %dma_start3A_858, %dma_start3A_859] : memref<8x100x128xf32, #tpu.memory_space<vmem>> -> memref<1x100x128xf32, #tpu.memory_space<vmem>>
      %dma_start3A_861 = tpu.memref_squeeze %dma_start3A_860 : memref<1x100x128xf32, #tpu.memory_space<vmem>> -> memref<100x128xf32, #tpu.memory_space<vmem>>
      %dma_start3A_862 = arith.constant 50 : i32
      %dma_start3A_863 = arith.constant 0 : i32
      %dma_start3A_864 = tpu.memref_slice %dma_start3A_861[%dma_start3A_862, %dma_start3A_863] : memref<100x128xf32, #tpu.memory_space<vmem>> -> memref<50x128xf32, #tpu.memory_space<vmem>>
      tpu.enqueue_dma source(%dma_start3A_864 : memref<50x128xf32, #tpu.memory_space<vmem>>) target(%dma_start3A_857 : memref<50x128xf32, #tpu.memory_space<hbm>>) target_semaphore(%arg18 : memref<!tpu.dma_semaphore, #tpu.memory_space<semaphore_mem>>)
      %add3A_865 = arith.constant 8 : i32
      %add3A_866 = arith.addi %add3A_795, %add3A_865 : i32
      %lt3A_867 = arith.constant 64 : i32
      %lt3A_868 = arith.cmpi slt, %add3A_866, %lt3A_867 : i32
      %convert_element_type3A_869 = arith.extui %lt3A_868 : i1 to i32
      %cond3A_870 = arith.constant 0 : i32
      %cond3A_871 = arith.cmpi ne, %convert_element_type3A_869, %cond3A_870 : i32
      scf.if %cond3A_871 {
        %mul3A_1193 = arith.constant 2 : i32
        %mul3A_1194 = arith.muli %mul3A_1193, %add3A_795 : i32
        %add3A_1195 = arith.addi %mul3A_2, %mul3A_1194 : i32
        %add3A_1196 = arith.constant 0 : i32
        %add3A_1197 = arith.addi %add3A_1195, %add3A_1196 : i32
        %dma_wait3A_1198 = arith.constant 3 : i32
        %dma_wait3A_1199 = arith.constant 0 : i32
        %dma_wait3A_1200 = arith.constant 0 : i32
        %dma_wait3A_1201 = tpu.memref_slice %arg6[%dma_wait3A_1198, %dma_wait3A_1199, %dma_wait3A_1200] : memref<8x100x128xf32, #tpu.memory_space<vmem>> -> memref<1x100x128xf32, #tpu.memory_space<vmem>>
        %dma_wait3A_1202 = tpu.memref_squeeze %dma_wait3A_1201 : memref<1x100x128xf32, #tpu.memory_space<vmem>> -> memref<100x128xf32, #tpu.memory_space<vmem>>
        %dma_wait3A_1203 = arith.constant 0 : i32
        %dma_wait3A_1204 = arith.constant 0 : i32
        %dma_wait3A_1205 = tpu.memref_slice %dma_wait3A_1202[%dma_wait3A_1203, %dma_wait3A_1204] : memref<100x128xf32, #tpu.memory_space<vmem>> -> memref<50x128xf32, #tpu.memory_space<vmem>>
        %dma_wait3A_1206 = arith.constant 0 : i32
        %dma_wait3A_1207 = arith.constant 0 : i32
        %dma_wait3A_1208 = tpu.memref_slice %arg4[%add3A_1197, %dma_wait3A_1206, %dma_wait3A_1207] : memref<4096x50x128xf32, #tpu.memory_space<hbm>> -> memref<1x50x128xf32, #tpu.memory_space<hbm>>
        %dma_wait3A_1209 = tpu.memref_squeeze %dma_wait3A_1208 : memref<1x50x128xf32, #tpu.memory_space<hbm>> -> memref<50x128xf32, #tpu.memory_space<hbm>>
        %dma_wait3A_1210 = arith.constant 0 : i32
        %dma_wait3A_1211 = arith.constant 0 : i32
        %dma_wait3A_1212 = tpu.memref_slice %arg4[%add3A_1197, %dma_wait3A_1210, %dma_wait3A_1211] : memref<4096x50x128xf32, #tpu.memory_space<hbm>> -> memref<1x50x128xf32, #tpu.memory_space<hbm>>
        %dma_wait3A_1213 = tpu.memref_squeeze %dma_wait3A_1212 : memref<1x50x128xf32, #tpu.memory_space<hbm>> -> memref<50x128xf32, #tpu.memory_space<hbm>>
        %dma_wait3A_1214 = arith.constant 0 : i32
        %dma_wait3A_1215 = arith.constant 0 : i32
        %dma_wait3A_1216 = tpu.memref_slice %arg6[%dma_wait3A_1198, %dma_wait3A_1214, %dma_wait3A_1215] : memref<8x100x128xf32, #tpu.memory_space<vmem>> -> memref<1x100x128xf32, #tpu.memory_space<vmem>>
        %dma_wait3A_1217 = tpu.memref_squeeze %dma_wait3A_1216 : memref<1x100x128xf32, #tpu.memory_space<vmem>> -> memref<100x128xf32, #tpu.memory_space<vmem>>
        %dma_wait3A_1218 = arith.constant 0 : i32
        %dma_wait3A_1219 = arith.constant 0 : i32
        %dma_wait3A_1220 = tpu.memref_slice %dma_wait3A_1217[%dma_wait3A_1218, %dma_wait3A_1219] : memref<100x128xf32, #tpu.memory_space<vmem>> -> memref<50x128xf32, #tpu.memory_space<vmem>>
        tpu.wait_dma2 semaphore(%arg18 : memref<!tpu.dma_semaphore, #tpu.memory_space<semaphore_mem>>) src(%dma_wait3A_1220 : memref<50x128xf32, #tpu.memory_space<vmem>>) dst(%dma_wait3A_1213 : memref<50x128xf32, #tpu.memory_space<hbm>>)
        %mul3A_1221 = arith.constant 2 : i32
        %mul3A_1222 = arith.muli %mul3A_1221, %add3A_795 : i32
        %add3A_1223 = arith.addi %mul3A_2, %mul3A_1222 : i32
        %add3A_1224 = arith.constant 1 : i32
        %add3A_1225 = arith.addi %add3A_1223, %add3A_1224 : i32
        %dma_wait3A_1226 = arith.constant 3 : i32
        %dma_wait3A_1227 = arith.constant 0 : i32
        %dma_wait3A_1228 = arith.constant 0 : i32
        %dma_wait3A_1229 = tpu.memref_slice %arg6[%dma_wait3A_1226, %dma_wait3A_1227, %dma_wait3A_1228] : memref<8x100x128xf32, #tpu.memory_space<vmem>> -> memref<1x100x128xf32, #tpu.memory_space<vmem>>
        %dma_wait3A_1230 = tpu.memref_squeeze %dma_wait3A_1229 : memref<1x100x128xf32, #tpu.memory_space<vmem>> -> memref<100x128xf32, #tpu.memory_space<vmem>>
        %dma_wait3A_1231 = arith.constant 50 : i32
        %dma_wait3A_1232 = arith.constant 0 : i32
        %dma_wait3A_1233 = tpu.memref_slice %dma_wait3A_1230[%dma_wait3A_1231, %dma_wait3A_1232] : memref<100x128xf32, #tpu.memory_space<vmem>> -> memref<50x128xf32, #tpu.memory_space<vmem>>
        %dma_wait3A_1234 = arith.constant 0 : i32
        %dma_wait3A_1235 = arith.constant 0 : i32
        %dma_wait3A_1236 = tpu.memref_slice %arg4[%add3A_1225, %dma_wait3A_1234, %dma_wait3A_1235] : memref<4096x50x128xf32, #tpu.memory_space<hbm>> -> memref<1x50x128xf32, #tpu.memory_space<hbm>>
        %dma_wait3A_1237 = tpu.memref_squeeze %dma_wait3A_1236 : memref<1x50x128xf32, #tpu.memory_space<hbm>> -> memref<50x128xf32, #tpu.memory_space<hbm>>
        %dma_wait3A_1238 = arith.constant 0 : i32
        %dma_wait3A_1239 = arith.constant 0 : i32
        %dma_wait3A_1240 = tpu.memref_slice %arg4[%add3A_1225, %dma_wait3A_1238, %dma_wait3A_1239] : memref<4096x50x128xf32, #tpu.memory_space<hbm>> -> memref<1x50x128xf32, #tpu.memory_space<hbm>>
        %dma_wait3A_1241 = tpu.memref_squeeze %dma_wait3A_1240 : memref<1x50x128xf32, #tpu.memory_space<hbm>> -> memref<50x128xf32, #tpu.memory_space<hbm>>
        %dma_wait3A_1242 = arith.constant 0 : i32
        %dma_wait3A_1243 = arith.constant 0 : i32
        %dma_wait3A_1244 = tpu.memref_slice %arg6[%dma_wait3A_1226, %dma_wait3A_1242, %dma_wait3A_1243] : memref<8x100x128xf32, #tpu.memory_space<vmem>> -> memref<1x100x128xf32, #tpu.memory_space<vmem>>
        %dma_wait3A_1245 = tpu.memref_squeeze %dma_wait3A_1244 : memref<1x100x128xf32, #tpu.memory_space<vmem>> -> memref<100x128xf32, #tpu.memory_space<vmem>>
        %dma_wait3A_1246 = arith.constant 50 : i32
        %dma_wait3A_1247 = arith.constant 0 : i32
        %dma_wait3A_1248 = tpu.memref_slice %dma_wait3A_1245[%dma_wait3A_1246, %dma_wait3A_1247] : memref<100x128xf32, #tpu.memory_space<vmem>> -> memref<50x128xf32, #tpu.memory_space<vmem>>
        tpu.wait_dma2 semaphore(%arg18 : memref<!tpu.dma_semaphore, #tpu.memory_space<semaphore_mem>>) src(%dma_wait3A_1248 : memref<50x128xf32, #tpu.memory_space<vmem>>) dst(%dma_wait3A_1241 : memref<50x128xf32, #tpu.memory_space<hbm>>)
        %add3A_1249 = arith.constant 8 : i32
        %add3A_1250 = arith.addi %add3A_795, %add3A_1249 : i32
        %dma_start3A_1251 = arith.constant 3 : i32
        %dma_start3A_1252 = arith.constant 0 : i32
        %dma_start3A_1253 = arith.constant 0 : i32
        %dma_start3A_1254 = tpu.memref_slice %arg6[%dma_start3A_1251, %dma_start3A_1252, %dma_start3A_1253] : memref<8x100x128xf32, #tpu.memory_space<vmem>> -> memref<1x100x128xf32, #tpu.memory_space<vmem>>
        %dma_start3A_1255 = tpu.memref_squeeze %dma_start3A_1254 : memref<1x100x128xf32, #tpu.memory_space<vmem>> -> memref<100x128xf32, #tpu.memory_space<vmem>>
        %dma_start3A_1256 = arith.constant 0 : i32
        %dma_start3A_1257 = tpu.memref_slice %arg5[%add3A_1250, %dma_start3A_1256] : memref<64x128xi32, #tpu.memory_space<vmem>> -> memref<1x128xi32, #tpu.memory_space<vmem>>
        %dma_start3A_1258 = tpu.memref_squeeze %dma_start3A_1257 : memref<1x128xi32, #tpu.memory_space<vmem>> -> memref<128xi32, #tpu.memory_space<vmem>>
        %dma_start3A_1259 = arith.constant 0 : i32
        %dma_start3A_1260 = tpu.memref_slice %dma_start3A_1258[%dma_start3A_1259] : memref<128xi32, #tpu.memory_space<vmem>> -> memref<100xi32, #tpu.memory_space<vmem>>
        %dma_start3A_1261 = arith.constant 0 : i32
        %dma_start3A_1262 = arith.constant 0 : i32
        %dma_start3A_1263 = tpu.memref_slice %arg3[%dma_start3A_1261, %dma_start3A_1262] : memref<100000x128xf32, #tpu.memory_space<hbm>> -> memref<100000x128xf32, #tpu.memory_space<hbm>>
        tpu.enqueue_indirect_dma source(%dma_start3A_1263 : memref<100000x128xf32, #tpu.memory_space<hbm>>) target(%dma_start3A_1255 : memref<100x128xf32, #tpu.memory_space<vmem>>) offsets(%dma_start3A_1260 : memref<100xi32, #tpu.memory_space<vmem>>) semaphore(%arg10 : memref<!tpu.dma_semaphore, #tpu.memory_space<semaphore_mem>>)
      } else {
      }
      %mul3A_872 = arith.constant 8 : i32
      %mul3A_873 = arith.muli %scan3A_553, %mul3A_872 : i32
      %add3A_874 = arith.constant 4 : i32
      %add3A_875 = arith.addi %mul3A_873, %add3A_874 : i32
      %dma_wait3A_876 = arith.constant 4 : i32
      %dma_wait3A_877 = arith.constant 0 : i32
      %dma_wait3A_878 = arith.constant 0 : i32
      %dma_wait3A_879 = tpu.memref_slice %arg6[%dma_wait3A_876, %dma_wait3A_877, %dma_wait3A_878] : memref<8x100x128xf32, #tpu.memory_space<vmem>> -> memref<1x100x128xf32, #tpu.memory_space<vmem>>
      %dma_wait3A_880 = tpu.memref_squeeze %dma_wait3A_879 : memref<1x100x128xf32, #tpu.memory_space<vmem>> -> memref<100x128xf32, #tpu.memory_space<vmem>>
      %dma_wait3A_881 = arith.constant 0 : i32
      %dma_wait3A_882 = tpu.memref_slice %arg5[%add3A_875, %dma_wait3A_881] : memref<64x128xi32, #tpu.memory_space<vmem>> -> memref<1x128xi32, #tpu.memory_space<vmem>>
      %dma_wait3A_883 = tpu.memref_squeeze %dma_wait3A_882 : memref<1x128xi32, #tpu.memory_space<vmem>> -> memref<128xi32, #tpu.memory_space<vmem>>
      %dma_wait3A_884 = arith.constant 0 : i32
      %dma_wait3A_885 = tpu.memref_slice %dma_wait3A_883[%dma_wait3A_884] : memref<128xi32, #tpu.memory_space<vmem>> -> memref<100xi32, #tpu.memory_space<vmem>>
      %dma_wait3A_886 = arith.constant 0 : i32
      %dma_wait3A_887 = arith.constant 0 : i32
      %dma_wait3A_888 = tpu.memref_slice %arg3[%dma_wait3A_886, %dma_wait3A_887] : memref<100000x128xf32, #tpu.memory_space<hbm>> -> memref<100000x128xf32, #tpu.memory_space<hbm>>
      tpu.wait_indirect_dma semaphore(%arg11 : memref<!tpu.dma_semaphore, #tpu.memory_space<semaphore_mem>>) src(%dma_wait3A_888 : memref<100000x128xf32, #tpu.memory_space<hbm>>) dst(%dma_wait3A_880 : memref<100x128xf32, #tpu.memory_space<vmem>>)
      %mul3A_889 = arith.constant 2 : i32
      %mul3A_890 = arith.muli %mul3A_889, %add3A_875 : i32
      %add3A_891 = arith.addi %mul3A_2, %mul3A_890 : i32
      %add3A_892 = arith.constant 0 : i32
      %add3A_893 = arith.addi %add3A_891, %add3A_892 : i32
      %dma_start3A_894 = arith.constant 4 : i32
      %dma_start3A_895 = arith.constant 0 : i32
      %dma_start3A_896 = arith.constant 0 : i32
      %dma_start3A_897 = tpu.memref_slice %arg6[%dma_start3A_894, %dma_start3A_895, %dma_start3A_896] : memref<8x100x128xf32, #tpu.memory_space<vmem>> -> memref<1x100x128xf32, #tpu.memory_space<vmem>>
      %dma_start3A_898 = tpu.memref_squeeze %dma_start3A_897 : memref<1x100x128xf32, #tpu.memory_space<vmem>> -> memref<100x128xf32, #tpu.memory_space<vmem>>
      %dma_start3A_899 = arith.constant 0 : i32
      %dma_start3A_900 = arith.constant 0 : i32
      %dma_start3A_901 = tpu.memref_slice %dma_start3A_898[%dma_start3A_899, %dma_start3A_900] : memref<100x128xf32, #tpu.memory_space<vmem>> -> memref<50x128xf32, #tpu.memory_space<vmem>>
      %dma_start3A_902 = arith.constant 0 : i32
      %dma_start3A_903 = arith.constant 0 : i32
      %dma_start3A_904 = tpu.memref_slice %arg4[%add3A_893, %dma_start3A_902, %dma_start3A_903] : memref<4096x50x128xf32, #tpu.memory_space<hbm>> -> memref<1x50x128xf32, #tpu.memory_space<hbm>>
      %dma_start3A_905 = tpu.memref_squeeze %dma_start3A_904 : memref<1x50x128xf32, #tpu.memory_space<hbm>> -> memref<50x128xf32, #tpu.memory_space<hbm>>
      %dma_start3A_906 = arith.constant 0 : i32
      %dma_start3A_907 = arith.constant 0 : i32
      %dma_start3A_908 = tpu.memref_slice %arg4[%add3A_893, %dma_start3A_906, %dma_start3A_907] : memref<4096x50x128xf32, #tpu.memory_space<hbm>> -> memref<1x50x128xf32, #tpu.memory_space<hbm>>
      %dma_start3A_909 = tpu.memref_squeeze %dma_start3A_908 : memref<1x50x128xf32, #tpu.memory_space<hbm>> -> memref<50x128xf32, #tpu.memory_space<hbm>>
      %dma_start3A_910 = arith.constant 0 : i32
      %dma_start3A_911 = arith.constant 0 : i32
      %dma_start3A_912 = tpu.memref_slice %arg6[%dma_start3A_894, %dma_start3A_910, %dma_start3A_911] : memref<8x100x128xf32, #tpu.memory_space<vmem>> -> memref<1x100x128xf32, #tpu.memory_space<vmem>>
      %dma_start3A_913 = tpu.memref_squeeze %dma_start3A_912 : memref<1x100x128xf32, #tpu.memory_space<vmem>> -> memref<100x128xf32, #tpu.memory_space<vmem>>
      %dma_start3A_914 = arith.constant 0 : i32
      %dma_start3A_915 = arith.constant 0 : i32
      %dma_start3A_916 = tpu.memref_slice %dma_start3A_913[%dma_start3A_914, %dma_start3A_915] : memref<100x128xf32, #tpu.memory_space<vmem>> -> memref<50x128xf32, #tpu.memory_space<vmem>>
      tpu.enqueue_dma source(%dma_start3A_916 : memref<50x128xf32, #tpu.memory_space<vmem>>) target(%dma_start3A_909 : memref<50x128xf32, #tpu.memory_space<hbm>>) target_semaphore(%arg19 : memref<!tpu.dma_semaphore, #tpu.memory_space<semaphore_mem>>)
      %mul3A_917 = arith.constant 2 : i32
      %mul3A_918 = arith.muli %mul3A_917, %add3A_875 : i32
      %add3A_919 = arith.addi %mul3A_2, %mul3A_918 : i32
      %add3A_920 = arith.constant 1 : i32
      %add3A_921 = arith.addi %add3A_919, %add3A_920 : i32
      %dma_start3A_922 = arith.constant 4 : i32
      %dma_start3A_923 = arith.constant 0 : i32
      %dma_start3A_924 = arith.constant 0 : i32
      %dma_start3A_925 = tpu.memref_slice %arg6[%dma_start3A_922, %dma_start3A_923, %dma_start3A_924] : memref<8x100x128xf32, #tpu.memory_space<vmem>> -> memref<1x100x128xf32, #tpu.memory_space<vmem>>
      %dma_start3A_926 = tpu.memref_squeeze %dma_start3A_925 : memref<1x100x128xf32, #tpu.memory_space<vmem>> -> memref<100x128xf32, #tpu.memory_space<vmem>>
      %dma_start3A_927 = arith.constant 50 : i32
      %dma_start3A_928 = arith.constant 0 : i32
      %dma_start3A_929 = tpu.memref_slice %dma_start3A_926[%dma_start3A_927, %dma_start3A_928] : memref<100x128xf32, #tpu.memory_space<vmem>> -> memref<50x128xf32, #tpu.memory_space<vmem>>
      %dma_start3A_930 = arith.constant 0 : i32
      %dma_start3A_931 = arith.constant 0 : i32
      %dma_start3A_932 = tpu.memref_slice %arg4[%add3A_921, %dma_start3A_930, %dma_start3A_931] : memref<4096x50x128xf32, #tpu.memory_space<hbm>> -> memref<1x50x128xf32, #tpu.memory_space<hbm>>
      %dma_start3A_933 = tpu.memref_squeeze %dma_start3A_932 : memref<1x50x128xf32, #tpu.memory_space<hbm>> -> memref<50x128xf32, #tpu.memory_space<hbm>>
      %dma_start3A_934 = arith.constant 0 : i32
      %dma_start3A_935 = arith.constant 0 : i32
      %dma_start3A_936 = tpu.memref_slice %arg4[%add3A_921, %dma_start3A_934, %dma_start3A_935] : memref<4096x50x128xf32, #tpu.memory_space<hbm>> -> memref<1x50x128xf32, #tpu.memory_space<hbm>>
      %dma_start3A_937 = tpu.memref_squeeze %dma_start3A_936 : memref<1x50x128xf32, #tpu.memory_space<hbm>> -> memref<50x128xf32, #tpu.memory_space<hbm>>
      %dma_start3A_938 = arith.constant 0 : i32
      %dma_start3A_939 = arith.constant 0 : i32
      %dma_start3A_940 = tpu.memref_slice %arg6[%dma_start3A_922, %dma_start3A_938, %dma_start3A_939] : memref<8x100x128xf32, #tpu.memory_space<vmem>> -> memref<1x100x128xf32, #tpu.memory_space<vmem>>
      %dma_start3A_941 = tpu.memref_squeeze %dma_start3A_940 : memref<1x100x128xf32, #tpu.memory_space<vmem>> -> memref<100x128xf32, #tpu.memory_space<vmem>>
      %dma_start3A_942 = arith.constant 50 : i32
      %dma_start3A_943 = arith.constant 0 : i32
      %dma_start3A_944 = tpu.memref_slice %dma_start3A_941[%dma_start3A_942, %dma_start3A_943] : memref<100x128xf32, #tpu.memory_space<vmem>> -> memref<50x128xf32, #tpu.memory_space<vmem>>
      tpu.enqueue_dma source(%dma_start3A_944 : memref<50x128xf32, #tpu.memory_space<vmem>>) target(%dma_start3A_937 : memref<50x128xf32, #tpu.memory_space<hbm>>) target_semaphore(%arg19 : memref<!tpu.dma_semaphore, #tpu.memory_space<semaphore_mem>>)
      %add3A_945 = arith.constant 8 : i32
      %add3A_946 = arith.addi %add3A_875, %add3A_945 : i32
      %lt3A_947 = arith.constant 64 : i32
      %lt3A_948 = arith.cmpi slt, %add3A_946, %lt3A_947 : i32
      %convert_element_type3A_949 = arith.extui %lt3A_948 : i1 to i32
      %cond3A_950 = arith.constant 0 : i32
      %cond3A_951 = arith.cmpi ne, %convert_element_type3A_949, %cond3A_950 : i32
      scf.if %cond3A_951 {
        %mul3A_1193 = arith.constant 2 : i32
        %mul3A_1194 = arith.muli %mul3A_1193, %add3A_875 : i32
        %add3A_1195 = arith.addi %mul3A_2, %mul3A_1194 : i32
        %add3A_1196 = arith.constant 0 : i32
        %add3A_1197 = arith.addi %add3A_1195, %add3A_1196 : i32
        %dma_wait3A_1198 = arith.constant 4 : i32
        %dma_wait3A_1199 = arith.constant 0 : i32
        %dma_wait3A_1200 = arith.constant 0 : i32
        %dma_wait3A_1201 = tpu.memref_slice %arg6[%dma_wait3A_1198, %dma_wait3A_1199, %dma_wait3A_1200] : memref<8x100x128xf32, #tpu.memory_space<vmem>> -> memref<1x100x128xf32, #tpu.memory_space<vmem>>
        %dma_wait3A_1202 = tpu.memref_squeeze %dma_wait3A_1201 : memref<1x100x128xf32, #tpu.memory_space<vmem>> -> memref<100x128xf32, #tpu.memory_space<vmem>>
        %dma_wait3A_1203 = arith.constant 0 : i32
        %dma_wait3A_1204 = arith.constant 0 : i32
        %dma_wait3A_1205 = tpu.memref_slice %dma_wait3A_1202[%dma_wait3A_1203, %dma_wait3A_1204] : memref<100x128xf32, #tpu.memory_space<vmem>> -> memref<50x128xf32, #tpu.memory_space<vmem>>
        %dma_wait3A_1206 = arith.constant 0 : i32
        %dma_wait3A_1207 = arith.constant 0 : i32
        %dma_wait3A_1208 = tpu.memref_slice %arg4[%add3A_1197, %dma_wait3A_1206, %dma_wait3A_1207] : memref<4096x50x128xf32, #tpu.memory_space<hbm>> -> memref<1x50x128xf32, #tpu.memory_space<hbm>>
        %dma_wait3A_1209 = tpu.memref_squeeze %dma_wait3A_1208 : memref<1x50x128xf32, #tpu.memory_space<hbm>> -> memref<50x128xf32, #tpu.memory_space<hbm>>
        %dma_wait3A_1210 = arith.constant 0 : i32
        %dma_wait3A_1211 = arith.constant 0 : i32
        %dma_wait3A_1212 = tpu.memref_slice %arg4[%add3A_1197, %dma_wait3A_1210, %dma_wait3A_1211] : memref<4096x50x128xf32, #tpu.memory_space<hbm>> -> memref<1x50x128xf32, #tpu.memory_space<hbm>>
        %dma_wait3A_1213 = tpu.memref_squeeze %dma_wait3A_1212 : memref<1x50x128xf32, #tpu.memory_space<hbm>> -> memref<50x128xf32, #tpu.memory_space<hbm>>
        %dma_wait3A_1214 = arith.constant 0 : i32
        %dma_wait3A_1215 = arith.constant 0 : i32
        %dma_wait3A_1216 = tpu.memref_slice %arg6[%dma_wait3A_1198, %dma_wait3A_1214, %dma_wait3A_1215] : memref<8x100x128xf32, #tpu.memory_space<vmem>> -> memref<1x100x128xf32, #tpu.memory_space<vmem>>
        %dma_wait3A_1217 = tpu.memref_squeeze %dma_wait3A_1216 : memref<1x100x128xf32, #tpu.memory_space<vmem>> -> memref<100x128xf32, #tpu.memory_space<vmem>>
        %dma_wait3A_1218 = arith.constant 0 : i32
        %dma_wait3A_1219 = arith.constant 0 : i32
        %dma_wait3A_1220 = tpu.memref_slice %dma_wait3A_1217[%dma_wait3A_1218, %dma_wait3A_1219] : memref<100x128xf32, #tpu.memory_space<vmem>> -> memref<50x128xf32, #tpu.memory_space<vmem>>
        tpu.wait_dma2 semaphore(%arg19 : memref<!tpu.dma_semaphore, #tpu.memory_space<semaphore_mem>>) src(%dma_wait3A_1220 : memref<50x128xf32, #tpu.memory_space<vmem>>) dst(%dma_wait3A_1213 : memref<50x128xf32, #tpu.memory_space<hbm>>)
        %mul3A_1221 = arith.constant 2 : i32
        %mul3A_1222 = arith.muli %mul3A_1221, %add3A_875 : i32
        %add3A_1223 = arith.addi %mul3A_2, %mul3A_1222 : i32
        %add3A_1224 = arith.constant 1 : i32
        %add3A_1225 = arith.addi %add3A_1223, %add3A_1224 : i32
        %dma_wait3A_1226 = arith.constant 4 : i32
        %dma_wait3A_1227 = arith.constant 0 : i32
        %dma_wait3A_1228 = arith.constant 0 : i32
        %dma_wait3A_1229 = tpu.memref_slice %arg6[%dma_wait3A_1226, %dma_wait3A_1227, %dma_wait3A_1228] : memref<8x100x128xf32, #tpu.memory_space<vmem>> -> memref<1x100x128xf32, #tpu.memory_space<vmem>>
        %dma_wait3A_1230 = tpu.memref_squeeze %dma_wait3A_1229 : memref<1x100x128xf32, #tpu.memory_space<vmem>> -> memref<100x128xf32, #tpu.memory_space<vmem>>
        %dma_wait3A_1231 = arith.constant 50 : i32
        %dma_wait3A_1232 = arith.constant 0 : i32
        %dma_wait3A_1233 = tpu.memref_slice %dma_wait3A_1230[%dma_wait3A_1231, %dma_wait3A_1232] : memref<100x128xf32, #tpu.memory_space<vmem>> -> memref<50x128xf32, #tpu.memory_space<vmem>>
        %dma_wait3A_1234 = arith.constant 0 : i32
        %dma_wait3A_1235 = arith.constant 0 : i32
        %dma_wait3A_1236 = tpu.memref_slice %arg4[%add3A_1225, %dma_wait3A_1234, %dma_wait3A_1235] : memref<4096x50x128xf32, #tpu.memory_space<hbm>> -> memref<1x50x128xf32, #tpu.memory_space<hbm>>
        %dma_wait3A_1237 = tpu.memref_squeeze %dma_wait3A_1236 : memref<1x50x128xf32, #tpu.memory_space<hbm>> -> memref<50x128xf32, #tpu.memory_space<hbm>>
        %dma_wait3A_1238 = arith.constant 0 : i32
        %dma_wait3A_1239 = arith.constant 0 : i32
        %dma_wait3A_1240 = tpu.memref_slice %arg4[%add3A_1225, %dma_wait3A_1238, %dma_wait3A_1239] : memref<4096x50x128xf32, #tpu.memory_space<hbm>> -> memref<1x50x128xf32, #tpu.memory_space<hbm>>
        %dma_wait3A_1241 = tpu.memref_squeeze %dma_wait3A_1240 : memref<1x50x128xf32, #tpu.memory_space<hbm>> -> memref<50x128xf32, #tpu.memory_space<hbm>>
        %dma_wait3A_1242 = arith.constant 0 : i32
        %dma_wait3A_1243 = arith.constant 0 : i32
        %dma_wait3A_1244 = tpu.memref_slice %arg6[%dma_wait3A_1226, %dma_wait3A_1242, %dma_wait3A_1243] : memref<8x100x128xf32, #tpu.memory_space<vmem>> -> memref<1x100x128xf32, #tpu.memory_space<vmem>>
        %dma_wait3A_1245 = tpu.memref_squeeze %dma_wait3A_1244 : memref<1x100x128xf32, #tpu.memory_space<vmem>> -> memref<100x128xf32, #tpu.memory_space<vmem>>
        %dma_wait3A_1246 = arith.constant 50 : i32
        %dma_wait3A_1247 = arith.constant 0 : i32
        %dma_wait3A_1248 = tpu.memref_slice %dma_wait3A_1245[%dma_wait3A_1246, %dma_wait3A_1247] : memref<100x128xf32, #tpu.memory_space<vmem>> -> memref<50x128xf32, #tpu.memory_space<vmem>>
        tpu.wait_dma2 semaphore(%arg19 : memref<!tpu.dma_semaphore, #tpu.memory_space<semaphore_mem>>) src(%dma_wait3A_1248 : memref<50x128xf32, #tpu.memory_space<vmem>>) dst(%dma_wait3A_1241 : memref<50x128xf32, #tpu.memory_space<hbm>>)
        %add3A_1249 = arith.constant 8 : i32
        %add3A_1250 = arith.addi %add3A_875, %add3A_1249 : i32
        %dma_start3A_1251 = arith.constant 4 : i32
        %dma_start3A_1252 = arith.constant 0 : i32
        %dma_start3A_1253 = arith.constant 0 : i32
        %dma_start3A_1254 = tpu.memref_slice %arg6[%dma_start3A_1251, %dma_start3A_1252, %dma_start3A_1253] : memref<8x100x128xf32, #tpu.memory_space<vmem>> -> memref<1x100x128xf32, #tpu.memory_space<vmem>>
        %dma_start3A_1255 = tpu.memref_squeeze %dma_start3A_1254 : memref<1x100x128xf32, #tpu.memory_space<vmem>> -> memref<100x128xf32, #tpu.memory_space<vmem>>
        %dma_start3A_1256 = arith.constant 0 : i32
        %dma_start3A_1257 = tpu.memref_slice %arg5[%add3A_1250, %dma_start3A_1256] : memref<64x128xi32, #tpu.memory_space<vmem>> -> memref<1x128xi32, #tpu.memory_space<vmem>>
        %dma_start3A_1258 = tpu.memref_squeeze %dma_start3A_1257 : memref<1x128xi32, #tpu.memory_space<vmem>> -> memref<128xi32, #tpu.memory_space<vmem>>
        %dma_start3A_1259 = arith.constant 0 : i32
        %dma_start3A_1260 = tpu.memref_slice %dma_start3A_1258[%dma_start3A_1259] : memref<128xi32, #tpu.memory_space<vmem>> -> memref<100xi32, #tpu.memory_space<vmem>>
        %dma_start3A_1261 = arith.constant 0 : i32
        %dma_start3A_1262 = arith.constant 0 : i32
        %dma_start3A_1263 = tpu.memref_slice %arg3[%dma_start3A_1261, %dma_start3A_1262] : memref<100000x128xf32, #tpu.memory_space<hbm>> -> memref<100000x128xf32, #tpu.memory_space<hbm>>
        tpu.enqueue_indirect_dma source(%dma_start3A_1263 : memref<100000x128xf32, #tpu.memory_space<hbm>>) target(%dma_start3A_1255 : memref<100x128xf32, #tpu.memory_space<vmem>>) offsets(%dma_start3A_1260 : memref<100xi32, #tpu.memory_space<vmem>>) semaphore(%arg11 : memref<!tpu.dma_semaphore, #tpu.memory_space<semaphore_mem>>)
      } else {
      }
      %mul3A_952 = arith.constant 8 : i32
      %mul3A_953 = arith.muli %scan3A_553, %mul3A_952 : i32
      %add3A_954 = arith.constant 5 : i32
      %add3A_955 = arith.addi %mul3A_953, %add3A_954 : i32
      %dma_wait3A_956 = arith.constant 5 : i32
      %dma_wait3A_957 = arith.constant 0 : i32
      %dma_wait3A_958 = arith.constant 0 : i32
      %dma_wait3A_959 = tpu.memref_slice %arg6[%dma_wait3A_956, %dma_wait3A_957, %dma_wait3A_958] : memref<8x100x128xf32, #tpu.memory_space<vmem>> -> memref<1x100x128xf32, #tpu.memory_space<vmem>>
      %dma_wait3A_960 = tpu.memref_squeeze %dma_wait3A_959 : memref<1x100x128xf32, #tpu.memory_space<vmem>> -> memref<100x128xf32, #tpu.memory_space<vmem>>
      %dma_wait3A_961 = arith.constant 0 : i32
      %dma_wait3A_962 = tpu.memref_slice %arg5[%add3A_955, %dma_wait3A_961] : memref<64x128xi32, #tpu.memory_space<vmem>> -> memref<1x128xi32, #tpu.memory_space<vmem>>
      %dma_wait3A_963 = tpu.memref_squeeze %dma_wait3A_962 : memref<1x128xi32, #tpu.memory_space<vmem>> -> memref<128xi32, #tpu.memory_space<vmem>>
      %dma_wait3A_964 = arith.constant 0 : i32
      %dma_wait3A_965 = tpu.memref_slice %dma_wait3A_963[%dma_wait3A_964] : memref<128xi32, #tpu.memory_space<vmem>> -> memref<100xi32, #tpu.memory_space<vmem>>
      %dma_wait3A_966 = arith.constant 0 : i32
      %dma_wait3A_967 = arith.constant 0 : i32
      %dma_wait3A_968 = tpu.memref_slice %arg3[%dma_wait3A_966, %dma_wait3A_967] : memref<100000x128xf32, #tpu.memory_space<hbm>> -> memref<100000x128xf32, #tpu.memory_space<hbm>>
      tpu.wait_indirect_dma semaphore(%arg12 : memref<!tpu.dma_semaphore, #tpu.memory_space<semaphore_mem>>) src(%dma_wait3A_968 : memref<100000x128xf32, #tpu.memory_space<hbm>>) dst(%dma_wait3A_960 : memref<100x128xf32, #tpu.memory_space<vmem>>)
      %mul3A_969 = arith.constant 2 : i32
      %mul3A_970 = arith.muli %mul3A_969, %add3A_955 : i32
      %add3A_971 = arith.addi %mul3A_2, %mul3A_970 : i32
      %add3A_972 = arith.constant 0 : i32
      %add3A_973 = arith.addi %add3A_971, %add3A_972 : i32
      %dma_start3A_974 = arith.constant 5 : i32
      %dma_start3A_975 = arith.constant 0 : i32
      %dma_start3A_976 = arith.constant 0 : i32
      %dma_start3A_977 = tpu.memref_slice %arg6[%dma_start3A_974, %dma_start3A_975, %dma_start3A_976] : memref<8x100x128xf32, #tpu.memory_space<vmem>> -> memref<1x100x128xf32, #tpu.memory_space<vmem>>
      %dma_start3A_978 = tpu.memref_squeeze %dma_start3A_977 : memref<1x100x128xf32, #tpu.memory_space<vmem>> -> memref<100x128xf32, #tpu.memory_space<vmem>>
      %dma_start3A_979 = arith.constant 0 : i32
      %dma_start3A_980 = arith.constant 0 : i32
      %dma_start3A_981 = tpu.memref_slice %dma_start3A_978[%dma_start3A_979, %dma_start3A_980] : memref<100x128xf32, #tpu.memory_space<vmem>> -> memref<50x128xf32, #tpu.memory_space<vmem>>
      %dma_start3A_982 = arith.constant 0 : i32
      %dma_start3A_983 = arith.constant 0 : i32
      %dma_start3A_984 = tpu.memref_slice %arg4[%add3A_973, %dma_start3A_982, %dma_start3A_983] : memref<4096x50x128xf32, #tpu.memory_space<hbm>> -> memref<1x50x128xf32, #tpu.memory_space<hbm>>
      %dma_start3A_985 = tpu.memref_squeeze %dma_start3A_984 : memref<1x50x128xf32, #tpu.memory_space<hbm>> -> memref<50x128xf32, #tpu.memory_space<hbm>>
      %dma_start3A_986 = arith.constant 0 : i32
      %dma_start3A_987 = arith.constant 0 : i32
      %dma_start3A_988 = tpu.memref_slice %arg4[%add3A_973, %dma_start3A_986, %dma_start3A_987] : memref<4096x50x128xf32, #tpu.memory_space<hbm>> -> memref<1x50x128xf32, #tpu.memory_space<hbm>>
      %dma_start3A_989 = tpu.memref_squeeze %dma_start3A_988 : memref<1x50x128xf32, #tpu.memory_space<hbm>> -> memref<50x128xf32, #tpu.memory_space<hbm>>
      %dma_start3A_990 = arith.constant 0 : i32
      %dma_start3A_991 = arith.constant 0 : i32
      %dma_start3A_992 = tpu.memref_slice %arg6[%dma_start3A_974, %dma_start3A_990, %dma_start3A_991] : memref<8x100x128xf32, #tpu.memory_space<vmem>> -> memref<1x100x128xf32, #tpu.memory_space<vmem>>
      %dma_start3A_993 = tpu.memref_squeeze %dma_start3A_992 : memref<1x100x128xf32, #tpu.memory_space<vmem>> -> memref<100x128xf32, #tpu.memory_space<vmem>>
      %dma_start3A_994 = arith.constant 0 : i32
      %dma_start3A_995 = arith.constant 0 : i32
      %dma_start3A_996 = tpu.memref_slice %dma_start3A_993[%dma_start3A_994, %dma_start3A_995] : memref<100x128xf32, #tpu.memory_space<vmem>> -> memref<50x128xf32, #tpu.memory_space<vmem>>
      tpu.enqueue_dma source(%dma_start3A_996 : memref<50x128xf32, #tpu.memory_space<vmem>>) target(%dma_start3A_989 : memref<50x128xf32, #tpu.memory_space<hbm>>) target_semaphore(%arg20 : memref<!tpu.dma_semaphore, #tpu.memory_space<semaphore_mem>>)
      %mul3A_997 = arith.constant 2 : i32
      %mul3A_998 = arith.muli %mul3A_997, %add3A_955 : i32
      %add3A_999 = arith.addi %mul3A_2, %mul3A_998 : i32
      %add3A_1000 = arith.constant 1 : i32
      %add3A_1001 = arith.addi %add3A_999, %add3A_1000 : i32
      %dma_start3A_1002 = arith.constant 5 : i32
      %dma_start3A_1003 = arith.constant 0 : i32
      %dma_start3A_1004 = arith.constant 0 : i32
      %dma_start3A_1005 = tpu.memref_slice %arg6[%dma_start3A_1002, %dma_start3A_1003, %dma_start3A_1004] : memref<8x100x128xf32, #tpu.memory_space<vmem>> -> memref<1x100x128xf32, #tpu.memory_space<vmem>>
      %dma_start3A_1006 = tpu.memref_squeeze %dma_start3A_1005 : memref<1x100x128xf32, #tpu.memory_space<vmem>> -> memref<100x128xf32, #tpu.memory_space<vmem>>
      %dma_start3A_1007 = arith.constant 50 : i32
      %dma_start3A_1008 = arith.constant 0 : i32
      %dma_start3A_1009 = tpu.memref_slice %dma_start3A_1006[%dma_start3A_1007, %dma_start3A_1008] : memref<100x128xf32, #tpu.memory_space<vmem>> -> memref<50x128xf32, #tpu.memory_space<vmem>>
      %dma_start3A_1010 = arith.constant 0 : i32
      %dma_start3A_1011 = arith.constant 0 : i32
      %dma_start3A_1012 = tpu.memref_slice %arg4[%add3A_1001, %dma_start3A_1010, %dma_start3A_1011] : memref<4096x50x128xf32, #tpu.memory_space<hbm>> -> memref<1x50x128xf32, #tpu.memory_space<hbm>>
      %dma_start3A_1013 = tpu.memref_squeeze %dma_start3A_1012 : memref<1x50x128xf32, #tpu.memory_space<hbm>> -> memref<50x128xf32, #tpu.memory_space<hbm>>
      %dma_start3A_1014 = arith.constant 0 : i32
      %dma_start3A_1015 = arith.constant 0 : i32
      %dma_start3A_1016 = tpu.memref_slice %arg4[%add3A_1001, %dma_start3A_1014, %dma_start3A_1015] : memref<4096x50x128xf32, #tpu.memory_space<hbm>> -> memref<1x50x128xf32, #tpu.memory_space<hbm>>
      %dma_start3A_1017 = tpu.memref_squeeze %dma_start3A_1016 : memref<1x50x128xf32, #tpu.memory_space<hbm>> -> memref<50x128xf32, #tpu.memory_space<hbm>>
      %dma_start3A_1018 = arith.constant 0 : i32
      %dma_start3A_1019 = arith.constant 0 : i32
      %dma_start3A_1020 = tpu.memref_slice %arg6[%dma_start3A_1002, %dma_start3A_1018, %dma_start3A_1019] : memref<8x100x128xf32, #tpu.memory_space<vmem>> -> memref<1x100x128xf32, #tpu.memory_space<vmem>>
      %dma_start3A_1021 = tpu.memref_squeeze %dma_start3A_1020 : memref<1x100x128xf32, #tpu.memory_space<vmem>> -> memref<100x128xf32, #tpu.memory_space<vmem>>
      %dma_start3A_1022 = arith.constant 50 : i32
      %dma_start3A_1023 = arith.constant 0 : i32
      %dma_start3A_1024 = tpu.memref_slice %dma_start3A_1021[%dma_start3A_1022, %dma_start3A_1023] : memref<100x128xf32, #tpu.memory_space<vmem>> -> memref<50x128xf32, #tpu.memory_space<vmem>>
      tpu.enqueue_dma source(%dma_start3A_1024 : memref<50x128xf32, #tpu.memory_space<vmem>>) target(%dma_start3A_1017 : memref<50x128xf32, #tpu.memory_space<hbm>>) target_semaphore(%arg20 : memref<!tpu.dma_semaphore, #tpu.memory_space<semaphore_mem>>)
      %add3A_1025 = arith.constant 8 : i32
      %add3A_1026 = arith.addi %add3A_955, %add3A_1025 : i32
      %lt3A_1027 = arith.constant 64 : i32
      %lt3A_1028 = arith.cmpi slt, %add3A_1026, %lt3A_1027 : i32
      %convert_element_type3A_1029 = arith.extui %lt3A_1028 : i1 to i32
      %cond3A_1030 = arith.constant 0 : i32
      %cond3A_1031 = arith.cmpi ne, %convert_element_type3A_1029, %cond3A_1030 : i32
      scf.if %cond3A_1031 {
        %mul3A_1193 = arith.constant 2 : i32
        %mul3A_1194 = arith.muli %mul3A_1193, %add3A_955 : i32
        %add3A_1195 = arith.addi %mul3A_2, %mul3A_1194 : i32
        %add3A_1196 = arith.constant 0 : i32
        %add3A_1197 = arith.addi %add3A_1195, %add3A_1196 : i32
        %dma_wait3A_1198 = arith.constant 5 : i32
        %dma_wait3A_1199 = arith.constant 0 : i32
        %dma_wait3A_1200 = arith.constant 0 : i32
        %dma_wait3A_1201 = tpu.memref_slice %arg6[%dma_wait3A_1198, %dma_wait3A_1199, %dma_wait3A_1200] : memref<8x100x128xf32, #tpu.memory_space<vmem>> -> memref<1x100x128xf32, #tpu.memory_space<vmem>>
        %dma_wait3A_1202 = tpu.memref_squeeze %dma_wait3A_1201 : memref<1x100x128xf32, #tpu.memory_space<vmem>> -> memref<100x128xf32, #tpu.memory_space<vmem>>
        %dma_wait3A_1203 = arith.constant 0 : i32
        %dma_wait3A_1204 = arith.constant 0 : i32
        %dma_wait3A_1205 = tpu.memref_slice %dma_wait3A_1202[%dma_wait3A_1203, %dma_wait3A_1204] : memref<100x128xf32, #tpu.memory_space<vmem>> -> memref<50x128xf32, #tpu.memory_space<vmem>>
        %dma_wait3A_1206 = arith.constant 0 : i32
        %dma_wait3A_1207 = arith.constant 0 : i32
        %dma_wait3A_1208 = tpu.memref_slice %arg4[%add3A_1197, %dma_wait3A_1206, %dma_wait3A_1207] : memref<4096x50x128xf32, #tpu.memory_space<hbm>> -> memref<1x50x128xf32, #tpu.memory_space<hbm>>
        %dma_wait3A_1209 = tpu.memref_squeeze %dma_wait3A_1208 : memref<1x50x128xf32, #tpu.memory_space<hbm>> -> memref<50x128xf32, #tpu.memory_space<hbm>>
        %dma_wait3A_1210 = arith.constant 0 : i32
        %dma_wait3A_1211 = arith.constant 0 : i32
        %dma_wait3A_1212 = tpu.memref_slice %arg4[%add3A_1197, %dma_wait3A_1210, %dma_wait3A_1211] : memref<4096x50x128xf32, #tpu.memory_space<hbm>> -> memref<1x50x128xf32, #tpu.memory_space<hbm>>
        %dma_wait3A_1213 = tpu.memref_squeeze %dma_wait3A_1212 : memref<1x50x128xf32, #tpu.memory_space<hbm>> -> memref<50x128xf32, #tpu.memory_space<hbm>>
        %dma_wait3A_1214 = arith.constant 0 : i32
        %dma_wait3A_1215 = arith.constant 0 : i32
        %dma_wait3A_1216 = tpu.memref_slice %arg6[%dma_wait3A_1198, %dma_wait3A_1214, %dma_wait3A_1215] : memref<8x100x128xf32, #tpu.memory_space<vmem>> -> memref<1x100x128xf32, #tpu.memory_space<vmem>>
        %dma_wait3A_1217 = tpu.memref_squeeze %dma_wait3A_1216 : memref<1x100x128xf32, #tpu.memory_space<vmem>> -> memref<100x128xf32, #tpu.memory_space<vmem>>
        %dma_wait3A_1218 = arith.constant 0 : i32
        %dma_wait3A_1219 = arith.constant 0 : i32
        %dma_wait3A_1220 = tpu.memref_slice %dma_wait3A_1217[%dma_wait3A_1218, %dma_wait3A_1219] : memref<100x128xf32, #tpu.memory_space<vmem>> -> memref<50x128xf32, #tpu.memory_space<vmem>>
        tpu.wait_dma2 semaphore(%arg20 : memref<!tpu.dma_semaphore, #tpu.memory_space<semaphore_mem>>) src(%dma_wait3A_1220 : memref<50x128xf32, #tpu.memory_space<vmem>>) dst(%dma_wait3A_1213 : memref<50x128xf32, #tpu.memory_space<hbm>>)
        %mul3A_1221 = arith.constant 2 : i32
        %mul3A_1222 = arith.muli %mul3A_1221, %add3A_955 : i32
        %add3A_1223 = arith.addi %mul3A_2, %mul3A_1222 : i32
        %add3A_1224 = arith.constant 1 : i32
        %add3A_1225 = arith.addi %add3A_1223, %add3A_1224 : i32
        %dma_wait3A_1226 = arith.constant 5 : i32
        %dma_wait3A_1227 = arith.constant 0 : i32
        %dma_wait3A_1228 = arith.constant 0 : i32
        %dma_wait3A_1229 = tpu.memref_slice %arg6[%dma_wait3A_1226, %dma_wait3A_1227, %dma_wait3A_1228] : memref<8x100x128xf32, #tpu.memory_space<vmem>> -> memref<1x100x128xf32, #tpu.memory_space<vmem>>
        %dma_wait3A_1230 = tpu.memref_squeeze %dma_wait3A_1229 : memref<1x100x128xf32, #tpu.memory_space<vmem>> -> memref<100x128xf32, #tpu.memory_space<vmem>>
        %dma_wait3A_1231 = arith.constant 50 : i32
        %dma_wait3A_1232 = arith.constant 0 : i32
        %dma_wait3A_1233 = tpu.memref_slice %dma_wait3A_1230[%dma_wait3A_1231, %dma_wait3A_1232] : memref<100x128xf32, #tpu.memory_space<vmem>> -> memref<50x128xf32, #tpu.memory_space<vmem>>
        %dma_wait3A_1234 = arith.constant 0 : i32
        %dma_wait3A_1235 = arith.constant 0 : i32
        %dma_wait3A_1236 = tpu.memref_slice %arg4[%add3A_1225, %dma_wait3A_1234, %dma_wait3A_1235] : memref<4096x50x128xf32, #tpu.memory_space<hbm>> -> memref<1x50x128xf32, #tpu.memory_space<hbm>>
        %dma_wait3A_1237 = tpu.memref_squeeze %dma_wait3A_1236 : memref<1x50x128xf32, #tpu.memory_space<hbm>> -> memref<50x128xf32, #tpu.memory_space<hbm>>
        %dma_wait3A_1238 = arith.constant 0 : i32
        %dma_wait3A_1239 = arith.constant 0 : i32
        %dma_wait3A_1240 = tpu.memref_slice %arg4[%add3A_1225, %dma_wait3A_1238, %dma_wait3A_1239] : memref<4096x50x128xf32, #tpu.memory_space<hbm>> -> memref<1x50x128xf32, #tpu.memory_space<hbm>>
        %dma_wait3A_1241 = tpu.memref_squeeze %dma_wait3A_1240 : memref<1x50x128xf32, #tpu.memory_space<hbm>> -> memref<50x128xf32, #tpu.memory_space<hbm>>
        %dma_wait3A_1242 = arith.constant 0 : i32
        %dma_wait3A_1243 = arith.constant 0 : i32
        %dma_wait3A_1244 = tpu.memref_slice %arg6[%dma_wait3A_1226, %dma_wait3A_1242, %dma_wait3A_1243] : memref<8x100x128xf32, #tpu.memory_space<vmem>> -> memref<1x100x128xf32, #tpu.memory_space<vmem>>
        %dma_wait3A_1245 = tpu.memref_squeeze %dma_wait3A_1244 : memref<1x100x128xf32, #tpu.memory_space<vmem>> -> memref<100x128xf32, #tpu.memory_space<vmem>>
        %dma_wait3A_1246 = arith.constant 50 : i32
        %dma_wait3A_1247 = arith.constant 0 : i32
        %dma_wait3A_1248 = tpu.memref_slice %dma_wait3A_1245[%dma_wait3A_1246, %dma_wait3A_1247] : memref<100x128xf32, #tpu.memory_space<vmem>> -> memref<50x128xf32, #tpu.memory_space<vmem>>
        tpu.wait_dma2 semaphore(%arg20 : memref<!tpu.dma_semaphore, #tpu.memory_space<semaphore_mem>>) src(%dma_wait3A_1248 : memref<50x128xf32, #tpu.memory_space<vmem>>) dst(%dma_wait3A_1241 : memref<50x128xf32, #tpu.memory_space<hbm>>)
        %add3A_1249 = arith.constant 8 : i32
        %add3A_1250 = arith.addi %add3A_955, %add3A_1249 : i32
        %dma_start3A_1251 = arith.constant 5 : i32
        %dma_start3A_1252 = arith.constant 0 : i32
        %dma_start3A_1253 = arith.constant 0 : i32
        %dma_start3A_1254 = tpu.memref_slice %arg6[%dma_start3A_1251, %dma_start3A_1252, %dma_start3A_1253] : memref<8x100x128xf32, #tpu.memory_space<vmem>> -> memref<1x100x128xf32, #tpu.memory_space<vmem>>
        %dma_start3A_1255 = tpu.memref_squeeze %dma_start3A_1254 : memref<1x100x128xf32, #tpu.memory_space<vmem>> -> memref<100x128xf32, #tpu.memory_space<vmem>>
        %dma_start3A_1256 = arith.constant 0 : i32
        %dma_start3A_1257 = tpu.memref_slice %arg5[%add3A_1250, %dma_start3A_1256] : memref<64x128xi32, #tpu.memory_space<vmem>> -> memref<1x128xi32, #tpu.memory_space<vmem>>
        %dma_start3A_1258 = tpu.memref_squeeze %dma_start3A_1257 : memref<1x128xi32, #tpu.memory_space<vmem>> -> memref<128xi32, #tpu.memory_space<vmem>>
        %dma_start3A_1259 = arith.constant 0 : i32
        %dma_start3A_1260 = tpu.memref_slice %dma_start3A_1258[%dma_start3A_1259] : memref<128xi32, #tpu.memory_space<vmem>> -> memref<100xi32, #tpu.memory_space<vmem>>
        %dma_start3A_1261 = arith.constant 0 : i32
        %dma_start3A_1262 = arith.constant 0 : i32
        %dma_start3A_1263 = tpu.memref_slice %arg3[%dma_start3A_1261, %dma_start3A_1262] : memref<100000x128xf32, #tpu.memory_space<hbm>> -> memref<100000x128xf32, #tpu.memory_space<hbm>>
        tpu.enqueue_indirect_dma source(%dma_start3A_1263 : memref<100000x128xf32, #tpu.memory_space<hbm>>) target(%dma_start3A_1255 : memref<100x128xf32, #tpu.memory_space<vmem>>) offsets(%dma_start3A_1260 : memref<100xi32, #tpu.memory_space<vmem>>) semaphore(%arg12 : memref<!tpu.dma_semaphore, #tpu.memory_space<semaphore_mem>>)
      } else {
      }
      %mul3A_1032 = arith.constant 8 : i32
      %mul3A_1033 = arith.muli %scan3A_553, %mul3A_1032 : i32
      %add3A_1034 = arith.constant 6 : i32
      %add3A_1035 = arith.addi %mul3A_1033, %add3A_1034 : i32
      %dma_wait3A_1036 = arith.constant 6 : i32
      %dma_wait3A_1037 = arith.constant 0 : i32
      %dma_wait3A_1038 = arith.constant 0 : i32
      %dma_wait3A_1039 = tpu.memref_slice %arg6[%dma_wait3A_1036, %dma_wait3A_1037, %dma_wait3A_1038] : memref<8x100x128xf32, #tpu.memory_space<vmem>> -> memref<1x100x128xf32, #tpu.memory_space<vmem>>
      %dma_wait3A_1040 = tpu.memref_squeeze %dma_wait3A_1039 : memref<1x100x128xf32, #tpu.memory_space<vmem>> -> memref<100x128xf32, #tpu.memory_space<vmem>>
      %dma_wait3A_1041 = arith.constant 0 : i32
      %dma_wait3A_1042 = tpu.memref_slice %arg5[%add3A_1035, %dma_wait3A_1041] : memref<64x128xi32, #tpu.memory_space<vmem>> -> memref<1x128xi32, #tpu.memory_space<vmem>>
      %dma_wait3A_1043 = tpu.memref_squeeze %dma_wait3A_1042 : memref<1x128xi32, #tpu.memory_space<vmem>> -> memref<128xi32, #tpu.memory_space<vmem>>
      %dma_wait3A_1044 = arith.constant 0 : i32
      %dma_wait3A_1045 = tpu.memref_slice %dma_wait3A_1043[%dma_wait3A_1044] : memref<128xi32, #tpu.memory_space<vmem>> -> memref<100xi32, #tpu.memory_space<vmem>>
      %dma_wait3A_1046 = arith.constant 0 : i32
      %dma_wait3A_1047 = arith.constant 0 : i32
      %dma_wait3A_1048 = tpu.memref_slice %arg3[%dma_wait3A_1046, %dma_wait3A_1047] : memref<100000x128xf32, #tpu.memory_space<hbm>> -> memref<100000x128xf32, #tpu.memory_space<hbm>>
      tpu.wait_indirect_dma semaphore(%arg13 : memref<!tpu.dma_semaphore, #tpu.memory_space<semaphore_mem>>) src(%dma_wait3A_1048 : memref<100000x128xf32, #tpu.memory_space<hbm>>) dst(%dma_wait3A_1040 : memref<100x128xf32, #tpu.memory_space<vmem>>)
      %mul3A_1049 = arith.constant 2 : i32
      %mul3A_1050 = arith.muli %mul3A_1049, %add3A_1035 : i32
      %add3A_1051 = arith.addi %mul3A_2, %mul3A_1050 : i32
      %add3A_1052 = arith.constant 0 : i32
      %add3A_1053 = arith.addi %add3A_1051, %add3A_1052 : i32
      %dma_start3A_1054 = arith.constant 6 : i32
      %dma_start3A_1055 = arith.constant 0 : i32
      %dma_start3A_1056 = arith.constant 0 : i32
      %dma_start3A_1057 = tpu.memref_slice %arg6[%dma_start3A_1054, %dma_start3A_1055, %dma_start3A_1056] : memref<8x100x128xf32, #tpu.memory_space<vmem>> -> memref<1x100x128xf32, #tpu.memory_space<vmem>>
      %dma_start3A_1058 = tpu.memref_squeeze %dma_start3A_1057 : memref<1x100x128xf32, #tpu.memory_space<vmem>> -> memref<100x128xf32, #tpu.memory_space<vmem>>
      %dma_start3A_1059 = arith.constant 0 : i32
      %dma_start3A_1060 = arith.constant 0 : i32
      %dma_start3A_1061 = tpu.memref_slice %dma_start3A_1058[%dma_start3A_1059, %dma_start3A_1060] : memref<100x128xf32, #tpu.memory_space<vmem>> -> memref<50x128xf32, #tpu.memory_space<vmem>>
      %dma_start3A_1062 = arith.constant 0 : i32
      %dma_start3A_1063 = arith.constant 0 : i32
      %dma_start3A_1064 = tpu.memref_slice %arg4[%add3A_1053, %dma_start3A_1062, %dma_start3A_1063] : memref<4096x50x128xf32, #tpu.memory_space<hbm>> -> memref<1x50x128xf32, #tpu.memory_space<hbm>>
      %dma_start3A_1065 = tpu.memref_squeeze %dma_start3A_1064 : memref<1x50x128xf32, #tpu.memory_space<hbm>> -> memref<50x128xf32, #tpu.memory_space<hbm>>
      %dma_start3A_1066 = arith.constant 0 : i32
      %dma_start3A_1067 = arith.constant 0 : i32
      %dma_start3A_1068 = tpu.memref_slice %arg4[%add3A_1053, %dma_start3A_1066, %dma_start3A_1067] : memref<4096x50x128xf32, #tpu.memory_space<hbm>> -> memref<1x50x128xf32, #tpu.memory_space<hbm>>
      %dma_start3A_1069 = tpu.memref_squeeze %dma_start3A_1068 : memref<1x50x128xf32, #tpu.memory_space<hbm>> -> memref<50x128xf32, #tpu.memory_space<hbm>>
      %dma_start3A_1070 = arith.constant 0 : i32
      %dma_start3A_1071 = arith.constant 0 : i32
      %dma_start3A_1072 = tpu.memref_slice %arg6[%dma_start3A_1054, %dma_start3A_1070, %dma_start3A_1071] : memref<8x100x128xf32, #tpu.memory_space<vmem>> -> memref<1x100x128xf32, #tpu.memory_space<vmem>>
      %dma_start3A_1073 = tpu.memref_squeeze %dma_start3A_1072 : memref<1x100x128xf32, #tpu.memory_space<vmem>> -> memref<100x128xf32, #tpu.memory_space<vmem>>
      %dma_start3A_1074 = arith.constant 0 : i32
      %dma_start3A_1075 = arith.constant 0 : i32
      %dma_start3A_1076 = tpu.memref_slice %dma_start3A_1073[%dma_start3A_1074, %dma_start3A_1075] : memref<100x128xf32, #tpu.memory_space<vmem>> -> memref<50x128xf32, #tpu.memory_space<vmem>>
      tpu.enqueue_dma source(%dma_start3A_1076 : memref<50x128xf32, #tpu.memory_space<vmem>>) target(%dma_start3A_1069 : memref<50x128xf32, #tpu.memory_space<hbm>>) target_semaphore(%arg21 : memref<!tpu.dma_semaphore, #tpu.memory_space<semaphore_mem>>)
      %mul3A_1077 = arith.constant 2 : i32
      %mul3A_1078 = arith.muli %mul3A_1077, %add3A_1035 : i32
      %add3A_1079 = arith.addi %mul3A_2, %mul3A_1078 : i32
      %add3A_1080 = arith.constant 1 : i32
      %add3A_1081 = arith.addi %add3A_1079, %add3A_1080 : i32
      %dma_start3A_1082 = arith.constant 6 : i32
      %dma_start3A_1083 = arith.constant 0 : i32
      %dma_start3A_1084 = arith.constant 0 : i32
      %dma_start3A_1085 = tpu.memref_slice %arg6[%dma_start3A_1082, %dma_start3A_1083, %dma_start3A_1084] : memref<8x100x128xf32, #tpu.memory_space<vmem>> -> memref<1x100x128xf32, #tpu.memory_space<vmem>>
      %dma_start3A_1086 = tpu.memref_squeeze %dma_start3A_1085 : memref<1x100x128xf32, #tpu.memory_space<vmem>> -> memref<100x128xf32, #tpu.memory_space<vmem>>
      %dma_start3A_1087 = arith.constant 50 : i32
      %dma_start3A_1088 = arith.constant 0 : i32
      %dma_start3A_1089 = tpu.memref_slice %dma_start3A_1086[%dma_start3A_1087, %dma_start3A_1088] : memref<100x128xf32, #tpu.memory_space<vmem>> -> memref<50x128xf32, #tpu.memory_space<vmem>>
      %dma_start3A_1090 = arith.constant 0 : i32
      %dma_start3A_1091 = arith.constant 0 : i32
      %dma_start3A_1092 = tpu.memref_slice %arg4[%add3A_1081, %dma_start3A_1090, %dma_start3A_1091] : memref<4096x50x128xf32, #tpu.memory_space<hbm>> -> memref<1x50x128xf32, #tpu.memory_space<hbm>>
      %dma_start3A_1093 = tpu.memref_squeeze %dma_start3A_1092 : memref<1x50x128xf32, #tpu.memory_space<hbm>> -> memref<50x128xf32, #tpu.memory_space<hbm>>
      %dma_start3A_1094 = arith.constant 0 : i32
      %dma_start3A_1095 = arith.constant 0 : i32
      %dma_start3A_1096 = tpu.memref_slice %arg4[%add3A_1081, %dma_start3A_1094, %dma_start3A_1095] : memref<4096x50x128xf32, #tpu.memory_space<hbm>> -> memref<1x50x128xf32, #tpu.memory_space<hbm>>
      %dma_start3A_1097 = tpu.memref_squeeze %dma_start3A_1096 : memref<1x50x128xf32, #tpu.memory_space<hbm>> -> memref<50x128xf32, #tpu.memory_space<hbm>>
      %dma_start3A_1098 = arith.constant 0 : i32
      %dma_start3A_1099 = arith.constant 0 : i32
      %dma_start3A_1100 = tpu.memref_slice %arg6[%dma_start3A_1082, %dma_start3A_1098, %dma_start3A_1099] : memref<8x100x128xf32, #tpu.memory_space<vmem>> -> memref<1x100x128xf32, #tpu.memory_space<vmem>>
      %dma_start3A_1101 = tpu.memref_squeeze %dma_start3A_1100 : memref<1x100x128xf32, #tpu.memory_space<vmem>> -> memref<100x128xf32, #tpu.memory_space<vmem>>
      %dma_start3A_1102 = arith.constant 50 : i32
      %dma_start3A_1103 = arith.constant 0 : i32
      %dma_start3A_1104 = tpu.memref_slice %dma_start3A_1101[%dma_start3A_1102, %dma_start3A_1103] : memref<100x128xf32, #tpu.memory_space<vmem>> -> memref<50x128xf32, #tpu.memory_space<vmem>>
      tpu.enqueue_dma source(%dma_start3A_1104 : memref<50x128xf32, #tpu.memory_space<vmem>>) target(%dma_start3A_1097 : memref<50x128xf32, #tpu.memory_space<hbm>>) target_semaphore(%arg21 : memref<!tpu.dma_semaphore, #tpu.memory_space<semaphore_mem>>)
      %add3A_1105 = arith.constant 8 : i32
      %add3A_1106 = arith.addi %add3A_1035, %add3A_1105 : i32
      %lt3A_1107 = arith.constant 64 : i32
      %lt3A_1108 = arith.cmpi slt, %add3A_1106, %lt3A_1107 : i32
      %convert_element_type3A_1109 = arith.extui %lt3A_1108 : i1 to i32
      %cond3A_1110 = arith.constant 0 : i32
      %cond3A_1111 = arith.cmpi ne, %convert_element_type3A_1109, %cond3A_1110 : i32
      scf.if %cond3A_1111 {
        %mul3A_1193 = arith.constant 2 : i32
        %mul3A_1194 = arith.muli %mul3A_1193, %add3A_1035 : i32
        %add3A_1195 = arith.addi %mul3A_2, %mul3A_1194 : i32
        %add3A_1196 = arith.constant 0 : i32
        %add3A_1197 = arith.addi %add3A_1195, %add3A_1196 : i32
        %dma_wait3A_1198 = arith.constant 6 : i32
        %dma_wait3A_1199 = arith.constant 0 : i32
        %dma_wait3A_1200 = arith.constant 0 : i32
        %dma_wait3A_1201 = tpu.memref_slice %arg6[%dma_wait3A_1198, %dma_wait3A_1199, %dma_wait3A_1200] : memref<8x100x128xf32, #tpu.memory_space<vmem>> -> memref<1x100x128xf32, #tpu.memory_space<vmem>>
        %dma_wait3A_1202 = tpu.memref_squeeze %dma_wait3A_1201 : memref<1x100x128xf32, #tpu.memory_space<vmem>> -> memref<100x128xf32, #tpu.memory_space<vmem>>
        %dma_wait3A_1203 = arith.constant 0 : i32
        %dma_wait3A_1204 = arith.constant 0 : i32
        %dma_wait3A_1205 = tpu.memref_slice %dma_wait3A_1202[%dma_wait3A_1203, %dma_wait3A_1204] : memref<100x128xf32, #tpu.memory_space<vmem>> -> memref<50x128xf32, #tpu.memory_space<vmem>>
        %dma_wait3A_1206 = arith.constant 0 : i32
        %dma_wait3A_1207 = arith.constant 0 : i32
        %dma_wait3A_1208 = tpu.memref_slice %arg4[%add3A_1197, %dma_wait3A_1206, %dma_wait3A_1207] : memref<4096x50x128xf32, #tpu.memory_space<hbm>> -> memref<1x50x128xf32, #tpu.memory_space<hbm>>
        %dma_wait3A_1209 = tpu.memref_squeeze %dma_wait3A_1208 : memref<1x50x128xf32, #tpu.memory_space<hbm>> -> memref<50x128xf32, #tpu.memory_space<hbm>>
        %dma_wait3A_1210 = arith.constant 0 : i32
        %dma_wait3A_1211 = arith.constant 0 : i32
        %dma_wait3A_1212 = tpu.memref_slice %arg4[%add3A_1197, %dma_wait3A_1210, %dma_wait3A_1211] : memref<4096x50x128xf32, #tpu.memory_space<hbm>> -> memref<1x50x128xf32, #tpu.memory_space<hbm>>
        %dma_wait3A_1213 = tpu.memref_squeeze %dma_wait3A_1212 : memref<1x50x128xf32, #tpu.memory_space<hbm>> -> memref<50x128xf32, #tpu.memory_space<hbm>>
        %dma_wait3A_1214 = arith.constant 0 : i32
        %dma_wait3A_1215 = arith.constant 0 : i32
        %dma_wait3A_1216 = tpu.memref_slice %arg6[%dma_wait3A_1198, %dma_wait3A_1214, %dma_wait3A_1215] : memref<8x100x128xf32, #tpu.memory_space<vmem>> -> memref<1x100x128xf32, #tpu.memory_space<vmem>>
        %dma_wait3A_1217 = tpu.memref_squeeze %dma_wait3A_1216 : memref<1x100x128xf32, #tpu.memory_space<vmem>> -> memref<100x128xf32, #tpu.memory_space<vmem>>
        %dma_wait3A_1218 = arith.constant 0 : i32
        %dma_wait3A_1219 = arith.constant 0 : i32
        %dma_wait3A_1220 = tpu.memref_slice %dma_wait3A_1217[%dma_wait3A_1218, %dma_wait3A_1219] : memref<100x128xf32, #tpu.memory_space<vmem>> -> memref<50x128xf32, #tpu.memory_space<vmem>>
        tpu.wait_dma2 semaphore(%arg21 : memref<!tpu.dma_semaphore, #tpu.memory_space<semaphore_mem>>) src(%dma_wait3A_1220 : memref<50x128xf32, #tpu.memory_space<vmem>>) dst(%dma_wait3A_1213 : memref<50x128xf32, #tpu.memory_space<hbm>>)
        %mul3A_1221 = arith.constant 2 : i32
        %mul3A_1222 = arith.muli %mul3A_1221, %add3A_1035 : i32
        %add3A_1223 = arith.addi %mul3A_2, %mul3A_1222 : i32
        %add3A_1224 = arith.constant 1 : i32
        %add3A_1225 = arith.addi %add3A_1223, %add3A_1224 : i32
        %dma_wait3A_1226 = arith.constant 6 : i32
        %dma_wait3A_1227 = arith.constant 0 : i32
        %dma_wait3A_1228 = arith.constant 0 : i32
        %dma_wait3A_1229 = tpu.memref_slice %arg6[%dma_wait3A_1226, %dma_wait3A_1227, %dma_wait3A_1228] : memref<8x100x128xf32, #tpu.memory_space<vmem>> -> memref<1x100x128xf32, #tpu.memory_space<vmem>>
        %dma_wait3A_1230 = tpu.memref_squeeze %dma_wait3A_1229 : memref<1x100x128xf32, #tpu.memory_space<vmem>> -> memref<100x128xf32, #tpu.memory_space<vmem>>
        %dma_wait3A_1231 = arith.constant 50 : i32
        %dma_wait3A_1232 = arith.constant 0 : i32
        %dma_wait3A_1233 = tpu.memref_slice %dma_wait3A_1230[%dma_wait3A_1231, %dma_wait3A_1232] : memref<100x128xf32, #tpu.memory_space<vmem>> -> memref<50x128xf32, #tpu.memory_space<vmem>>
        %dma_wait3A_1234 = arith.constant 0 : i32
        %dma_wait3A_1235 = arith.constant 0 : i32
        %dma_wait3A_1236 = tpu.memref_slice %arg4[%add3A_1225, %dma_wait3A_1234, %dma_wait3A_1235] : memref<4096x50x128xf32, #tpu.memory_space<hbm>> -> memref<1x50x128xf32, #tpu.memory_space<hbm>>
        %dma_wait3A_1237 = tpu.memref_squeeze %dma_wait3A_1236 : memref<1x50x128xf32, #tpu.memory_space<hbm>> -> memref<50x128xf32, #tpu.memory_space<hbm>>
        %dma_wait3A_1238 = arith.constant 0 : i32
        %dma_wait3A_1239 = arith.constant 0 : i32
        %dma_wait3A_1240 = tpu.memref_slice %arg4[%add3A_1225, %dma_wait3A_1238, %dma_wait3A_1239] : memref<4096x50x128xf32, #tpu.memory_space<hbm>> -> memref<1x50x128xf32, #tpu.memory_space<hbm>>
        %dma_wait3A_1241 = tpu.memref_squeeze %dma_wait3A_1240 : memref<1x50x128xf32, #tpu.memory_space<hbm>> -> memref<50x128xf32, #tpu.memory_space<hbm>>
        %dma_wait3A_1242 = arith.constant 0 : i32
        %dma_wait3A_1243 = arith.constant 0 : i32
        %dma_wait3A_1244 = tpu.memref_slice %arg6[%dma_wait3A_1226, %dma_wait3A_1242, %dma_wait3A_1243] : memref<8x100x128xf32, #tpu.memory_space<vmem>> -> memref<1x100x128xf32, #tpu.memory_space<vmem>>
        %dma_wait3A_1245 = tpu.memref_squeeze %dma_wait3A_1244 : memref<1x100x128xf32, #tpu.memory_space<vmem>> -> memref<100x128xf32, #tpu.memory_space<vmem>>
        %dma_wait3A_1246 = arith.constant 50 : i32
        %dma_wait3A_1247 = arith.constant 0 : i32
        %dma_wait3A_1248 = tpu.memref_slice %dma_wait3A_1245[%dma_wait3A_1246, %dma_wait3A_1247] : memref<100x128xf32, #tpu.memory_space<vmem>> -> memref<50x128xf32, #tpu.memory_space<vmem>>
        tpu.wait_dma2 semaphore(%arg21 : memref<!tpu.dma_semaphore, #tpu.memory_space<semaphore_mem>>) src(%dma_wait3A_1248 : memref<50x128xf32, #tpu.memory_space<vmem>>) dst(%dma_wait3A_1241 : memref<50x128xf32, #tpu.memory_space<hbm>>)
        %add3A_1249 = arith.constant 8 : i32
        %add3A_1250 = arith.addi %add3A_1035, %add3A_1249 : i32
        %dma_start3A_1251 = arith.constant 6 : i32
        %dma_start3A_1252 = arith.constant 0 : i32
        %dma_start3A_1253 = arith.constant 0 : i32
        %dma_start3A_1254 = tpu.memref_slice %arg6[%dma_start3A_1251, %dma_start3A_1252, %dma_start3A_1253] : memref<8x100x128xf32, #tpu.memory_space<vmem>> -> memref<1x100x128xf32, #tpu.memory_space<vmem>>
        %dma_start3A_1255 = tpu.memref_squeeze %dma_start3A_1254 : memref<1x100x128xf32, #tpu.memory_space<vmem>> -> memref<100x128xf32, #tpu.memory_space<vmem>>
        %dma_start3A_1256 = arith.constant 0 : i32
        %dma_start3A_1257 = tpu.memref_slice %arg5[%add3A_1250, %dma_start3A_1256] : memref<64x128xi32, #tpu.memory_space<vmem>> -> memref<1x128xi32, #tpu.memory_space<vmem>>
        %dma_start3A_1258 = tpu.memref_squeeze %dma_start3A_1257 : memref<1x128xi32, #tpu.memory_space<vmem>> -> memref<128xi32, #tpu.memory_space<vmem>>
        %dma_start3A_1259 = arith.constant 0 : i32
        %dma_start3A_1260 = tpu.memref_slice %dma_start3A_1258[%dma_start3A_1259] : memref<128xi32, #tpu.memory_space<vmem>> -> memref<100xi32, #tpu.memory_space<vmem>>
        %dma_start3A_1261 = arith.constant 0 : i32
        %dma_start3A_1262 = arith.constant 0 : i32
        %dma_start3A_1263 = tpu.memref_slice %arg3[%dma_start3A_1261, %dma_start3A_1262] : memref<100000x128xf32, #tpu.memory_space<hbm>> -> memref<100000x128xf32, #tpu.memory_space<hbm>>
        tpu.enqueue_indirect_dma source(%dma_start3A_1263 : memref<100000x128xf32, #tpu.memory_space<hbm>>) target(%dma_start3A_1255 : memref<100x128xf32, #tpu.memory_space<vmem>>) offsets(%dma_start3A_1260 : memref<100xi32, #tpu.memory_space<vmem>>) semaphore(%arg13 : memref<!tpu.dma_semaphore, #tpu.memory_space<semaphore_mem>>)
      } else {
      }
      %mul3A_1112 = arith.constant 8 : i32
      %mul3A_1113 = arith.muli %scan3A_553, %mul3A_1112 : i32
      %add3A_1114 = arith.constant 7 : i32
      %add3A_1115 = arith.addi %mul3A_1113, %add3A_1114 : i32
      %dma_wait3A_1116 = arith.constant 7 : i32
      %dma_wait3A_1117 = arith.constant 0 : i32
      %dma_wait3A_1118 = arith.constant 0 : i32
      %dma_wait3A_1119 = tpu.memref_slice %arg6[%dma_wait3A_1116, %dma_wait3A_1117, %dma_wait3A_1118] : memref<8x100x128xf32, #tpu.memory_space<vmem>> -> memref<1x100x128xf32, #tpu.memory_space<vmem>>
      %dma_wait3A_1120 = tpu.memref_squeeze %dma_wait3A_1119 : memref<1x100x128xf32, #tpu.memory_space<vmem>> -> memref<100x128xf32, #tpu.memory_space<vmem>>
      %dma_wait3A_1121 = arith.constant 0 : i32
      %dma_wait3A_1122 = tpu.memref_slice %arg5[%add3A_1115, %dma_wait3A_1121] : memref<64x128xi32, #tpu.memory_space<vmem>> -> memref<1x128xi32, #tpu.memory_space<vmem>>
      %dma_wait3A_1123 = tpu.memref_squeeze %dma_wait3A_1122 : memref<1x128xi32, #tpu.memory_space<vmem>> -> memref<128xi32, #tpu.memory_space<vmem>>
      %dma_wait3A_1124 = arith.constant 0 : i32
      %dma_wait3A_1125 = tpu.memref_slice %dma_wait3A_1123[%dma_wait3A_1124] : memref<128xi32, #tpu.memory_space<vmem>> -> memref<100xi32, #tpu.memory_space<vmem>>
      %dma_wait3A_1126 = arith.constant 0 : i32
      %dma_wait3A_1127 = arith.constant 0 : i32
      %dma_wait3A_1128 = tpu.memref_slice %arg3[%dma_wait3A_1126, %dma_wait3A_1127] : memref<100000x128xf32, #tpu.memory_space<hbm>> -> memref<100000x128xf32, #tpu.memory_space<hbm>>
      tpu.wait_indirect_dma semaphore(%arg14 : memref<!tpu.dma_semaphore, #tpu.memory_space<semaphore_mem>>) src(%dma_wait3A_1128 : memref<100000x128xf32, #tpu.memory_space<hbm>>) dst(%dma_wait3A_1120 : memref<100x128xf32, #tpu.memory_space<vmem>>)
      %mul3A_1129 = arith.constant 2 : i32
      %mul3A_1130 = arith.muli %mul3A_1129, %add3A_1115 : i32
      %add3A_1131 = arith.addi %mul3A_2, %mul3A_1130 : i32
      %add3A_1132 = arith.constant 0 : i32
      %add3A_1133 = arith.addi %add3A_1131, %add3A_1132 : i32
      %dma_start3A_1134 = arith.constant 7 : i32
      %dma_start3A_1135 = arith.constant 0 : i32
      %dma_start3A_1136 = arith.constant 0 : i32
      %dma_start3A_1137 = tpu.memref_slice %arg6[%dma_start3A_1134, %dma_start3A_1135, %dma_start3A_1136] : memref<8x100x128xf32, #tpu.memory_space<vmem>> -> memref<1x100x128xf32, #tpu.memory_space<vmem>>
      %dma_start3A_1138 = tpu.memref_squeeze %dma_start3A_1137 : memref<1x100x128xf32, #tpu.memory_space<vmem>> -> memref<100x128xf32, #tpu.memory_space<vmem>>
      %dma_start3A_1139 = arith.constant 0 : i32
      %dma_start3A_1140 = arith.constant 0 : i32
      %dma_start3A_1141 = tpu.memref_slice %dma_start3A_1138[%dma_start3A_1139, %dma_start3A_1140] : memref<100x128xf32, #tpu.memory_space<vmem>> -> memref<50x128xf32, #tpu.memory_space<vmem>>
      %dma_start3A_1142 = arith.constant 0 : i32
      %dma_start3A_1143 = arith.constant 0 : i32
      %dma_start3A_1144 = tpu.memref_slice %arg4[%add3A_1133, %dma_start3A_1142, %dma_start3A_1143] : memref<4096x50x128xf32, #tpu.memory_space<hbm>> -> memref<1x50x128xf32, #tpu.memory_space<hbm>>
      %dma_start3A_1145 = tpu.memref_squeeze %dma_start3A_1144 : memref<1x50x128xf32, #tpu.memory_space<hbm>> -> memref<50x128xf32, #tpu.memory_space<hbm>>
      %dma_start3A_1146 = arith.constant 0 : i32
      %dma_start3A_1147 = arith.constant 0 : i32
      %dma_start3A_1148 = tpu.memref_slice %arg4[%add3A_1133, %dma_start3A_1146, %dma_start3A_1147] : memref<4096x50x128xf32, #tpu.memory_space<hbm>> -> memref<1x50x128xf32, #tpu.memory_space<hbm>>
      %dma_start3A_1149 = tpu.memref_squeeze %dma_start3A_1148 : memref<1x50x128xf32, #tpu.memory_space<hbm>> -> memref<50x128xf32, #tpu.memory_space<hbm>>
      %dma_start3A_1150 = arith.constant 0 : i32
      %dma_start3A_1151 = arith.constant 0 : i32
      %dma_start3A_1152 = tpu.memref_slice %arg6[%dma_start3A_1134, %dma_start3A_1150, %dma_start3A_1151] : memref<8x100x128xf32, #tpu.memory_space<vmem>> -> memref<1x100x128xf32, #tpu.memory_space<vmem>>
      %dma_start3A_1153 = tpu.memref_squeeze %dma_start3A_1152 : memref<1x100x128xf32, #tpu.memory_space<vmem>> -> memref<100x128xf32, #tpu.memory_space<vmem>>
      %dma_start3A_1154 = arith.constant 0 : i32
      %dma_start3A_1155 = arith.constant 0 : i32
      %dma_start3A_1156 = tpu.memref_slice %dma_start3A_1153[%dma_start3A_1154, %dma_start3A_1155] : memref<100x128xf32, #tpu.memory_space<vmem>> -> memref<50x128xf32, #tpu.memory_space<vmem>>
      tpu.enqueue_dma source(%dma_start3A_1156 : memref<50x128xf32, #tpu.memory_space<vmem>>) target(%dma_start3A_1149 : memref<50x128xf32, #tpu.memory_space<hbm>>) target_semaphore(%arg22 : memref<!tpu.dma_semaphore, #tpu.memory_space<semaphore_mem>>)
      %mul3A_1157 = arith.constant 2 : i32
      %mul3A_1158 = arith.muli %mul3A_1157, %add3A_1115 : i32
      %add3A_1159 = arith.addi %mul3A_2, %mul3A_1158 : i32
      %add3A_1160 = arith.constant 1 : i32
      %add3A_1161 = arith.addi %add3A_1159, %add3A_1160 : i32
      %dma_start3A_1162 = arith.constant 7 : i32
      %dma_start3A_1163 = arith.constant 0 : i32
      %dma_start3A_1164 = arith.constant 0 : i32
      %dma_start3A_1165 = tpu.memref_slice %arg6[%dma_start3A_1162, %dma_start3A_1163, %dma_start3A_1164] : memref<8x100x128xf32, #tpu.memory_space<vmem>> -> memref<1x100x128xf32, #tpu.memory_space<vmem>>
      %dma_start3A_1166 = tpu.memref_squeeze %dma_start3A_1165 : memref<1x100x128xf32, #tpu.memory_space<vmem>> -> memref<100x128xf32, #tpu.memory_space<vmem>>
      %dma_start3A_1167 = arith.constant 50 : i32
      %dma_start3A_1168 = arith.constant 0 : i32
      %dma_start3A_1169 = tpu.memref_slice %dma_start3A_1166[%dma_start3A_1167, %dma_start3A_1168] : memref<100x128xf32, #tpu.memory_space<vmem>> -> memref<50x128xf32, #tpu.memory_space<vmem>>
      %dma_start3A_1170 = arith.constant 0 : i32
      %dma_start3A_1171 = arith.constant 0 : i32
      %dma_start3A_1172 = tpu.memref_slice %arg4[%add3A_1161, %dma_start3A_1170, %dma_start3A_1171] : memref<4096x50x128xf32, #tpu.memory_space<hbm>> -> memref<1x50x128xf32, #tpu.memory_space<hbm>>
      %dma_start3A_1173 = tpu.memref_squeeze %dma_start3A_1172 : memref<1x50x128xf32, #tpu.memory_space<hbm>> -> memref<50x128xf32, #tpu.memory_space<hbm>>
      %dma_start3A_1174 = arith.constant 0 : i32
      %dma_start3A_1175 = arith.constant 0 : i32
      %dma_start3A_1176 = tpu.memref_slice %arg4[%add3A_1161, %dma_start3A_1174, %dma_start3A_1175] : memref<4096x50x128xf32, #tpu.memory_space<hbm>> -> memref<1x50x128xf32, #tpu.memory_space<hbm>>
      %dma_start3A_1177 = tpu.memref_squeeze %dma_start3A_1176 : memref<1x50x128xf32, #tpu.memory_space<hbm>> -> memref<50x128xf32, #tpu.memory_space<hbm>>
      %dma_start3A_1178 = arith.constant 0 : i32
      %dma_start3A_1179 = arith.constant 0 : i32
      %dma_start3A_1180 = tpu.memref_slice %arg6[%dma_start3A_1162, %dma_start3A_1178, %dma_start3A_1179] : memref<8x100x128xf32, #tpu.memory_space<vmem>> -> memref<1x100x128xf32, #tpu.memory_space<vmem>>
      %dma_start3A_1181 = tpu.memref_squeeze %dma_start3A_1180 : memref<1x100x128xf32, #tpu.memory_space<vmem>> -> memref<100x128xf32, #tpu.memory_space<vmem>>
      %dma_start3A_1182 = arith.constant 50 : i32
      %dma_start3A_1183 = arith.constant 0 : i32
      %dma_start3A_1184 = tpu.memref_slice %dma_start3A_1181[%dma_start3A_1182, %dma_start3A_1183] : memref<100x128xf32, #tpu.memory_space<vmem>> -> memref<50x128xf32, #tpu.memory_space<vmem>>
      tpu.enqueue_dma source(%dma_start3A_1184 : memref<50x128xf32, #tpu.memory_space<vmem>>) target(%dma_start3A_1177 : memref<50x128xf32, #tpu.memory_space<hbm>>) target_semaphore(%arg22 : memref<!tpu.dma_semaphore, #tpu.memory_space<semaphore_mem>>)
      %add3A_1185 = arith.constant 8 : i32
      %add3A_1186 = arith.addi %add3A_1115, %add3A_1185 : i32
      %lt3A_1187 = arith.constant 64 : i32
      %lt3A_1188 = arith.cmpi slt, %add3A_1186, %lt3A_1187 : i32
      %convert_element_type3A_1189 = arith.extui %lt3A_1188 : i1 to i32
      %cond3A_1190 = arith.constant 0 : i32
      %cond3A_1191 = arith.cmpi ne, %convert_element_type3A_1189, %cond3A_1190 : i32
      scf.if %cond3A_1191 {
        %mul3A_1193 = arith.constant 2 : i32
        %mul3A_1194 = arith.muli %mul3A_1193, %add3A_1115 : i32
        %add3A_1195 = arith.addi %mul3A_2, %mul3A_1194 : i32
        %add3A_1196 = arith.constant 0 : i32
        %add3A_1197 = arith.addi %add3A_1195, %add3A_1196 : i32
        %dma_wait3A_1198 = arith.constant 7 : i32
        %dma_wait3A_1199 = arith.constant 0 : i32
        %dma_wait3A_1200 = arith.constant 0 : i32
        %dma_wait3A_1201 = tpu.memref_slice %arg6[%dma_wait3A_1198, %dma_wait3A_1199, %dma_wait3A_1200] : memref<8x100x128xf32, #tpu.memory_space<vmem>> -> memref<1x100x128xf32, #tpu.memory_space<vmem>>
        %dma_wait3A_1202 = tpu.memref_squeeze %dma_wait3A_1201 : memref<1x100x128xf32, #tpu.memory_space<vmem>> -> memref<100x128xf32, #tpu.memory_space<vmem>>
        %dma_wait3A_1203 = arith.constant 0 : i32
        %dma_wait3A_1204 = arith.constant 0 : i32
        %dma_wait3A_1205 = tpu.memref_slice %dma_wait3A_1202[%dma_wait3A_1203, %dma_wait3A_1204] : memref<100x128xf32, #tpu.memory_space<vmem>> -> memref<50x128xf32, #tpu.memory_space<vmem>>
        %dma_wait3A_1206 = arith.constant 0 : i32
        %dma_wait3A_1207 = arith.constant 0 : i32
        %dma_wait3A_1208 = tpu.memref_slice %arg4[%add3A_1197, %dma_wait3A_1206, %dma_wait3A_1207] : memref<4096x50x128xf32, #tpu.memory_space<hbm>> -> memref<1x50x128xf32, #tpu.memory_space<hbm>>
        %dma_wait3A_1209 = tpu.memref_squeeze %dma_wait3A_1208 : memref<1x50x128xf32, #tpu.memory_space<hbm>> -> memref<50x128xf32, #tpu.memory_space<hbm>>
        %dma_wait3A_1210 = arith.constant 0 : i32
        %dma_wait3A_1211 = arith.constant 0 : i32
        %dma_wait3A_1212 = tpu.memref_slice %arg4[%add3A_1197, %dma_wait3A_1210, %dma_wait3A_1211] : memref<4096x50x128xf32, #tpu.memory_space<hbm>> -> memref<1x50x128xf32, #tpu.memory_space<hbm>>
        %dma_wait3A_1213 = tpu.memref_squeeze %dma_wait3A_1212 : memref<1x50x128xf32, #tpu.memory_space<hbm>> -> memref<50x128xf32, #tpu.memory_space<hbm>>
        %dma_wait3A_1214 = arith.constant 0 : i32
        %dma_wait3A_1215 = arith.constant 0 : i32
        %dma_wait3A_1216 = tpu.memref_slice %arg6[%dma_wait3A_1198, %dma_wait3A_1214, %dma_wait3A_1215] : memref<8x100x128xf32, #tpu.memory_space<vmem>> -> memref<1x100x128xf32, #tpu.memory_space<vmem>>
        %dma_wait3A_1217 = tpu.memref_squeeze %dma_wait3A_1216 : memref<1x100x128xf32, #tpu.memory_space<vmem>> -> memref<100x128xf32, #tpu.memory_space<vmem>>
        %dma_wait3A_1218 = arith.constant 0 : i32
        %dma_wait3A_1219 = arith.constant 0 : i32
        %dma_wait3A_1220 = tpu.memref_slice %dma_wait3A_1217[%dma_wait3A_1218, %dma_wait3A_1219] : memref<100x128xf32, #tpu.memory_space<vmem>> -> memref<50x128xf32, #tpu.memory_space<vmem>>
        tpu.wait_dma2 semaphore(%arg22 : memref<!tpu.dma_semaphore, #tpu.memory_space<semaphore_mem>>) src(%dma_wait3A_1220 : memref<50x128xf32, #tpu.memory_space<vmem>>) dst(%dma_wait3A_1213 : memref<50x128xf32, #tpu.memory_space<hbm>>)
        %mul3A_1221 = arith.constant 2 : i32
        %mul3A_1222 = arith.muli %mul3A_1221, %add3A_1115 : i32
        %add3A_1223 = arith.addi %mul3A_2, %mul3A_1222 : i32
        %add3A_1224 = arith.constant 1 : i32
        %add3A_1225 = arith.addi %add3A_1223, %add3A_1224 : i32
        %dma_wait3A_1226 = arith.constant 7 : i32
        %dma_wait3A_1227 = arith.constant 0 : i32
        %dma_wait3A_1228 = arith.constant 0 : i32
        %dma_wait3A_1229 = tpu.memref_slice %arg6[%dma_wait3A_1226, %dma_wait3A_1227, %dma_wait3A_1228] : memref<8x100x128xf32, #tpu.memory_space<vmem>> -> memref<1x100x128xf32, #tpu.memory_space<vmem>>
        %dma_wait3A_1230 = tpu.memref_squeeze %dma_wait3A_1229 : memref<1x100x128xf32, #tpu.memory_space<vmem>> -> memref<100x128xf32, #tpu.memory_space<vmem>>
        %dma_wait3A_1231 = arith.constant 50 : i32
        %dma_wait3A_1232 = arith.constant 0 : i32
        %dma_wait3A_1233 = tpu.memref_slice %dma_wait3A_1230[%dma_wait3A_1231, %dma_wait3A_1232] : memref<100x128xf32, #tpu.memory_space<vmem>> -> memref<50x128xf32, #tpu.memory_space<vmem>>
        %dma_wait3A_1234 = arith.constant 0 : i32
        %dma_wait3A_1235 = arith.constant 0 : i32
        %dma_wait3A_1236 = tpu.memref_slice %arg4[%add3A_1225, %dma_wait3A_1234, %dma_wait3A_1235] : memref<4096x50x128xf32, #tpu.memory_space<hbm>> -> memref<1x50x128xf32, #tpu.memory_space<hbm>>
        %dma_wait3A_1237 = tpu.memref_squeeze %dma_wait3A_1236 : memref<1x50x128xf32, #tpu.memory_space<hbm>> -> memref<50x128xf32, #tpu.memory_space<hbm>>
        %dma_wait3A_1238 = arith.constant 0 : i32
        %dma_wait3A_1239 = arith.constant 0 : i32
        %dma_wait3A_1240 = tpu.memref_slice %arg4[%add3A_1225, %dma_wait3A_1238, %dma_wait3A_1239] : memref<4096x50x128xf32, #tpu.memory_space<hbm>> -> memref<1x50x128xf32, #tpu.memory_space<hbm>>
        %dma_wait3A_1241 = tpu.memref_squeeze %dma_wait3A_1240 : memref<1x50x128xf32, #tpu.memory_space<hbm>> -> memref<50x128xf32, #tpu.memory_space<hbm>>
        %dma_wait3A_1242 = arith.constant 0 : i32
        %dma_wait3A_1243 = arith.constant 0 : i32
        %dma_wait3A_1244 = tpu.memref_slice %arg6[%dma_wait3A_1226, %dma_wait3A_1242, %dma_wait3A_1243] : memref<8x100x128xf32, #tpu.memory_space<vmem>> -> memref<1x100x128xf32, #tpu.memory_space<vmem>>
        %dma_wait3A_1245 = tpu.memref_squeeze %dma_wait3A_1244 : memref<1x100x128xf32, #tpu.memory_space<vmem>> -> memref<100x128xf32, #tpu.memory_space<vmem>>
        %dma_wait3A_1246 = arith.constant 50 : i32
        %dma_wait3A_1247 = arith.constant 0 : i32
        %dma_wait3A_1248 = tpu.memref_slice %dma_wait3A_1245[%dma_wait3A_1246, %dma_wait3A_1247] : memref<100x128xf32, #tpu.memory_space<vmem>> -> memref<50x128xf32, #tpu.memory_space<vmem>>
        tpu.wait_dma2 semaphore(%arg22 : memref<!tpu.dma_semaphore, #tpu.memory_space<semaphore_mem>>) src(%dma_wait3A_1248 : memref<50x128xf32, #tpu.memory_space<vmem>>) dst(%dma_wait3A_1241 : memref<50x128xf32, #tpu.memory_space<hbm>>)
        %add3A_1249 = arith.constant 8 : i32
        %add3A_1250 = arith.addi %add3A_1115, %add3A_1249 : i32
        %dma_start3A_1251 = arith.constant 7 : i32
        %dma_start3A_1252 = arith.constant 0 : i32
        %dma_start3A_1253 = arith.constant 0 : i32
        %dma_start3A_1254 = tpu.memref_slice %arg6[%dma_start3A_1251, %dma_start3A_1252, %dma_start3A_1253] : memref<8x100x128xf32, #tpu.memory_space<vmem>> -> memref<1x100x128xf32, #tpu.memory_space<vmem>>
        %dma_start3A_1255 = tpu.memref_squeeze %dma_start3A_1254 : memref<1x100x128xf32, #tpu.memory_space<vmem>> -> memref<100x128xf32, #tpu.memory_space<vmem>>
        %dma_start3A_1256 = arith.constant 0 : i32
        %dma_start3A_1257 = tpu.memref_slice %arg5[%add3A_1250, %dma_start3A_1256] : memref<64x128xi32, #tpu.memory_space<vmem>> -> memref<1x128xi32, #tpu.memory_space<vmem>>
        %dma_start3A_1258 = tpu.memref_squeeze %dma_start3A_1257 : memref<1x128xi32, #tpu.memory_space<vmem>> -> memref<128xi32, #tpu.memory_space<vmem>>
        %dma_start3A_1259 = arith.constant 0 : i32
        %dma_start3A_1260 = tpu.memref_slice %dma_start3A_1258[%dma_start3A_1259] : memref<128xi32, #tpu.memory_space<vmem>> -> memref<100xi32, #tpu.memory_space<vmem>>
        %dma_start3A_1261 = arith.constant 0 : i32
        %dma_start3A_1262 = arith.constant 0 : i32
        %dma_start3A_1263 = tpu.memref_slice %arg3[%dma_start3A_1261, %dma_start3A_1262] : memref<100000x128xf32, #tpu.memory_space<hbm>> -> memref<100000x128xf32, #tpu.memory_space<hbm>>
        tpu.enqueue_indirect_dma source(%dma_start3A_1263 : memref<100000x128xf32, #tpu.memory_space<hbm>>) target(%dma_start3A_1255 : memref<100x128xf32, #tpu.memory_space<vmem>>) offsets(%dma_start3A_1260 : memref<100xi32, #tpu.memory_space<vmem>>) semaphore(%arg14 : memref<!tpu.dma_semaphore, #tpu.memory_space<semaphore_mem>>)
      } else {
      }
      %scan3A_1192 = arith.constant 0 : i32
      scf.yield %scan3A_1192 : i32
    }
    %scan3A_121 = arith.constant 8 : i32
    %add3A_122 = arith.constant 112 : i32
    %add3A_123 = arith.addi %mul3A_2, %add3A_122 : i32
    %add3A_124 = arith.constant 0 : i32
    %add3A_125 = arith.addi %add3A_123, %add3A_124 : i32
    %dma_wait3A = arith.constant 0 : i32
    %dma_wait3A_126 = arith.constant 0 : i32
    %dma_wait3A_127 = arith.constant 0 : i32
    %dma_wait3A_128 = tpu.memref_slice %arg6[%dma_wait3A, %dma_wait3A_126, %dma_wait3A_127] : memref<8x100x128xf32, #tpu.memory_space<vmem>> -> memref<1x100x128xf32, #tpu.memory_space<vmem>>
    %dma_wait3A_129 = tpu.memref_squeeze %dma_wait3A_128 : memref<1x100x128xf32, #tpu.memory_space<vmem>> -> memref<100x128xf32, #tpu.memory_space<vmem>>
    %dma_wait3A_130 = arith.constant 0 : i32
    %dma_wait3A_131 = arith.constant 0 : i32
    %dma_wait3A_132 = tpu.memref_slice %dma_wait3A_129[%dma_wait3A_130, %dma_wait3A_131] : memref<100x128xf32, #tpu.memory_space<vmem>> -> memref<50x128xf32, #tpu.memory_space<vmem>>
    %dma_wait3A_133 = arith.constant 0 : i32
    %dma_wait3A_134 = arith.constant 0 : i32
    %dma_wait3A_135 = tpu.memref_slice %arg4[%add3A_125, %dma_wait3A_133, %dma_wait3A_134] : memref<4096x50x128xf32, #tpu.memory_space<hbm>> -> memref<1x50x128xf32, #tpu.memory_space<hbm>>
    %dma_wait3A_136 = tpu.memref_squeeze %dma_wait3A_135 : memref<1x50x128xf32, #tpu.memory_space<hbm>> -> memref<50x128xf32, #tpu.memory_space<hbm>>
    %dma_wait3A_137 = arith.constant 0 : i32
    %dma_wait3A_138 = arith.constant 0 : i32
    %dma_wait3A_139 = tpu.memref_slice %arg4[%add3A_125, %dma_wait3A_137, %dma_wait3A_138] : memref<4096x50x128xf32, #tpu.memory_space<hbm>> -> memref<1x50x128xf32, #tpu.memory_space<hbm>>
    %dma_wait3A_140 = tpu.memref_squeeze %dma_wait3A_139 : memref<1x50x128xf32, #tpu.memory_space<hbm>> -> memref<50x128xf32, #tpu.memory_space<hbm>>
    %dma_wait3A_141 = arith.constant 0 : i32
    %dma_wait3A_142 = arith.constant 0 : i32
    %dma_wait3A_143 = tpu.memref_slice %arg6[%dma_wait3A, %dma_wait3A_141, %dma_wait3A_142] : memref<8x100x128xf32, #tpu.memory_space<vmem>> -> memref<1x100x128xf32, #tpu.memory_space<vmem>>
    %dma_wait3A_144 = tpu.memref_squeeze %dma_wait3A_143 : memref<1x100x128xf32, #tpu.memory_space<vmem>> -> memref<100x128xf32, #tpu.memory_space<vmem>>
    %dma_wait3A_145 = arith.constant 0 : i32
    %dma_wait3A_146 = arith.constant 0 : i32
    %dma_wait3A_147 = tpu.memref_slice %dma_wait3A_144[%dma_wait3A_145, %dma_wait3A_146] : memref<100x128xf32, #tpu.memory_space<vmem>> -> memref<50x128xf32, #tpu.memory_space<vmem>>
    tpu.wait_dma2 semaphore(%arg15 : memref<!tpu.dma_semaphore, #tpu.memory_space<semaphore_mem>>) src(%dma_wait3A_147 : memref<50x128xf32, #tpu.memory_space<vmem>>) dst(%dma_wait3A_140 : memref<50x128xf32, #tpu.memory_space<hbm>>)
    %add3A_148 = arith.constant 112 : i32
    %add3A_149 = arith.addi %mul3A_2, %add3A_148 : i32
    %add3A_150 = arith.constant 1 : i32
    %add3A_151 = arith.addi %add3A_149, %add3A_150 : i32
    %dma_wait3A_152 = arith.constant 0 : i32
    %dma_wait3A_153 = arith.constant 0 : i32
    %dma_wait3A_154 = arith.constant 0 : i32
    %dma_wait3A_155 = tpu.memref_slice %arg6[%dma_wait3A_152, %dma_wait3A_153, %dma_wait3A_154] : memref<8x100x128xf32, #tpu.memory_space<vmem>> -> memref<1x100x128xf32, #tpu.memory_space<vmem>>
    %dma_wait3A_156 = tpu.memref_squeeze %dma_wait3A_155 : memref<1x100x128xf32, #tpu.memory_space<vmem>> -> memref<100x128xf32, #tpu.memory_space<vmem>>
    %dma_wait3A_157 = arith.constant 50 : i32
    %dma_wait3A_158 = arith.constant 0 : i32
    %dma_wait3A_159 = tpu.memref_slice %dma_wait3A_156[%dma_wait3A_157, %dma_wait3A_158] : memref<100x128xf32, #tpu.memory_space<vmem>> -> memref<50x128xf32, #tpu.memory_space<vmem>>
    %dma_wait3A_160 = arith.constant 0 : i32
    %dma_wait3A_161 = arith.constant 0 : i32
    %dma_wait3A_162 = tpu.memref_slice %arg4[%add3A_151, %dma_wait3A_160, %dma_wait3A_161] : memref<4096x50x128xf32, #tpu.memory_space<hbm>> -> memref<1x50x128xf32, #tpu.memory_space<hbm>>
    %dma_wait3A_163 = tpu.memref_squeeze %dma_wait3A_162 : memref<1x50x128xf32, #tpu.memory_space<hbm>> -> memref<50x128xf32, #tpu.memory_space<hbm>>
    %dma_wait3A_164 = arith.constant 0 : i32
    %dma_wait3A_165 = arith.constant 0 : i32
    %dma_wait3A_166 = tpu.memref_slice %arg4[%add3A_151, %dma_wait3A_164, %dma_wait3A_165] : memref<4096x50x128xf32, #tpu.memory_space<hbm>> -> memref<1x50x128xf32, #tpu.memory_space<hbm>>
    %dma_wait3A_167 = tpu.memref_squeeze %dma_wait3A_166 : memref<1x50x128xf32, #tpu.memory_space<hbm>> -> memref<50x128xf32, #tpu.memory_space<hbm>>
    %dma_wait3A_168 = arith.constant 0 : i32
    %dma_wait3A_169 = arith.constant 0 : i32
    %dma_wait3A_170 = tpu.memref_slice %arg6[%dma_wait3A_152, %dma_wait3A_168, %dma_wait3A_169] : memref<8x100x128xf32, #tpu.memory_space<vmem>> -> memref<1x100x128xf32, #tpu.memory_space<vmem>>
    %dma_wait3A_171 = tpu.memref_squeeze %dma_wait3A_170 : memref<1x100x128xf32, #tpu.memory_space<vmem>> -> memref<100x128xf32, #tpu.memory_space<vmem>>
    %dma_wait3A_172 = arith.constant 50 : i32
    %dma_wait3A_173 = arith.constant 0 : i32
    %dma_wait3A_174 = tpu.memref_slice %dma_wait3A_171[%dma_wait3A_172, %dma_wait3A_173] : memref<100x128xf32, #tpu.memory_space<vmem>> -> memref<50x128xf32, #tpu.memory_space<vmem>>
    tpu.wait_dma2 semaphore(%arg15 : memref<!tpu.dma_semaphore, #tpu.memory_space<semaphore_mem>>) src(%dma_wait3A_174 : memref<50x128xf32, #tpu.memory_space<vmem>>) dst(%dma_wait3A_167 : memref<50x128xf32, #tpu.memory_space<hbm>>)
    %add3A_175 = arith.constant 114 : i32
    %add3A_176 = arith.addi %mul3A_2, %add3A_175 : i32
    %add3A_177 = arith.constant 0 : i32
    %add3A_178 = arith.addi %add3A_176, %add3A_177 : i32
    %dma_wait3A_179 = arith.constant 1 : i32
    %dma_wait3A_180 = arith.constant 0 : i32
    %dma_wait3A_181 = arith.constant 0 : i32
    %dma_wait3A_182 = tpu.memref_slice %arg6[%dma_wait3A_179, %dma_wait3A_180, %dma_wait3A_181] : memref<8x100x128xf32, #tpu.memory_space<vmem>> -> memref<1x100x128xf32, #tpu.memory_space<vmem>>
    %dma_wait3A_183 = tpu.memref_squeeze %dma_wait3A_182 : memref<1x100x128xf32, #tpu.memory_space<vmem>> -> memref<100x128xf32, #tpu.memory_space<vmem>>
    %dma_wait3A_184 = arith.constant 0 : i32
    %dma_wait3A_185 = arith.constant 0 : i32
    %dma_wait3A_186 = tpu.memref_slice %dma_wait3A_183[%dma_wait3A_184, %dma_wait3A_185] : memref<100x128xf32, #tpu.memory_space<vmem>> -> memref<50x128xf32, #tpu.memory_space<vmem>>
    %dma_wait3A_187 = arith.constant 0 : i32
    %dma_wait3A_188 = arith.constant 0 : i32
    %dma_wait3A_189 = tpu.memref_slice %arg4[%add3A_178, %dma_wait3A_187, %dma_wait3A_188] : memref<4096x50x128xf32, #tpu.memory_space<hbm>> -> memref<1x50x128xf32, #tpu.memory_space<hbm>>
    %dma_wait3A_190 = tpu.memref_squeeze %dma_wait3A_189 : memref<1x50x128xf32, #tpu.memory_space<hbm>> -> memref<50x128xf32, #tpu.memory_space<hbm>>
    %dma_wait3A_191 = arith.constant 0 : i32
    %dma_wait3A_192 = arith.constant 0 : i32
    %dma_wait3A_193 = tpu.memref_slice %arg4[%add3A_178, %dma_wait3A_191, %dma_wait3A_192] : memref<4096x50x128xf32, #tpu.memory_space<hbm>> -> memref<1x50x128xf32, #tpu.memory_space<hbm>>
    %dma_wait3A_194 = tpu.memref_squeeze %dma_wait3A_193 : memref<1x50x128xf32, #tpu.memory_space<hbm>> -> memref<50x128xf32, #tpu.memory_space<hbm>>
    %dma_wait3A_195 = arith.constant 0 : i32
    %dma_wait3A_196 = arith.constant 0 : i32
    %dma_wait3A_197 = tpu.memref_slice %arg6[%dma_wait3A_179, %dma_wait3A_195, %dma_wait3A_196] : memref<8x100x128xf32, #tpu.memory_space<vmem>> -> memref<1x100x128xf32, #tpu.memory_space<vmem>>
    %dma_wait3A_198 = tpu.memref_squeeze %dma_wait3A_197 : memref<1x100x128xf32, #tpu.memory_space<vmem>> -> memref<100x128xf32, #tpu.memory_space<vmem>>
    %dma_wait3A_199 = arith.constant 0 : i32
    %dma_wait3A_200 = arith.constant 0 : i32
    %dma_wait3A_201 = tpu.memref_slice %dma_wait3A_198[%dma_wait3A_199, %dma_wait3A_200] : memref<100x128xf32, #tpu.memory_space<vmem>> -> memref<50x128xf32, #tpu.memory_space<vmem>>
    tpu.wait_dma2 semaphore(%arg16 : memref<!tpu.dma_semaphore, #tpu.memory_space<semaphore_mem>>) src(%dma_wait3A_201 : memref<50x128xf32, #tpu.memory_space<vmem>>) dst(%dma_wait3A_194 : memref<50x128xf32, #tpu.memory_space<hbm>>)
    %add3A_202 = arith.constant 114 : i32
    %add3A_203 = arith.addi %mul3A_2, %add3A_202 : i32
    %add3A_204 = arith.constant 1 : i32
    %add3A_205 = arith.addi %add3A_203, %add3A_204 : i32
    %dma_wait3A_206 = arith.constant 1 : i32
    %dma_wait3A_207 = arith.constant 0 : i32
    %dma_wait3A_208 = arith.constant 0 : i32
    %dma_wait3A_209 = tpu.memref_slice %arg6[%dma_wait3A_206, %dma_wait3A_207, %dma_wait3A_208] : memref<8x100x128xf32, #tpu.memory_space<vmem>> -> memref<1x100x128xf32, #tpu.memory_space<vmem>>
    %dma_wait3A_210 = tpu.memref_squeeze %dma_wait3A_209 : memref<1x100x128xf32, #tpu.memory_space<vmem>> -> memref<100x128xf32, #tpu.memory_space<vmem>>
    %dma_wait3A_211 = arith.constant 50 : i32
    %dma_wait3A_212 = arith.constant 0 : i32
    %dma_wait3A_213 = tpu.memref_slice %dma_wait3A_210[%dma_wait3A_211, %dma_wait3A_212] : memref<100x128xf32, #tpu.memory_space<vmem>> -> memref<50x128xf32, #tpu.memory_space<vmem>>
    %dma_wait3A_214 = arith.constant 0 : i32
    %dma_wait3A_215 = arith.constant 0 : i32
    %dma_wait3A_216 = tpu.memref_slice %arg4[%add3A_205, %dma_wait3A_214, %dma_wait3A_215] : memref<4096x50x128xf32, #tpu.memory_space<hbm>> -> memref<1x50x128xf32, #tpu.memory_space<hbm>>
    %dma_wait3A_217 = tpu.memref_squeeze %dma_wait3A_216 : memref<1x50x128xf32, #tpu.memory_space<hbm>> -> memref<50x128xf32, #tpu.memory_space<hbm>>
    %dma_wait3A_218 = arith.constant 0 : i32
    %dma_wait3A_219 = arith.constant 0 : i32
    %dma_wait3A_220 = tpu.memref_slice %arg4[%add3A_205, %dma_wait3A_218, %dma_wait3A_219] : memref<4096x50x128xf32, #tpu.memory_space<hbm>> -> memref<1x50x128xf32, #tpu.memory_space<hbm>>
    %dma_wait3A_221 = tpu.memref_squeeze %dma_wait3A_220 : memref<1x50x128xf32, #tpu.memory_space<hbm>> -> memref<50x128xf32, #tpu.memory_space<hbm>>
    %dma_wait3A_222 = arith.constant 0 : i32
    %dma_wait3A_223 = arith.constant 0 : i32
    %dma_wait3A_224 = tpu.memref_slice %arg6[%dma_wait3A_206, %dma_wait3A_222, %dma_wait3A_223] : memref<8x100x128xf32, #tpu.memory_space<vmem>> -> memref<1x100x128xf32, #tpu.memory_space<vmem>>
    %dma_wait3A_225 = tpu.memref_squeeze %dma_wait3A_224 : memref<1x100x128xf32, #tpu.memory_space<vmem>> -> memref<100x128xf32, #tpu.memory_space<vmem>>
    %dma_wait3A_226 = arith.constant 50 : i32
    %dma_wait3A_227 = arith.constant 0 : i32
    %dma_wait3A_228 = tpu.memref_slice %dma_wait3A_225[%dma_wait3A_226, %dma_wait3A_227] : memref<100x128xf32, #tpu.memory_space<vmem>> -> memref<50x128xf32, #tpu.memory_space<vmem>>
    tpu.wait_dma2 semaphore(%arg16 : memref<!tpu.dma_semaphore, #tpu.memory_space<semaphore_mem>>) src(%dma_wait3A_228 : memref<50x128xf32, #tpu.memory_space<vmem>>) dst(%dma_wait3A_221 : memref<50x128xf32, #tpu.memory_space<hbm>>)
    %add3A_229 = arith.constant 116 : i32
    %add3A_230 = arith.addi %mul3A_2, %add3A_229 : i32
    %add3A_231 = arith.constant 0 : i32
    %add3A_232 = arith.addi %add3A_230, %add3A_231 : i32
    %dma_wait3A_233 = arith.constant 2 : i32
    %dma_wait3A_234 = arith.constant 0 : i32
    %dma_wait3A_235 = arith.constant 0 : i32
    %dma_wait3A_236 = tpu.memref_slice %arg6[%dma_wait3A_233, %dma_wait3A_234, %dma_wait3A_235] : memref<8x100x128xf32, #tpu.memory_space<vmem>> -> memref<1x100x128xf32, #tpu.memory_space<vmem>>
    %dma_wait3A_237 = tpu.memref_squeeze %dma_wait3A_236 : memref<1x100x128xf32, #tpu.memory_space<vmem>> -> memref<100x128xf32, #tpu.memory_space<vmem>>
    %dma_wait3A_238 = arith.constant 0 : i32
    %dma_wait3A_239 = arith.constant 0 : i32
    %dma_wait3A_240 = tpu.memref_slice %dma_wait3A_237[%dma_wait3A_238, %dma_wait3A_239] : memref<100x128xf32, #tpu.memory_space<vmem>> -> memref<50x128xf32, #tpu.memory_space<vmem>>
    %dma_wait3A_241 = arith.constant 0 : i32
    %dma_wait3A_242 = arith.constant 0 : i32
    %dma_wait3A_243 = tpu.memref_slice %arg4[%add3A_232, %dma_wait3A_241, %dma_wait3A_242] : memref<4096x50x128xf32, #tpu.memory_space<hbm>> -> memref<1x50x128xf32, #tpu.memory_space<hbm>>
    %dma_wait3A_244 = tpu.memref_squeeze %dma_wait3A_243 : memref<1x50x128xf32, #tpu.memory_space<hbm>> -> memref<50x128xf32, #tpu.memory_space<hbm>>
    %dma_wait3A_245 = arith.constant 0 : i32
    %dma_wait3A_246 = arith.constant 0 : i32
    %dma_wait3A_247 = tpu.memref_slice %arg4[%add3A_232, %dma_wait3A_245, %dma_wait3A_246] : memref<4096x50x128xf32, #tpu.memory_space<hbm>> -> memref<1x50x128xf32, #tpu.memory_space<hbm>>
    %dma_wait3A_248 = tpu.memref_squeeze %dma_wait3A_247 : memref<1x50x128xf32, #tpu.memory_space<hbm>> -> memref<50x128xf32, #tpu.memory_space<hbm>>
    %dma_wait3A_249 = arith.constant 0 : i32
    %dma_wait3A_250 = arith.constant 0 : i32
    %dma_wait3A_251 = tpu.memref_slice %arg6[%dma_wait3A_233, %dma_wait3A_249, %dma_wait3A_250] : memref<8x100x128xf32, #tpu.memory_space<vmem>> -> memref<1x100x128xf32, #tpu.memory_space<vmem>>
    %dma_wait3A_252 = tpu.memref_squeeze %dma_wait3A_251 : memref<1x100x128xf32, #tpu.memory_space<vmem>> -> memref<100x128xf32, #tpu.memory_space<vmem>>
    %dma_wait3A_253 = arith.constant 0 : i32
    %dma_wait3A_254 = arith.constant 0 : i32
    %dma_wait3A_255 = tpu.memref_slice %dma_wait3A_252[%dma_wait3A_253, %dma_wait3A_254] : memref<100x128xf32, #tpu.memory_space<vmem>> -> memref<50x128xf32, #tpu.memory_space<vmem>>
    tpu.wait_dma2 semaphore(%arg17 : memref<!tpu.dma_semaphore, #tpu.memory_space<semaphore_mem>>) src(%dma_wait3A_255 : memref<50x128xf32, #tpu.memory_space<vmem>>) dst(%dma_wait3A_248 : memref<50x128xf32, #tpu.memory_space<hbm>>)
    %add3A_256 = arith.constant 116 : i32
    %add3A_257 = arith.addi %mul3A_2, %add3A_256 : i32
    %add3A_258 = arith.constant 1 : i32
    %add3A_259 = arith.addi %add3A_257, %add3A_258 : i32
    %dma_wait3A_260 = arith.constant 2 : i32
    %dma_wait3A_261 = arith.constant 0 : i32
    %dma_wait3A_262 = arith.constant 0 : i32
    %dma_wait3A_263 = tpu.memref_slice %arg6[%dma_wait3A_260, %dma_wait3A_261, %dma_wait3A_262] : memref<8x100x128xf32, #tpu.memory_space<vmem>> -> memref<1x100x128xf32, #tpu.memory_space<vmem>>
    %dma_wait3A_264 = tpu.memref_squeeze %dma_wait3A_263 : memref<1x100x128xf32, #tpu.memory_space<vmem>> -> memref<100x128xf32, #tpu.memory_space<vmem>>
    %dma_wait3A_265 = arith.constant 50 : i32
    %dma_wait3A_266 = arith.constant 0 : i32
    %dma_wait3A_267 = tpu.memref_slice %dma_wait3A_264[%dma_wait3A_265, %dma_wait3A_266] : memref<100x128xf32, #tpu.memory_space<vmem>> -> memref<50x128xf32, #tpu.memory_space<vmem>>
    %dma_wait3A_268 = arith.constant 0 : i32
    %dma_wait3A_269 = arith.constant 0 : i32
    %dma_wait3A_270 = tpu.memref_slice %arg4[%add3A_259, %dma_wait3A_268, %dma_wait3A_269] : memref<4096x50x128xf32, #tpu.memory_space<hbm>> -> memref<1x50x128xf32, #tpu.memory_space<hbm>>
    %dma_wait3A_271 = tpu.memref_squeeze %dma_wait3A_270 : memref<1x50x128xf32, #tpu.memory_space<hbm>> -> memref<50x128xf32, #tpu.memory_space<hbm>>
    %dma_wait3A_272 = arith.constant 0 : i32
    %dma_wait3A_273 = arith.constant 0 : i32
    %dma_wait3A_274 = tpu.memref_slice %arg4[%add3A_259, %dma_wait3A_272, %dma_wait3A_273] : memref<4096x50x128xf32, #tpu.memory_space<hbm>> -> memref<1x50x128xf32, #tpu.memory_space<hbm>>
    %dma_wait3A_275 = tpu.memref_squeeze %dma_wait3A_274 : memref<1x50x128xf32, #tpu.memory_space<hbm>> -> memref<50x128xf32, #tpu.memory_space<hbm>>
    %dma_wait3A_276 = arith.constant 0 : i32
    %dma_wait3A_277 = arith.constant 0 : i32
    %dma_wait3A_278 = tpu.memref_slice %arg6[%dma_wait3A_260, %dma_wait3A_276, %dma_wait3A_277] : memref<8x100x128xf32, #tpu.memory_space<vmem>> -> memref<1x100x128xf32, #tpu.memory_space<vmem>>
    %dma_wait3A_279 = tpu.memref_squeeze %dma_wait3A_278 : memref<1x100x128xf32, #tpu.memory_space<vmem>> -> memref<100x128xf32, #tpu.memory_space<vmem>>
    %dma_wait3A_280 = arith.constant 50 : i32
    %dma_wait3A_281 = arith.constant 0 : i32
    %dma_wait3A_282 = tpu.memref_slice %dma_wait3A_279[%dma_wait3A_280, %dma_wait3A_281] : memref<100x128xf32, #tpu.memory_space<vmem>> -> memref<50x128xf32, #tpu.memory_space<vmem>>
    tpu.wait_dma2 semaphore(%arg17 : memref<!tpu.dma_semaphore, #tpu.memory_space<semaphore_mem>>) src(%dma_wait3A_282 : memref<50x128xf32, #tpu.memory_space<vmem>>) dst(%dma_wait3A_275 : memref<50x128xf32, #tpu.memory_space<hbm>>)
    %add3A_283 = arith.constant 118 : i32
    %add3A_284 = arith.addi %mul3A_2, %add3A_283 : i32
    %add3A_285 = arith.constant 0 : i32
    %add3A_286 = arith.addi %add3A_284, %add3A_285 : i32
    %dma_wait3A_287 = arith.constant 3 : i32
    %dma_wait3A_288 = arith.constant 0 : i32
    %dma_wait3A_289 = arith.constant 0 : i32
    %dma_wait3A_290 = tpu.memref_slice %arg6[%dma_wait3A_287, %dma_wait3A_288, %dma_wait3A_289] : memref<8x100x128xf32, #tpu.memory_space<vmem>> -> memref<1x100x128xf32, #tpu.memory_space<vmem>>
    %dma_wait3A_291 = tpu.memref_squeeze %dma_wait3A_290 : memref<1x100x128xf32, #tpu.memory_space<vmem>> -> memref<100x128xf32, #tpu.memory_space<vmem>>
    %dma_wait3A_292 = arith.constant 0 : i32
    %dma_wait3A_293 = arith.constant 0 : i32
    %dma_wait3A_294 = tpu.memref_slice %dma_wait3A_291[%dma_wait3A_292, %dma_wait3A_293] : memref<100x128xf32, #tpu.memory_space<vmem>> -> memref<50x128xf32, #tpu.memory_space<vmem>>
    %dma_wait3A_295 = arith.constant 0 : i32
    %dma_wait3A_296 = arith.constant 0 : i32
    %dma_wait3A_297 = tpu.memref_slice %arg4[%add3A_286, %dma_wait3A_295, %dma_wait3A_296] : memref<4096x50x128xf32, #tpu.memory_space<hbm>> -> memref<1x50x128xf32, #tpu.memory_space<hbm>>
    %dma_wait3A_298 = tpu.memref_squeeze %dma_wait3A_297 : memref<1x50x128xf32, #tpu.memory_space<hbm>> -> memref<50x128xf32, #tpu.memory_space<hbm>>
    %dma_wait3A_299 = arith.constant 0 : i32
    %dma_wait3A_300 = arith.constant 0 : i32
    %dma_wait3A_301 = tpu.memref_slice %arg4[%add3A_286, %dma_wait3A_299, %dma_wait3A_300] : memref<4096x50x128xf32, #tpu.memory_space<hbm>> -> memref<1x50x128xf32, #tpu.memory_space<hbm>>
    %dma_wait3A_302 = tpu.memref_squeeze %dma_wait3A_301 : memref<1x50x128xf32, #tpu.memory_space<hbm>> -> memref<50x128xf32, #tpu.memory_space<hbm>>
    %dma_wait3A_303 = arith.constant 0 : i32
    %dma_wait3A_304 = arith.constant 0 : i32
    %dma_wait3A_305 = tpu.memref_slice %arg6[%dma_wait3A_287, %dma_wait3A_303, %dma_wait3A_304] : memref<8x100x128xf32, #tpu.memory_space<vmem>> -> memref<1x100x128xf32, #tpu.memory_space<vmem>>
    %dma_wait3A_306 = tpu.memref_squeeze %dma_wait3A_305 : memref<1x100x128xf32, #tpu.memory_space<vmem>> -> memref<100x128xf32, #tpu.memory_space<vmem>>
    %dma_wait3A_307 = arith.constant 0 : i32
    %dma_wait3A_308 = arith.constant 0 : i32
    %dma_wait3A_309 = tpu.memref_slice %dma_wait3A_306[%dma_wait3A_307, %dma_wait3A_308] : memref<100x128xf32, #tpu.memory_space<vmem>> -> memref<50x128xf32, #tpu.memory_space<vmem>>
    tpu.wait_dma2 semaphore(%arg18 : memref<!tpu.dma_semaphore, #tpu.memory_space<semaphore_mem>>) src(%dma_wait3A_309 : memref<50x128xf32, #tpu.memory_space<vmem>>) dst(%dma_wait3A_302 : memref<50x128xf32, #tpu.memory_space<hbm>>)
    %add3A_310 = arith.constant 118 : i32
    %add3A_311 = arith.addi %mul3A_2, %add3A_310 : i32
    %add3A_312 = arith.constant 1 : i32
    %add3A_313 = arith.addi %add3A_311, %add3A_312 : i32
    %dma_wait3A_314 = arith.constant 3 : i32
    %dma_wait3A_315 = arith.constant 0 : i32
    %dma_wait3A_316 = arith.constant 0 : i32
    %dma_wait3A_317 = tpu.memref_slice %arg6[%dma_wait3A_314, %dma_wait3A_315, %dma_wait3A_316] : memref<8x100x128xf32, #tpu.memory_space<vmem>> -> memref<1x100x128xf32, #tpu.memory_space<vmem>>
    %dma_wait3A_318 = tpu.memref_squeeze %dma_wait3A_317 : memref<1x100x128xf32, #tpu.memory_space<vmem>> -> memref<100x128xf32, #tpu.memory_space<vmem>>
    %dma_wait3A_319 = arith.constant 50 : i32
    %dma_wait3A_320 = arith.constant 0 : i32
    %dma_wait3A_321 = tpu.memref_slice %dma_wait3A_318[%dma_wait3A_319, %dma_wait3A_320] : memref<100x128xf32, #tpu.memory_space<vmem>> -> memref<50x128xf32, #tpu.memory_space<vmem>>
    %dma_wait3A_322 = arith.constant 0 : i32
    %dma_wait3A_323 = arith.constant 0 : i32
    %dma_wait3A_324 = tpu.memref_slice %arg4[%add3A_313, %dma_wait3A_322, %dma_wait3A_323] : memref<4096x50x128xf32, #tpu.memory_space<hbm>> -> memref<1x50x128xf32, #tpu.memory_space<hbm>>
    %dma_wait3A_325 = tpu.memref_squeeze %dma_wait3A_324 : memref<1x50x128xf32, #tpu.memory_space<hbm>> -> memref<50x128xf32, #tpu.memory_space<hbm>>
    %dma_wait3A_326 = arith.constant 0 : i32
    %dma_wait3A_327 = arith.constant 0 : i32
    %dma_wait3A_328 = tpu.memref_slice %arg4[%add3A_313, %dma_wait3A_326, %dma_wait3A_327] : memref<4096x50x128xf32, #tpu.memory_space<hbm>> -> memref<1x50x128xf32, #tpu.memory_space<hbm>>
    %dma_wait3A_329 = tpu.memref_squeeze %dma_wait3A_328 : memref<1x50x128xf32, #tpu.memory_space<hbm>> -> memref<50x128xf32, #tpu.memory_space<hbm>>
    %dma_wait3A_330 = arith.constant 0 : i32
    %dma_wait3A_331 = arith.constant 0 : i32
    %dma_wait3A_332 = tpu.memref_slice %arg6[%dma_wait3A_314, %dma_wait3A_330, %dma_wait3A_331] : memref<8x100x128xf32, #tpu.memory_space<vmem>> -> memref<1x100x128xf32, #tpu.memory_space<vmem>>
    %dma_wait3A_333 = tpu.memref_squeeze %dma_wait3A_332 : memref<1x100x128xf32, #tpu.memory_space<vmem>> -> memref<100x128xf32, #tpu.memory_space<vmem>>
    %dma_wait3A_334 = arith.constant 50 : i32
    %dma_wait3A_335 = arith.constant 0 : i32
    %dma_wait3A_336 = tpu.memref_slice %dma_wait3A_333[%dma_wait3A_334, %dma_wait3A_335] : memref<100x128xf32, #tpu.memory_space<vmem>> -> memref<50x128xf32, #tpu.memory_space<vmem>>
    tpu.wait_dma2 semaphore(%arg18 : memref<!tpu.dma_semaphore, #tpu.memory_space<semaphore_mem>>) src(%dma_wait3A_336 : memref<50x128xf32, #tpu.memory_space<vmem>>) dst(%dma_wait3A_329 : memref<50x128xf32, #tpu.memory_space<hbm>>)
    %add3A_337 = arith.constant 120 : i32
    %add3A_338 = arith.addi %mul3A_2, %add3A_337 : i32
    %add3A_339 = arith.constant 0 : i32
    %add3A_340 = arith.addi %add3A_338, %add3A_339 : i32
    %dma_wait3A_341 = arith.constant 4 : i32
    %dma_wait3A_342 = arith.constant 0 : i32
    %dma_wait3A_343 = arith.constant 0 : i32
    %dma_wait3A_344 = tpu.memref_slice %arg6[%dma_wait3A_341, %dma_wait3A_342, %dma_wait3A_343] : memref<8x100x128xf32, #tpu.memory_space<vmem>> -> memref<1x100x128xf32, #tpu.memory_space<vmem>>
    %dma_wait3A_345 = tpu.memref_squeeze %dma_wait3A_344 : memref<1x100x128xf32, #tpu.memory_space<vmem>> -> memref<100x128xf32, #tpu.memory_space<vmem>>
    %dma_wait3A_346 = arith.constant 0 : i32
    %dma_wait3A_347 = arith.constant 0 : i32
    %dma_wait3A_348 = tpu.memref_slice %dma_wait3A_345[%dma_wait3A_346, %dma_wait3A_347] : memref<100x128xf32, #tpu.memory_space<vmem>> -> memref<50x128xf32, #tpu.memory_space<vmem>>
    %dma_wait3A_349 = arith.constant 0 : i32
    %dma_wait3A_350 = arith.constant 0 : i32
    %dma_wait3A_351 = tpu.memref_slice %arg4[%add3A_340, %dma_wait3A_349, %dma_wait3A_350] : memref<4096x50x128xf32, #tpu.memory_space<hbm>> -> memref<1x50x128xf32, #tpu.memory_space<hbm>>
    %dma_wait3A_352 = tpu.memref_squeeze %dma_wait3A_351 : memref<1x50x128xf32, #tpu.memory_space<hbm>> -> memref<50x128xf32, #tpu.memory_space<hbm>>
    %dma_wait3A_353 = arith.constant 0 : i32
    %dma_wait3A_354 = arith.constant 0 : i32
    %dma_wait3A_355 = tpu.memref_slice %arg4[%add3A_340, %dma_wait3A_353, %dma_wait3A_354] : memref<4096x50x128xf32, #tpu.memory_space<hbm>> -> memref<1x50x128xf32, #tpu.memory_space<hbm>>
    %dma_wait3A_356 = tpu.memref_squeeze %dma_wait3A_355 : memref<1x50x128xf32, #tpu.memory_space<hbm>> -> memref<50x128xf32, #tpu.memory_space<hbm>>
    %dma_wait3A_357 = arith.constant 0 : i32
    %dma_wait3A_358 = arith.constant 0 : i32
    %dma_wait3A_359 = tpu.memref_slice %arg6[%dma_wait3A_341, %dma_wait3A_357, %dma_wait3A_358] : memref<8x100x128xf32, #tpu.memory_space<vmem>> -> memref<1x100x128xf32, #tpu.memory_space<vmem>>
    %dma_wait3A_360 = tpu.memref_squeeze %dma_wait3A_359 : memref<1x100x128xf32, #tpu.memory_space<vmem>> -> memref<100x128xf32, #tpu.memory_space<vmem>>
    %dma_wait3A_361 = arith.constant 0 : i32
    %dma_wait3A_362 = arith.constant 0 : i32
    %dma_wait3A_363 = tpu.memref_slice %dma_wait3A_360[%dma_wait3A_361, %dma_wait3A_362] : memref<100x128xf32, #tpu.memory_space<vmem>> -> memref<50x128xf32, #tpu.memory_space<vmem>>
    tpu.wait_dma2 semaphore(%arg19 : memref<!tpu.dma_semaphore, #tpu.memory_space<semaphore_mem>>) src(%dma_wait3A_363 : memref<50x128xf32, #tpu.memory_space<vmem>>) dst(%dma_wait3A_356 : memref<50x128xf32, #tpu.memory_space<hbm>>)
    %add3A_364 = arith.constant 120 : i32
    %add3A_365 = arith.addi %mul3A_2, %add3A_364 : i32
    %add3A_366 = arith.constant 1 : i32
    %add3A_367 = arith.addi %add3A_365, %add3A_366 : i32
    %dma_wait3A_368 = arith.constant 4 : i32
    %dma_wait3A_369 = arith.constant 0 : i32
    %dma_wait3A_370 = arith.constant 0 : i32
    %dma_wait3A_371 = tpu.memref_slice %arg6[%dma_wait3A_368, %dma_wait3A_369, %dma_wait3A_370] : memref<8x100x128xf32, #tpu.memory_space<vmem>> -> memref<1x100x128xf32, #tpu.memory_space<vmem>>
    %dma_wait3A_372 = tpu.memref_squeeze %dma_wait3A_371 : memref<1x100x128xf32, #tpu.memory_space<vmem>> -> memref<100x128xf32, #tpu.memory_space<vmem>>
    %dma_wait3A_373 = arith.constant 50 : i32
    %dma_wait3A_374 = arith.constant 0 : i32
    %dma_wait3A_375 = tpu.memref_slice %dma_wait3A_372[%dma_wait3A_373, %dma_wait3A_374] : memref<100x128xf32, #tpu.memory_space<vmem>> -> memref<50x128xf32, #tpu.memory_space<vmem>>
    %dma_wait3A_376 = arith.constant 0 : i32
    %dma_wait3A_377 = arith.constant 0 : i32
    %dma_wait3A_378 = tpu.memref_slice %arg4[%add3A_367, %dma_wait3A_376, %dma_wait3A_377] : memref<4096x50x128xf32, #tpu.memory_space<hbm>> -> memref<1x50x128xf32, #tpu.memory_space<hbm>>
    %dma_wait3A_379 = tpu.memref_squeeze %dma_wait3A_378 : memref<1x50x128xf32, #tpu.memory_space<hbm>> -> memref<50x128xf32, #tpu.memory_space<hbm>>
    %dma_wait3A_380 = arith.constant 0 : i32
    %dma_wait3A_381 = arith.constant 0 : i32
    %dma_wait3A_382 = tpu.memref_slice %arg4[%add3A_367, %dma_wait3A_380, %dma_wait3A_381] : memref<4096x50x128xf32, #tpu.memory_space<hbm>> -> memref<1x50x128xf32, #tpu.memory_space<hbm>>
    %dma_wait3A_383 = tpu.memref_squeeze %dma_wait3A_382 : memref<1x50x128xf32, #tpu.memory_space<hbm>> -> memref<50x128xf32, #tpu.memory_space<hbm>>
    %dma_wait3A_384 = arith.constant 0 : i32
    %dma_wait3A_385 = arith.constant 0 : i32
    %dma_wait3A_386 = tpu.memref_slice %arg6[%dma_wait3A_368, %dma_wait3A_384, %dma_wait3A_385] : memref<8x100x128xf32, #tpu.memory_space<vmem>> -> memref<1x100x128xf32, #tpu.memory_space<vmem>>
    %dma_wait3A_387 = tpu.memref_squeeze %dma_wait3A_386 : memref<1x100x128xf32, #tpu.memory_space<vmem>> -> memref<100x128xf32, #tpu.memory_space<vmem>>
    %dma_wait3A_388 = arith.constant 50 : i32
    %dma_wait3A_389 = arith.constant 0 : i32
    %dma_wait3A_390 = tpu.memref_slice %dma_wait3A_387[%dma_wait3A_388, %dma_wait3A_389] : memref<100x128xf32, #tpu.memory_space<vmem>> -> memref<50x128xf32, #tpu.memory_space<vmem>>
    tpu.wait_dma2 semaphore(%arg19 : memref<!tpu.dma_semaphore, #tpu.memory_space<semaphore_mem>>) src(%dma_wait3A_390 : memref<50x128xf32, #tpu.memory_space<vmem>>) dst(%dma_wait3A_383 : memref<50x128xf32, #tpu.memory_space<hbm>>)
    %add3A_391 = arith.constant 122 : i32
    %add3A_392 = arith.addi %mul3A_2, %add3A_391 : i32
    %add3A_393 = arith.constant 0 : i32
    %add3A_394 = arith.addi %add3A_392, %add3A_393 : i32
    %dma_wait3A_395 = arith.constant 5 : i32
    %dma_wait3A_396 = arith.constant 0 : i32
    %dma_wait3A_397 = arith.constant 0 : i32
    %dma_wait3A_398 = tpu.memref_slice %arg6[%dma_wait3A_395, %dma_wait3A_396, %dma_wait3A_397] : memref<8x100x128xf32, #tpu.memory_space<vmem>> -> memref<1x100x128xf32, #tpu.memory_space<vmem>>
    %dma_wait3A_399 = tpu.memref_squeeze %dma_wait3A_398 : memref<1x100x128xf32, #tpu.memory_space<vmem>> -> memref<100x128xf32, #tpu.memory_space<vmem>>
    %dma_wait3A_400 = arith.constant 0 : i32
    %dma_wait3A_401 = arith.constant 0 : i32
    %dma_wait3A_402 = tpu.memref_slice %dma_wait3A_399[%dma_wait3A_400, %dma_wait3A_401] : memref<100x128xf32, #tpu.memory_space<vmem>> -> memref<50x128xf32, #tpu.memory_space<vmem>>
    %dma_wait3A_403 = arith.constant 0 : i32
    %dma_wait3A_404 = arith.constant 0 : i32
    %dma_wait3A_405 = tpu.memref_slice %arg4[%add3A_394, %dma_wait3A_403, %dma_wait3A_404] : memref<4096x50x128xf32, #tpu.memory_space<hbm>> -> memref<1x50x128xf32, #tpu.memory_space<hbm>>
    %dma_wait3A_406 = tpu.memref_squeeze %dma_wait3A_405 : memref<1x50x128xf32, #tpu.memory_space<hbm>> -> memref<50x128xf32, #tpu.memory_space<hbm>>
    %dma_wait3A_407 = arith.constant 0 : i32
    %dma_wait3A_408 = arith.constant 0 : i32
    %dma_wait3A_409 = tpu.memref_slice %arg4[%add3A_394, %dma_wait3A_407, %dma_wait3A_408] : memref<4096x50x128xf32, #tpu.memory_space<hbm>> -> memref<1x50x128xf32, #tpu.memory_space<hbm>>
    %dma_wait3A_410 = tpu.memref_squeeze %dma_wait3A_409 : memref<1x50x128xf32, #tpu.memory_space<hbm>> -> memref<50x128xf32, #tpu.memory_space<hbm>>
    %dma_wait3A_411 = arith.constant 0 : i32
    %dma_wait3A_412 = arith.constant 0 : i32
    %dma_wait3A_413 = tpu.memref_slice %arg6[%dma_wait3A_395, %dma_wait3A_411, %dma_wait3A_412] : memref<8x100x128xf32, #tpu.memory_space<vmem>> -> memref<1x100x128xf32, #tpu.memory_space<vmem>>
    %dma_wait3A_414 = tpu.memref_squeeze %dma_wait3A_413 : memref<1x100x128xf32, #tpu.memory_space<vmem>> -> memref<100x128xf32, #tpu.memory_space<vmem>>
    %dma_wait3A_415 = arith.constant 0 : i32
    %dma_wait3A_416 = arith.constant 0 : i32
    %dma_wait3A_417 = tpu.memref_slice %dma_wait3A_414[%dma_wait3A_415, %dma_wait3A_416] : memref<100x128xf32, #tpu.memory_space<vmem>> -> memref<50x128xf32, #tpu.memory_space<vmem>>
    tpu.wait_dma2 semaphore(%arg20 : memref<!tpu.dma_semaphore, #tpu.memory_space<semaphore_mem>>) src(%dma_wait3A_417 : memref<50x128xf32, #tpu.memory_space<vmem>>) dst(%dma_wait3A_410 : memref<50x128xf32, #tpu.memory_space<hbm>>)
    %add3A_418 = arith.constant 122 : i32
    %add3A_419 = arith.addi %mul3A_2, %add3A_418 : i32
    %add3A_420 = arith.constant 1 : i32
    %add3A_421 = arith.addi %add3A_419, %add3A_420 : i32
    %dma_wait3A_422 = arith.constant 5 : i32
    %dma_wait3A_423 = arith.constant 0 : i32
    %dma_wait3A_424 = arith.constant 0 : i32
    %dma_wait3A_425 = tpu.memref_slice %arg6[%dma_wait3A_422, %dma_wait3A_423, %dma_wait3A_424] : memref<8x100x128xf32, #tpu.memory_space<vmem>> -> memref<1x100x128xf32, #tpu.memory_space<vmem>>
    %dma_wait3A_426 = tpu.memref_squeeze %dma_wait3A_425 : memref<1x100x128xf32, #tpu.memory_space<vmem>> -> memref<100x128xf32, #tpu.memory_space<vmem>>
    %dma_wait3A_427 = arith.constant 50 : i32
    %dma_wait3A_428 = arith.constant 0 : i32
    %dma_wait3A_429 = tpu.memref_slice %dma_wait3A_426[%dma_wait3A_427, %dma_wait3A_428] : memref<100x128xf32, #tpu.memory_space<vmem>> -> memref<50x128xf32, #tpu.memory_space<vmem>>
    %dma_wait3A_430 = arith.constant 0 : i32
    %dma_wait3A_431 = arith.constant 0 : i32
    %dma_wait3A_432 = tpu.memref_slice %arg4[%add3A_421, %dma_wait3A_430, %dma_wait3A_431] : memref<4096x50x128xf32, #tpu.memory_space<hbm>> -> memref<1x50x128xf32, #tpu.memory_space<hbm>>
    %dma_wait3A_433 = tpu.memref_squeeze %dma_wait3A_432 : memref<1x50x128xf32, #tpu.memory_space<hbm>> -> memref<50x128xf32, #tpu.memory_space<hbm>>
    %dma_wait3A_434 = arith.constant 0 : i32
    %dma_wait3A_435 = arith.constant 0 : i32
    %dma_wait3A_436 = tpu.memref_slice %arg4[%add3A_421, %dma_wait3A_434, %dma_wait3A_435] : memref<4096x50x128xf32, #tpu.memory_space<hbm>> -> memref<1x50x128xf32, #tpu.memory_space<hbm>>
    %dma_wait3A_437 = tpu.memref_squeeze %dma_wait3A_436 : memref<1x50x128xf32, #tpu.memory_space<hbm>> -> memref<50x128xf32, #tpu.memory_space<hbm>>
    %dma_wait3A_438 = arith.constant 0 : i32
    %dma_wait3A_439 = arith.constant 0 : i32
    %dma_wait3A_440 = tpu.memref_slice %arg6[%dma_wait3A_422, %dma_wait3A_438, %dma_wait3A_439] : memref<8x100x128xf32, #tpu.memory_space<vmem>> -> memref<1x100x128xf32, #tpu.memory_space<vmem>>
    %dma_wait3A_441 = tpu.memref_squeeze %dma_wait3A_440 : memref<1x100x128xf32, #tpu.memory_space<vmem>> -> memref<100x128xf32, #tpu.memory_space<vmem>>
    %dma_wait3A_442 = arith.constant 50 : i32
    %dma_wait3A_443 = arith.constant 0 : i32
    %dma_wait3A_444 = tpu.memref_slice %dma_wait3A_441[%dma_wait3A_442, %dma_wait3A_443] : memref<100x128xf32, #tpu.memory_space<vmem>> -> memref<50x128xf32, #tpu.memory_space<vmem>>
    tpu.wait_dma2 semaphore(%arg20 : memref<!tpu.dma_semaphore, #tpu.memory_space<semaphore_mem>>) src(%dma_wait3A_444 : memref<50x128xf32, #tpu.memory_space<vmem>>) dst(%dma_wait3A_437 : memref<50x128xf32, #tpu.memory_space<hbm>>)
    %add3A_445 = arith.constant 124 : i32
    %add3A_446 = arith.addi %mul3A_2, %add3A_445 : i32
    %add3A_447 = arith.constant 0 : i32
    %add3A_448 = arith.addi %add3A_446, %add3A_447 : i32
    %dma_wait3A_449 = arith.constant 6 : i32
    %dma_wait3A_450 = arith.constant 0 : i32
    %dma_wait3A_451 = arith.constant 0 : i32
    %dma_wait3A_452 = tpu.memref_slice %arg6[%dma_wait3A_449, %dma_wait3A_450, %dma_wait3A_451] : memref<8x100x128xf32, #tpu.memory_space<vmem>> -> memref<1x100x128xf32, #tpu.memory_space<vmem>>
    %dma_wait3A_453 = tpu.memref_squeeze %dma_wait3A_452 : memref<1x100x128xf32, #tpu.memory_space<vmem>> -> memref<100x128xf32, #tpu.memory_space<vmem>>
    %dma_wait3A_454 = arith.constant 0 : i32
    %dma_wait3A_455 = arith.constant 0 : i32
    %dma_wait3A_456 = tpu.memref_slice %dma_wait3A_453[%dma_wait3A_454, %dma_wait3A_455] : memref<100x128xf32, #tpu.memory_space<vmem>> -> memref<50x128xf32, #tpu.memory_space<vmem>>
    %dma_wait3A_457 = arith.constant 0 : i32
    %dma_wait3A_458 = arith.constant 0 : i32
    %dma_wait3A_459 = tpu.memref_slice %arg4[%add3A_448, %dma_wait3A_457, %dma_wait3A_458] : memref<4096x50x128xf32, #tpu.memory_space<hbm>> -> memref<1x50x128xf32, #tpu.memory_space<hbm>>
    %dma_wait3A_460 = tpu.memref_squeeze %dma_wait3A_459 : memref<1x50x128xf32, #tpu.memory_space<hbm>> -> memref<50x128xf32, #tpu.memory_space<hbm>>
    %dma_wait3A_461 = arith.constant 0 : i32
    %dma_wait3A_462 = arith.constant 0 : i32
    %dma_wait3A_463 = tpu.memref_slice %arg4[%add3A_448, %dma_wait3A_461, %dma_wait3A_462] : memref<4096x50x128xf32, #tpu.memory_space<hbm>> -> memref<1x50x128xf32, #tpu.memory_space<hbm>>
    %dma_wait3A_464 = tpu.memref_squeeze %dma_wait3A_463 : memref<1x50x128xf32, #tpu.memory_space<hbm>> -> memref<50x128xf32, #tpu.memory_space<hbm>>
    %dma_wait3A_465 = arith.constant 0 : i32
    %dma_wait3A_466 = arith.constant 0 : i32
    %dma_wait3A_467 = tpu.memref_slice %arg6[%dma_wait3A_449, %dma_wait3A_465, %dma_wait3A_466] : memref<8x100x128xf32, #tpu.memory_space<vmem>> -> memref<1x100x128xf32, #tpu.memory_space<vmem>>
    %dma_wait3A_468 = tpu.memref_squeeze %dma_wait3A_467 : memref<1x100x128xf32, #tpu.memory_space<vmem>> -> memref<100x128xf32, #tpu.memory_space<vmem>>
    %dma_wait3A_469 = arith.constant 0 : i32
    %dma_wait3A_470 = arith.constant 0 : i32
    %dma_wait3A_471 = tpu.memref_slice %dma_wait3A_468[%dma_wait3A_469, %dma_wait3A_470] : memref<100x128xf32, #tpu.memory_space<vmem>> -> memref<50x128xf32, #tpu.memory_space<vmem>>
    tpu.wait_dma2 semaphore(%arg21 : memref<!tpu.dma_semaphore, #tpu.memory_space<semaphore_mem>>) src(%dma_wait3A_471 : memref<50x128xf32, #tpu.memory_space<vmem>>) dst(%dma_wait3A_464 : memref<50x128xf32, #tpu.memory_space<hbm>>)
    %add3A_472 = arith.constant 124 : i32
    %add3A_473 = arith.addi %mul3A_2, %add3A_472 : i32
    %add3A_474 = arith.constant 1 : i32
    %add3A_475 = arith.addi %add3A_473, %add3A_474 : i32
    %dma_wait3A_476 = arith.constant 6 : i32
    %dma_wait3A_477 = arith.constant 0 : i32
    %dma_wait3A_478 = arith.constant 0 : i32
    %dma_wait3A_479 = tpu.memref_slice %arg6[%dma_wait3A_476, %dma_wait3A_477, %dma_wait3A_478] : memref<8x100x128xf32, #tpu.memory_space<vmem>> -> memref<1x100x128xf32, #tpu.memory_space<vmem>>
    %dma_wait3A_480 = tpu.memref_squeeze %dma_wait3A_479 : memref<1x100x128xf32, #tpu.memory_space<vmem>> -> memref<100x128xf32, #tpu.memory_space<vmem>>
    %dma_wait3A_481 = arith.constant 50 : i32
    %dma_wait3A_482 = arith.constant 0 : i32
    %dma_wait3A_483 = tpu.memref_slice %dma_wait3A_480[%dma_wait3A_481, %dma_wait3A_482] : memref<100x128xf32, #tpu.memory_space<vmem>> -> memref<50x128xf32, #tpu.memory_space<vmem>>
    %dma_wait3A_484 = arith.constant 0 : i32
    %dma_wait3A_485 = arith.constant 0 : i32
    %dma_wait3A_486 = tpu.memref_slice %arg4[%add3A_475, %dma_wait3A_484, %dma_wait3A_485] : memref<4096x50x128xf32, #tpu.memory_space<hbm>> -> memref<1x50x128xf32, #tpu.memory_space<hbm>>
    %dma_wait3A_487 = tpu.memref_squeeze %dma_wait3A_486 : memref<1x50x128xf32, #tpu.memory_space<hbm>> -> memref<50x128xf32, #tpu.memory_space<hbm>>
    %dma_wait3A_488 = arith.constant 0 : i32
    %dma_wait3A_489 = arith.constant 0 : i32
    %dma_wait3A_490 = tpu.memref_slice %arg4[%add3A_475, %dma_wait3A_488, %dma_wait3A_489] : memref<4096x50x128xf32, #tpu.memory_space<hbm>> -> memref<1x50x128xf32, #tpu.memory_space<hbm>>
    %dma_wait3A_491 = tpu.memref_squeeze %dma_wait3A_490 : memref<1x50x128xf32, #tpu.memory_space<hbm>> -> memref<50x128xf32, #tpu.memory_space<hbm>>
    %dma_wait3A_492 = arith.constant 0 : i32
    %dma_wait3A_493 = arith.constant 0 : i32
    %dma_wait3A_494 = tpu.memref_slice %arg6[%dma_wait3A_476, %dma_wait3A_492, %dma_wait3A_493] : memref<8x100x128xf32, #tpu.memory_space<vmem>> -> memref<1x100x128xf32, #tpu.memory_space<vmem>>
    %dma_wait3A_495 = tpu.memref_squeeze %dma_wait3A_494 : memref<1x100x128xf32, #tpu.memory_space<vmem>> -> memref<100x128xf32, #tpu.memory_space<vmem>>
    %dma_wait3A_496 = arith.constant 50 : i32
    %dma_wait3A_497 = arith.constant 0 : i32
    %dma_wait3A_498 = tpu.memref_slice %dma_wait3A_495[%dma_wait3A_496, %dma_wait3A_497] : memref<100x128xf32, #tpu.memory_space<vmem>> -> memref<50x128xf32, #tpu.memory_space<vmem>>
    tpu.wait_dma2 semaphore(%arg21 : memref<!tpu.dma_semaphore, #tpu.memory_space<semaphore_mem>>) src(%dma_wait3A_498 : memref<50x128xf32, #tpu.memory_space<vmem>>) dst(%dma_wait3A_491 : memref<50x128xf32, #tpu.memory_space<hbm>>)
    %add3A_499 = arith.constant 126 : i32
    %add3A_500 = arith.addi %mul3A_2, %add3A_499 : i32
    %add3A_501 = arith.constant 0 : i32
    %add3A_502 = arith.addi %add3A_500, %add3A_501 : i32
    %dma_wait3A_503 = arith.constant 7 : i32
    %dma_wait3A_504 = arith.constant 0 : i32
    %dma_wait3A_505 = arith.constant 0 : i32
    %dma_wait3A_506 = tpu.memref_slice %arg6[%dma_wait3A_503, %dma_wait3A_504, %dma_wait3A_505] : memref<8x100x128xf32, #tpu.memory_space<vmem>> -> memref<1x100x128xf32, #tpu.memory_space<vmem>>
    %dma_wait3A_507 = tpu.memref_squeeze %dma_wait3A_506 : memref<1x100x128xf32, #tpu.memory_space<vmem>> -> memref<100x128xf32, #tpu.memory_space<vmem>>
    %dma_wait3A_508 = arith.constant 0 : i32
    %dma_wait3A_509 = arith.constant 0 : i32
    %dma_wait3A_510 = tpu.memref_slice %dma_wait3A_507[%dma_wait3A_508, %dma_wait3A_509] : memref<100x128xf32, #tpu.memory_space<vmem>> -> memref<50x128xf32, #tpu.memory_space<vmem>>
    %dma_wait3A_511 = arith.constant 0 : i32
    %dma_wait3A_512 = arith.constant 0 : i32
    %dma_wait3A_513 = tpu.memref_slice %arg4[%add3A_502, %dma_wait3A_511, %dma_wait3A_512] : memref<4096x50x128xf32, #tpu.memory_space<hbm>> -> memref<1x50x128xf32, #tpu.memory_space<hbm>>
    %dma_wait3A_514 = tpu.memref_squeeze %dma_wait3A_513 : memref<1x50x128xf32, #tpu.memory_space<hbm>> -> memref<50x128xf32, #tpu.memory_space<hbm>>
    %dma_wait3A_515 = arith.constant 0 : i32
    %dma_wait3A_516 = arith.constant 0 : i32
    %dma_wait3A_517 = tpu.memref_slice %arg4[%add3A_502, %dma_wait3A_515, %dma_wait3A_516] : memref<4096x50x128xf32, #tpu.memory_space<hbm>> -> memref<1x50x128xf32, #tpu.memory_space<hbm>>
    %dma_wait3A_518 = tpu.memref_squeeze %dma_wait3A_517 : memref<1x50x128xf32, #tpu.memory_space<hbm>> -> memref<50x128xf32, #tpu.memory_space<hbm>>
    %dma_wait3A_519 = arith.constant 0 : i32
    %dma_wait3A_520 = arith.constant 0 : i32
    %dma_wait3A_521 = tpu.memref_slice %arg6[%dma_wait3A_503, %dma_wait3A_519, %dma_wait3A_520] : memref<8x100x128xf32, #tpu.memory_space<vmem>> -> memref<1x100x128xf32, #tpu.memory_space<vmem>>
    %dma_wait3A_522 = tpu.memref_squeeze %dma_wait3A_521 : memref<1x100x128xf32, #tpu.memory_space<vmem>> -> memref<100x128xf32, #tpu.memory_space<vmem>>
    %dma_wait3A_523 = arith.constant 0 : i32
    %dma_wait3A_524 = arith.constant 0 : i32
    %dma_wait3A_525 = tpu.memref_slice %dma_wait3A_522[%dma_wait3A_523, %dma_wait3A_524] : memref<100x128xf32, #tpu.memory_space<vmem>> -> memref<50x128xf32, #tpu.memory_space<vmem>>
    tpu.wait_dma2 semaphore(%arg22 : memref<!tpu.dma_semaphore, #tpu.memory_space<semaphore_mem>>) src(%dma_wait3A_525 : memref<50x128xf32, #tpu.memory_space<vmem>>) dst(%dma_wait3A_518 : memref<50x128xf32, #tpu.memory_space<hbm>>)
    %add3A_526 = arith.constant 126 : i32
    %add3A_527 = arith.addi %mul3A_2, %add3A_526 : i32
    %add3A_528 = arith.constant 1 : i32
    %add3A_529 = arith.addi %add3A_527, %add3A_528 : i32
    %dma_wait3A_530 = arith.constant 7 : i32
    %dma_wait3A_531 = arith.constant 0 : i32
    %dma_wait3A_532 = arith.constant 0 : i32
    %dma_wait3A_533 = tpu.memref_slice %arg6[%dma_wait3A_530, %dma_wait3A_531, %dma_wait3A_532] : memref<8x100x128xf32, #tpu.memory_space<vmem>> -> memref<1x100x128xf32, #tpu.memory_space<vmem>>
    %dma_wait3A_534 = tpu.memref_squeeze %dma_wait3A_533 : memref<1x100x128xf32, #tpu.memory_space<vmem>> -> memref<100x128xf32, #tpu.memory_space<vmem>>
    %dma_wait3A_535 = arith.constant 50 : i32
    %dma_wait3A_536 = arith.constant 0 : i32
    %dma_wait3A_537 = tpu.memref_slice %dma_wait3A_534[%dma_wait3A_535, %dma_wait3A_536] : memref<100x128xf32, #tpu.memory_space<vmem>> -> memref<50x128xf32, #tpu.memory_space<vmem>>
    %dma_wait3A_538 = arith.constant 0 : i32
    %dma_wait3A_539 = arith.constant 0 : i32
    %dma_wait3A_540 = tpu.memref_slice %arg4[%add3A_529, %dma_wait3A_538, %dma_wait3A_539] : memref<4096x50x128xf32, #tpu.memory_space<hbm>> -> memref<1x50x128xf32, #tpu.memory_space<hbm>>
    %dma_wait3A_541 = tpu.memref_squeeze %dma_wait3A_540 : memref<1x50x128xf32, #tpu.memory_space<hbm>> -> memref<50x128xf32, #tpu.memory_space<hbm>>
    %dma_wait3A_542 = arith.constant 0 : i32
    %dma_wait3A_543 = arith.constant 0 : i32
    %dma_wait3A_544 = tpu.memref_slice %arg4[%add3A_529, %dma_wait3A_542, %dma_wait3A_543] : memref<4096x50x128xf32, #tpu.memory_space<hbm>> -> memref<1x50x128xf32, #tpu.memory_space<hbm>>
    %dma_wait3A_545 = tpu.memref_squeeze %dma_wait3A_544 : memref<1x50x128xf32, #tpu.memory_space<hbm>> -> memref<50x128xf32, #tpu.memory_space<hbm>>
    %dma_wait3A_546 = arith.constant 0 : i32
    %dma_wait3A_547 = arith.constant 0 : i32
    %dma_wait3A_548 = tpu.memref_slice %arg6[%dma_wait3A_530, %dma_wait3A_546, %dma_wait3A_547] : memref<8x100x128xf32, #tpu.memory_space<vmem>> -> memref<1x100x128xf32, #tpu.memory_space<vmem>>
    %dma_wait3A_549 = tpu.memref_squeeze %dma_wait3A_548 : memref<1x100x128xf32, #tpu.memory_space<vmem>> -> memref<100x128xf32, #tpu.memory_space<vmem>>
    %dma_wait3A_550 = arith.constant 50 : i32
    %dma_wait3A_551 = arith.constant 0 : i32
    %dma_wait3A_552 = tpu.memref_slice %dma_wait3A_549[%dma_wait3A_550, %dma_wait3A_551] : memref<100x128xf32, #tpu.memory_space<vmem>> -> memref<50x128xf32, #tpu.memory_space<vmem>>
    tpu.wait_dma2 semaphore(%arg22 : memref<!tpu.dma_semaphore, #tpu.memory_space<semaphore_mem>>) src(%dma_wait3A_552 : memref<50x128xf32, #tpu.memory_space<vmem>>) dst(%dma_wait3A_545 : memref<50x128xf32, #tpu.memory_space<hbm>>)
    return
  }
}

</mosaic_0001>

<sc_bundles>
// kernel: kernel.3.cloned.1.call-start
scs
__scs_entry_jumppad:
0x0: {  	(pc) =	sbr.rel $0x88, $3  }
0x1: {  	(tag) =	ssettag $0x0;
	lr =	simm.s32 $0x1  }
0x2: {  	[smem:$0x3F9F] =	sst lr;
	_ =	strace $0xD0000000  }
0x3: {  	_ = 	snop  }
0x4: {  	_ = 	snop  }
0x5: {  	_ = 	snop  }
0x6: {  	_ = 	snop  }
0x7: {  	_ = 	snop  }
__scs_overlays_trampoline_lowered:
0x8: {  	[smem:$0x3FAE] =	sst s0  }
0x9: {  	[smem:$0x3FAF] =	sst s1  }
0xa: {  	[smem:$0x3FB0] =	sst s2  }
0xb: {  	[smem:$0x3FB1] =	sst s3  }
0xc: {  	[smem:$0x3FB2] =	sst s4  }
0xd: {  	[smem:$0x3FB3] =	sst s5  }
0xe: {  	[smem:$0x3FB4] =	sst s6  }
0xf: {  	[smem:$0x3FB5] =	sst s7  }
0x10: {  	[smem:$0x3FB6] =	sst s8  }
0x11: {  	[smem:$0x3FB7] =	sst s9;
	s0 =	simm.s32 @!p0 $0x0  }
0x12: {  	s1 =	sld [smem:$0x3F9D];
	s0 =	simm.s32 @p0 $0x1  }
0x13: {  	[smem:$0x3FB8] =	sst s0;
	s0 =	simm.s32 @!p1 $0x0  }
0x14: {  	s2 =	sld [smem:$0x3F9C];
	s0 =	simm.s32 @p1 $0x1  }
0x15: {  	[smem:$0x3FB9] =	sst s0;
	s0 =	simm.s32 @!p2 $0x0  }
0x16: {  	s3 =	sld [smem:$0x3FDB];
	s0 =	simm.s32 @p2 $0x1  }
0x17: {  	s4 =	simm.s32 $0x1BF5;
	[smem:$0x3FBB] =	sst s0  }
0x18: {  	s0 =	sld [smem:$0x3F9E];
	_ =	swait.ge [sflag:s4], $0x0  }
0x19: {  	s7 =	sld [smem:$0x3F9F]  }
0x1a: {  	s8 =	sadd.s32 $0xFFFFE003, lr  }
0x1b: {  	s9 =	sadd.s32 $0xFFFFFEF7, lr;
	s5 =	simm.s32 $0xFFFFFFFF;
	p2 =	slt.u32 s8, $0xFFFFF086  }
0x1c: {  	p1 =	slt.u32 s9, $0xF7A;
	s5 =	simm.s32 @!p2 $0x0  }
0x1d: {  	s5 =	simm.s32 @p1 $0x1;
	p0 =	seq.s32 s7, s2  }
0x1e: {  	s7 =	smul.u32 @!p0 $0xF7A, s2;
	p2 =	seq.s32 @!p0 s5, $0x0  }
0x1f: {  	s9 =	smul.u32 $0xF7A, s1;
	s8 =	simm.s32 @!p0 $0x1BF5;
	p2 =	por !p2, p0  }
0x20: {  	[sflag:s8] =	ssyncset.s32 @!p0 $0xFFFFF086;
	s6 =	sadd.s32 @!p0 s3, s7;
	s7 =	simm.s32 @!p0 $0x108  }
0x21: {  	s3 =	sadd.s32 s3, s9;
	s6 =	sadd.s32 @!p0 $0x88, s6;
	s7 =	simm.s32 @p2 $0x1082  }
0x22: {  	[simem:s7], [sflag:s8] =	dma.local @!p0 [hbm:s6], $0xF7A  }
0x23: {  	s9 =	sor.u32 $0xD0000000, s2;
	s6 =	simm.s32 $0x108;
	_ =	swait.ge @!p0 [sflag:s8], $0x0  }
0x24: {  	s3 =	sadd.s32 $0x88, s3;
	s6 =	simm.s32 @!p1 $0x1082;
	[sflag:s4] =	ssyncset.s32 $0xFFFFF086  }
0x25: {  	[simem:s6], [sflag:s4] =	dma.local [hbm:s3], $0xF7A  }
0x26: {  	[smem:$0x3F9F] =	sst s1;
	(tag) =	ssettag s2;
	_ =	strace s9  }
0x27: {  	s1 =	sld [smem:$0x3FAF]  }
0x28: {  	s2 =	sld [smem:$0x3FB0]  }
0x29: {  	s4 =	sld [smem:$0x3FB2]  }
0x2a: {  	p0 =	seq.s32 s5, $0x0;
	s5 =	sld [smem:$0x3FB3]  }
0x2b: {  	s6 =	sld [smem:$0x3FB4]  }
0x2c: {  	s7 =	sld [smem:$0x3FB5]  }
0x2d: {  	s3 =	simm.s32 $0x108;
	s8 =	sld [smem:$0x3FB6]  }
0x2e: {  	s3 =	simm.s32 @!p0 $0x1082;
	s9 =	sld [smem:$0x3FB7]  }
0x2f: {  	lr =	sadd.s32 s0, s3;
	s0 =	sld [smem:$0x3FAE]  }
0x30: {  	s3 =	sld [smem:$0x3FB1]  }
0x31: {  	[smem:$0x3FBA] =	sst s10  }
0x32: {  	s10 =	sld [smem:$0x3FB8];
	_ =	sdelay $0x3  }
0x33: {  	p0 =	seq.s32 s10, $0x1;
	s10 =	sld [smem:$0x3FBA];
	_ =	sdelay $0x3  }
0x34: {  	[smem:$0x3FBA] =	sst s10  }
0x35: {  	s10 =	sld [smem:$0x3FB9];
	_ =	sdelay $0x3  }
0x36: {  	p1 =	seq.s32 s10, $0x1;
	s10 =	sld [smem:$0x3FBA];
	_ =	sdelay $0x3  }
0x37: {  	[smem:$0x3FBA] =	sst s10  }
0x38: {  	s10 =	sld [smem:$0x3FBB]  }
0x39: {  	_ = 	snop;
	(pc) =	sbr.ind lr, $3  }
0x3a: {  	_ = 	snop  }
0x3b: {  	_ = 	snop  }
0x3c: {  	p2 =	seq.s32 s10, $0x1;
	s10 =	sld [smem:$0x3FBA]  }
0x3d: {  	_ =	shalt  }
0x3e: {  	_ =	shalt  }
0x3f: {  	_ =	shalt  }
0x40: {  	_ =	shalt  }
0x41: {  	_ =	shalt  }
0x42: {  	_ =	shalt  }
0x43: {  	_ =	shalt  }
0x44: {  	_ =	shalt  }
0x45: {  	_ =	shalt  }
0x46: {  	_ =	shalt  }
0x47: {  	_ =	shalt  }
0x48: {  	_ =	shalt  }
0x49: {  	_ =	shalt  }
0x4a: {  	_ =	shalt  }
0x4b: {  	_ =	shalt  }
0x4c: {  	_ =	shalt  }
0x4d: {  	_ =	shalt  }
0x4e: {  	_ =	shalt  }
0x4f: {  	_ =	shalt  }
0x50: {  	_ =	shalt  }
0x51: {  	_ =	shalt  }
0x52: {  	_ =	shalt  }
0x53: {  	_ =	shalt  }
0x54: {  	_ =	shalt  }
0x55: {  	_ =	shalt  }
0x56: {  	_ =	shalt  }
0x57: {  	_ =	shalt  }
0x58: {  	_ =	shalt  }
0x59: {  	_ =	shalt  }
0x5a: {  	_ =	shalt  }
0x5b: {  	_ =	shalt  }
0x5c: {  	_ =	shalt  }
0x5d: {  	_ =	shalt  }
0x5e: {  	_ =	shalt  }
0x5f: {  	_ =	shalt  }
0x60: {  	_ =	shalt  }
0x61: {  	_ =	shalt  }
0x62: {  	_ =	shalt  }
0x63: {  	_ =	shalt  }
0x64: {  	_ =	shalt  }
0x65: {  	_ =	shalt  }
0x66: {  	_ =	shalt  }
0x67: {  	_ =	shalt  }
0x68: {  	_ =	shalt  }
0x69: {  	_ =	shalt  }
0x6a: {  	_ =	shalt  }
0x6b: {  	_ =	shalt  }
0x6c: {  	_ =	shalt  }
0x6d: {  	_ =	shalt  }
0x6e: {  	_ =	shalt  }
0x6f: {  	_ =	shalt  }
0x70: {  	_ =	shalt  }
0x71: {  	_ =	shalt  }
0x72: {  	_ =	shalt  }
0x73: {  	_ =	shalt  }
0x74: {  	_ =	shalt  }
0x75: {  	_ =	shalt  }
0x76: {  	_ =	shalt  }
0x77: {  	_ =	shalt  }
0x78: {  	_ =	shalt  }
0x79: {  	_ =	shalt  }
0x7a: {  	_ =	shalt  }
0x7b: {  	_ =	shalt  }
0x7c: {  	_ =	shalt  }
0x7d: {  	_ =	shalt  }
0x7e: {  	_ =	shalt  }
0x7f: {  	_ =	shalt  }
0x80: {  	_ =	shalt  }
0x81: {  	_ =	shalt  }
0x82: {  	_ =	shalt  }
0x83: {  	_ =	shalt  }
0x84: {  	_ =	shalt  }
0x85: {  	_ =	shalt  }
0x86: {  	_ =	shalt  }
0x87: {  	_ =	shalt  }
.Lfunc_end0:
.L_simem_size_0:
called_computation_lowered:
.L_overlay_start_0:
0x88: {  	s2 =	sld [smem:$0x3FD9]  }
0x89: {  	s3 =	sld [smem:$0x3FFE];
	_ =	sdelay $0x1  }
0x8a: {  	s1 =	srdreg.scid  }
0x8b: {  	s0 =	sand.u32 $0x1, s1  }
0x8c: {  	s17 =	sshll.u32 s0, $0xA;
	s2 =	sadd.s32 s3, s2  }
0x8d: {  	s2 =	sadd.s32 s2, s17  }
0x8e: {  	[smem:$0x3FC6] =	sst s2  }
0x8f: {  	_ = 	snop  }
0x90: {  	s2 =	sld [smem:$0x3FC8]  }
0x91: {  	s18 =	sld [smem:$0x3FD0];
	(tm) =	ssettm $0x1  }
0x92: {  	s4 =	sld [smem:$0x3FFB];
	_ =	sdelay $0x3  }
0x93: {  	_ =	strace s4  }
0x94: {  	s4 =	sld [smem:$0x3FFC];
	_ =	sdelay $0x3  }
0x95: {  	_ =	strace s4  }
0x96: {  	s4 =	sld [smem:$0x3FFD];
	_ =	sdelay $0x3  }
0x97: {  	_ =	strace s4  }
0x98: {  	_ =	strace $0x8FFFFFFF  }
0x99: {  	s19 =	sld [smem:$0x3FDB];
	_ =	sdelay $0x1  }
0x9a: {  	s5 =	simm.s32 $_scs_section_size  }
0x9b: {  	s6 =	simm.s32 $_size__tile_overlayer_lowered;
	s7 =	simm.s32 $_tile_overlayer_lowered  }
0x9c: {  	s22 =	simm.s32 $0x1BFF;
	s21 =	sshll.u32 s7, $0x1;
	s4 =	sadd.s32 s5, s19  }
0x9d: {  	s8 =	simm.s32 $0x0;
	s20 =	sshll.u32 s6, $0x1;
	s6 =	sadd.s32 s21, s4  }
0x9e: {  	[timem:s8], [sflag:s22] =	dma.local [hbm:s6], s20  }
0x9f: {  	_ =	swait.ge [sflag:s22], s20  }
0xa0: {  	s5 =	ssub.s32 $0x0, s20;
	[sflag:s22] =	ssyncset.done $0x0  }
0xa1: {  	[sflag:s22] =	ssyncadd.s32 s5;
	_ =	sdelay $0x1  }
0xa2: {  	s23 =	simm.s32 $0x1B8B  }
0xa3: {  	_ =	swait.ge [sflag:s23], $0x1  }
0xa4: {  	[sflag:s23] =	ssyncset.done $0x0  }
0xa5: {  	s25 =	simm.s32 $0x1B8E;
	s24 =	sld [smem:$0x3FFE];
	[sflag:s23] =	ssyncadd.s32 $0xFFFFFFFF  }
0xa6: {  	s26 =	simm.s32 $execute0_lowered;
	[smem:$0x3FD2] =	sst s25  }
0xa7: {  	s6 =	sshll.u32 s26, $0x1;
	_ =	strace $0x80000046;
	[dreg:$0x1] =	wrdreg $0xFFFFFFFF  }
0xa8: {  	s28 =	simm.s32 $_size_execute0_lowered;
	s4 =	sadd.s32 s4, s6;
	[dreg:$0x0] =	wrdreg $0x0  }
0xa9: {  	s6 =	sshll.u32 s28, $0x1;
	[dreg:$0x2] =	wrdreg s4  }
0xaa: {  	[dreg:$0x3] =	wrdreg s6  }
0xab: {  	[dreg:$0x4] =	wrdreg $0xC0  }
0xac: {  	_ =	task [dreg:s8], $0x5FFFF  }
0xad: {  	[dreg:$0x1] =	wrdreg $0xFFFFFFFF  }
0xae: {  	[dreg:$0x0] =	wrdreg $0x60  }
0xaf: {  	[dreg:$0x2] =	wrdreg s18  }
0xb0: {  	[dreg:$0x3] =	wrdreg s2  }
0xb1: {  	[dreg:$0x4] =	wrdreg s24  }
0xb2: {  	[dreg:$0x5] =	wrdreg $0x9  }
0xb3: {  	_ =	task.clear_ibuf [dreg:s8], $0x6FFFF;
	_ =	strace $0x90000046  }
0xb4: {  	s29 =	simm.s32 $0x9;
	_ =	strace $0x80000048  }
0xb5: {  	_ =	swait.ge [sflag:s29], $0x1  }
0xb6: {  	[sflag:s29] =	ssyncadd.s32 $0xFFFFFFFF  }
0xb7: {  	_ =	strace $0x90000048  }
0xb8: {  	_ =	sfence  }
0xb9: {  	s30 =	sld [smem:$0x0];
	_ =	sdelay $0x2  }
0xba: {  	s31 =	sshll.u32 s1, $0xD;
	s1 =	sshrl.u32 s1, $0x2  }
0xbb: {  	s3 =	sand.u32 $0x4000, s31;
	s1 =	sadd.s32 s1, s30  }
0xbc: {  	s0 =	sor.u32 s3, s0;
	s1 =	sshll.u32 s1, $0x11  }
0xbd: {  	s0 =	sor.u32 s1, s0  }
0xbe: {  	s0 =	sadd.s32 $0x8F2B, s0  }
0xbf: {  	[sflag:s0] =	ssyncadd.remote.s32 $0x1  }
0xc0: {  	_ =	sfence.sel $0xFFFF  }
0xc1: {  	[dreg:$0x0] =	wrdreg $0xFFFFFFFF;
	(pc) =	sbr.abs _section_cstart, $3  }
0xc2: {  	[dreg:$0x1] =	wrdreg $0xFFFFFFFF  }
0xc3: {  	_ =	task.clear_ibuf [dreg:s8], $0x2FFFF;
	_ =	strace $0x9FFFFFFF  }
0xc4: {  	(tm) =	ssettm $0x7FFFFFFF  }
0xc5: {  	_ =	shalt  }
tec
execute0_lowered:
.L_overlay_start_1:
0x0: {  	(tag) =	ssettag $0x1  }
0x1: {  	s0 =	rddreg [dreg:$0x0]  }
0x2: {  	s2 =	rddreg [dreg:$0x1]  }
0x3: {  	s1 =	rddreg [dreg:$0x2]  }
0x4: {  	s4 =	srdreg.scid;
	s10 =	stileid.u32;
	s3 =	simm.s32 $0x0  }
0x5: {  	s14 =	simm.s32 $0x64;
	s30 =	simm.s32 $0x18C00;
	s31 =	simm.s32 $0x1  }
0x6: {  	s29 =	simm.s32 $0x10900;
	s13 =	simm.s32 $0x7;
	s15 =	simm.s32 $0x17100  }
0x7: {  	s17 =	simm.s32 $0x8;
	s16 =	simm.s32 $0x0;
	s5 =	smul.u32 $0x1C0000, s10  }
0x8: {  	s4 =	sand.u32 $0x1, s4;
	[smem:$0x7FF] =	sst s3;
	s21 =	smul.u32 $0x38000, s10  }
0x9: {  	s1 =	sadd.s32 $0x400, s1;
	s8 =	sshll.u32 s10, $0xB;
	s6 =	smul.u32 $0xE0000, s4  }
0xa: {  	_ =	strace $0x80000047;
	s7 =	ssub.s32 $0x2, s4;
	s9 =	sshll.u32 s4, $0xA  }
0xb: {  	s4 =	smul.u32 $0x1C000, s4;
	s18 =	sshrl.u32 s7, $0x1;
	s8 =	sor.u32 s9, s8  }
0xc: {  	s5 =	sadd.s32 s6, s5;
	s6 =	ssub.s32 s7, s18;
	s0 =	sadd.s32 s0, s8  }
0xd: {  	s18 =	simm.s32 $0x3;
	s19 =	sor.u32 $0x1A400, s5;
	[dreg:$0x4] =	wrdreg s0  }
0xe: {  	s6 =	smax.u32 s6, $0x1;
	s22 =	sor.u32 $0x16C00, s5;
	s23 =	sor.u32 $0x13400, s5  }
0xf: {  	s0 =	sadd.s32 s21, s1;
	s26 =	sor.u32 $0xC400, s5;
	s28 =	sor.u32 $0x8C00, s5  }
0x10: {  	s5 =	sor.u32 $0x5400, s5;
	s21 =	simm.s32 $0x10;
	s20 =	sshrl.u32 s19, $0x3  }
0x11: {  	[dreg:$0x5] =	wrdreg s6;
	s24 =	sshrl.u32 s22, $0x3;
	s25 =	sshrl.u32 s23, $0x3  }
0x12: {  	s7 =	sadd.s32 s4, s0;
	s0 =	sshrl.u32 s26, $0x3;
	s4 =	sshrl.u32 s28, $0x3  }
.Ltmp0:
0x13: {  	s5 =	sshrl.u32 s5, $0x3;
	s22 =	simm.s32 $0x4;
	(pc) =	sbr.rel .LBB2_1-.Ltmp0, $4  }
0x14: {  	s26 =	simm.s32 $0x5;
	s19 =	simm.s32 $0x1A500;
	s6 =	sadd.s32 s20, s1  }
0x15: {  	s8 =	sadd.s32 s24, s1;
	s9 =	sadd.s32 s25, s1;
	s10 =	sadd.s32 s0, s1  }
0x16: {  	s11 =	sadd.s32 s4, s1;
	s12 =	sadd.s32 s5, s1;
	s1 =	simm.s32 $0x2  }
0x17: {  	s24 =	simm.s32 $0xD500;
	s4 =	simm.s32 $0x6;
	s5 =	simm.s32 $0x13D00  }
.LBB2_4:
0x18: {  	s0 =	simm.s32 $0x9  }
0x19: {  	_ =	swait.ge [sflag:s0], $0x1900  }
0x1a: {  	[sflag:s0] =	ssyncset.done $0x0  }
0x1b: {  	[sflag:s0] =	ssyncadd.s32 $0xFFFFE700  }
0x1c: {  	_ =	swait.ge [sflag:s0], $0x1900  }
0x1d: {  	[sflag:s0] =	ssyncset.done $0x0  }
0x1e: {  	s25 =	simm.s32 $0xA;
	[sflag:s0] =	ssyncadd.s32 $0xFFFFE700  }
0x1f: {  	_ =	swait.ge [sflag:s25], $0x1900  }
0x20: {  	[sflag:s25] =	ssyncset.done $0x0  }
0x21: {  	[sflag:s25] =	ssyncadd.s32 $0xFFFFE700  }
0x22: {  	_ =	swait.ge [sflag:s25], $0x1900  }
0x23: {  	[sflag:s25] =	ssyncset.done $0x0  }
0x24: {  	s28 =	simm.s32 $0xB;
	[sflag:s25] =	ssyncadd.s32 $0xFFFFE700  }
0x25: {  	_ =	swait.ge [sflag:s28], $0x1900  }
0x26: {  	[sflag:s28] =	ssyncset.done $0x0  }
0x27: {  	[sflag:s28] =	ssyncadd.s32 $0xFFFFE700  }
0x28: {  	_ =	swait.ge [sflag:s28], $0x1900  }
0x29: {  	[sflag:s28] =	ssyncset.done $0x0  }
0x2a: {  	s16 =	simm.s32 $0xC;
	[sflag:s28] =	ssyncadd.s32 $0xFFFFE700  }
0x2b: {  	_ =	swait.ge [sflag:s16], $0x1900  }
0x2c: {  	[sflag:s16] =	ssyncset.done $0x0  }
0x2d: {  	[sflag:s16] =	ssyncadd.s32 $0xFFFFE700  }
0x2e: {  	_ =	swait.ge [sflag:s16], $0x1900  }
0x2f: {  	[sflag:s16] =	ssyncset.done $0x0  }
0x30: {  	s20 =	simm.s32 $0xD;
	[sflag:s16] =	ssyncadd.s32 $0xFFFFE700  }
0x31: {  	_ =	swait.ge [sflag:s20], $0x1900  }
0x32: {  	[sflag:s20] =	ssyncset.done $0x0  }
0x33: {  	[sflag:s20] =	ssyncadd.s32 $0xFFFFE700  }
0x34: {  	_ =	swait.ge [sflag:s20], $0x1900  }
0x35: {  	[sflag:s20] =	ssyncset.done $0x0  }
0x36: {  	s23 =	simm.s32 $0xE;
	[sflag:s20] =	ssyncadd.s32 $0xFFFFE700  }
0x37: {  	_ =	swait.ge [sflag:s23], $0x1900  }
0x38: {  	[sflag:s23] =	ssyncset.done $0x0  }
0x39: {  	[sflag:s23] =	ssyncadd.s32 $0xFFFFE700  }
0x3a: {  	_ =	swait.ge [sflag:s23], $0x1900  }
0x3b: {  	[sflag:s23] =	ssyncset.done $0x0  }
0x3c: {  	s25 =	simm.s32 $0xF;
	[sflag:s23] =	ssyncadd.s32 $0xFFFFE700  }
0x3d: {  	_ =	swait.ge [sflag:s25], $0x1900  }
0x3e: {  	[sflag:s25] =	ssyncset.done $0x0  }
0x3f: {  	[sflag:s25] =	ssyncadd.s32 $0xFFFFE700  }
0x40: {  	_ =	swait.ge [sflag:s25], $0x1900  }
0x41: {  	[sflag:s25] =	ssyncset.done $0x0  }
0x42: {  	[sflag:s25] =	ssyncadd.s32 $0xFFFFE700  }
0x43: {  	_ =	swait.ge [sflag:s21], $0x1900  }
0x44: {  	[sflag:s21] =	ssyncset.done $0x0  }
0x45: {  	[sflag:s21] =	ssyncadd.s32 $0xFFFFE700  }
0x46: {  	_ =	swait.ge [sflag:s21], $0x1900  }
0x47: {  	s16 =	rddreg [dreg:$0x6]  }
0x48: {  	s28 =	rddreg [dreg:$0x5];
	s16 =	sadd.s32 $0x1, s16  }
0x49: {  	p0 =	sne.s32 s16, s28  }
.Ltmp1:
0x4a: {  	_ = 	snop;
	(pc) =	sbr.rel @!p0 .LBB2_5-.Ltmp1, $3  }
0x4b: {  	_ =	sdelay $0x1  }
0x4c: {  	[sflag:s21] =	ssyncset.done $0x0  }
0x4d: {  	[sflag:s21] =	ssyncadd.s32 $0xFFFFE700  }
.LBB2_1:
0x4e: {  	[dreg:$0x6] =	wrdreg s16  }
0x4f: {  	s0 =	rddreg [dreg:$0x4];
	s28 =	simm.s32 $0x11  }
0x50: {  	[tilespmem:s3], [sflag:$0x11] =	stream.linear.gather [hbm4b:s0+s3], $0x2000, $0x38;
	[tilespmem:$0x1C000] =	vst v63  }
0x51: {  	_ =	swait.ge [sflag:s28], $0x2000  }
0x52: {  	[sflag:s28] =	ssyncset.done $0x0  }
0x53: {  	s16 =	simm.s32 $0x2000;
	[sflag:s28] =	ssyncadd.s32 $0xFFFFE000  }
0x54: {  	[tilespmem:s16], [sflag:$0x1] =	stream.indirect.gather [hbm4b:s2+s14], $0x80, s3, s14, $0xb8;
	[tilespmem:$0x1C000] =	vst v63  }
0x55: {  	s20 =	simm.s32 $0x80;
	s23 =	simm.s32 $0x5400  }
0x56: {  	[tilespmem:s23], [sflag:$0x2] =	stream.indirect.gather [hbm4b:s2+s14], $0x80, s20, s14, $0xb8;
	[tilespmem:$0x1C000] =	vst v63  }
0x57: {  	s25 =	simm.s32 $0x100;
	s28 =	simm.s32 $0x8800  }
0x58: {  	[tilespmem:s28], [sflag:$0x3] =	stream.indirect.gather [hbm4b:s2+s14], $0x80, s25, s14, $0xb8;
	[tilespmem:$0x1C000] =	vst v63  }
0x59: {  	s20 =	simm.s32 $0x180;
	s23 =	simm.s32 $0xBC00  }
0x5a: {  	[tilespmem:s23], [sflag:$0x4] =	stream.indirect.gather [hbm4b:s2+s14], $0x80, s20, s14, $0xb8;
	[tilespmem:$0x1C000] =	vst v63  }
0x5b: {  	s25 =	simm.s32 $0x200;
	s28 =	simm.s32 $0xF000  }
0x5c: {  	[tilespmem:s28], [sflag:$0x5] =	stream.indirect.gather [hbm4b:s2+s14], $0x80, s25, s14, $0xb8;
	[tilespmem:$0x1C000] =	vst v63  }
0x5d: {  	s16 =	simm.s32 $0x280;
	s20 =	simm.s32 $0x12400  }
0x5e: {  	[tilespmem:s20], [sflag:$0x6] =	stream.indirect.gather [hbm4b:s2+s14], $0x80, s16, s14, $0xb8;
	[tilespmem:$0x1C000] =	vst v63  }
0x5f: {  	s23 =	simm.s32 $0x300;
	s25 =	simm.s32 $0x15800  }
0x60: {  	[tilespmem:s25], [sflag:$0x7] =	stream.indirect.gather [hbm4b:s2+s14], $0x80, s23, s14, $0xb8;
	[tilespmem:$0x1C000] =	vst v63  }
0x61: {  	s0 =	simm.s32 $0x400;
	s28 =	simm.s32 $0x380;
	s23 =	simm.s32 $0x0  }
0x62: {  	[tilespmem:s30], [sflag:$0x8] =	stream.indirect.gather [hbm4b:s2+s14], $0x80, s28, s14, $0xb8;
	[tilespmem:$0x1C000] =	vst v63  }
.LBB2_2:
0x63: {  	_ =	swait.ge [sflag:s31], $0x3200  }
0x64: {  	[sflag:s31] =	ssyncset.done $0x0  }
0x65: {  	s16 =	sadd.s32 s23, s7;
	s20 =	simm.s32 $0x2000;
	[sflag:s31] =	ssyncadd.s32 $0xFFFFCE00  }
0x66: {  	[hbm4b:s16+s3] =	stream.linear.scatter [tilespmem:s20], [sflag:$0x9], $0x1900, $0x38;
	[tilespmem:$0x1C000] =	vst v63  }
0x67: {  	s28 =	simm.s32 $0x3900;
	p0 =	seq.s32 s23, $0x18800;
	s25 =	sadd.s32 $0x380, s16  }
0x68: {  	[hbm4b:s25+s3] =	stream.linear.scatter [tilespmem:s28], [sflag:$0x9], $0x1900, $0x38;
	[tilespmem:$0x1C000] =	vst v63  }
0x69: {  	s25 =	simm.s32 @!p0 $0x9  }
0x6a: {  	_ =	swait.ge @!p0 [sflag:s25], $0x1900  }
0x6b: {  	[sflag:s25] =	ssyncset.done @!p0 $0x0  }
0x6c: {  	[sflag:s25] =	ssyncadd.s32 @!p0 $0xFFFFE700  }
0x6d: {  	_ =	swait.ge @!p0 [sflag:s25], $0x1900  }
0x6e: {  	[sflag:s25] =	ssyncset.done @!p0 $0x0  }
0x6f: {  	s28 =	simm.s32 @!p0 $0x2000;
	[sflag:s25] =	ssyncadd.s32 @!p0 $0xFFFFE700;
	s25 =	simm.s32 @!p0 $0x64  }
0x70: {  	[tilespmem:s28], [sflag:$0x1] =	stream.indirect.gather @!p0 [hbm4b:s2+s25], $0x80, s0, s25, $0xb8;
	[tilespmem:$0x1C000] =	vst v63  }
0x71: {  	_ =	swait.ge [sflag:s1], $0x3200  }
0x72: {  	[sflag:s1] =	ssyncset.done $0x0  }
0x73: {  	s20 =	simm.s32 $0x5400;
	s28 =	sadd.s32 $0x700, s16;
	[sflag:s1] =	ssyncadd.s32 $0xFFFFCE00  }
0x74: {  	[hbm4b:s28+s3] =	stream.linear.scatter [tilespmem:s20], [sflag:$0xA], $0x1900, $0x38;
	[tilespmem:$0x1C000] =	vst v63  }
0x75: {  	s28 =	sadd.s32 s23, s12;
	s20 =	simm.s32 $0x6D00  }
0x76: {  	[hbm4b:s28+s3] =	stream.linear.scatter [tilespmem:s20], [sflag:$0xA], $0x1900, $0x38;
	[tilespmem:$0x1C000] =	vst v63  }
0x77: {  	s28 =	simm.s32 @!p0 $0xA  }
0x78: {  	_ =	swait.ge @!p0 [sflag:s28], $0x1900  }
0x79: {  	[sflag:s28] =	ssyncset.done @!p0 $0x0  }
0x7a: {  	[sflag:s28] =	ssyncadd.s32 @!p0 $0xFFFFE700  }
0x7b: {  	_ =	swait.ge @!p0 [sflag:s28], $0x1900  }
0x7c: {  	[sflag:s28] =	ssyncset.done @!p0 $0x0  }
0x7d: {  	s20 =	simm.s32 @!p0 $0x5400;
	[sflag:s28] =	ssyncadd.s32 @!p0 $0xFFFFE700;
	s28 =	sadd.s32 @!p0 $0x80, s0  }
0x7e: {  	[tilespmem:s20], [sflag:$0x2] =	stream.indirect.gather @!p0 [hbm4b:s2+s25], $0x80, s28, s25, $0xb8;
	[tilespmem:$0x1C000] =	vst v63  }
0x7f: {  	_ =	swait.ge [sflag:s18], $0x3200  }
0x80: {  	[sflag:s18] =	ssyncset.done $0x0  }
0x81: {  	s20 =	sadd.s32 $0xE00, s16;
	s28 =	simm.s32 $0x8800;
	[sflag:s18] =	ssyncadd.s32 $0xFFFFCE00  }
0x82: {  	[hbm4b:s20+s3] =	stream.linear.scatter [tilespmem:s28], [sflag:$0xB], $0x1900, $0x38;
	[tilespmem:$0x1C000] =	vst v63  }
0x83: {  	s20 =	sadd.s32 s23, s11;
	s28 =	simm.s32 $0xA100  }
0x84: {  	[hbm4b:s20+s3] =	stream.linear.scatter [tilespmem:s28], [sflag:$0xB], $0x1900, $0x38;
	[tilespmem:$0x1C000] =	vst v63  }
0x85: {  	s20 =	simm.s32 @!p0 $0xB  }
0x86: {  	_ =	swait.ge @!p0 [sflag:s20], $0x1900  }
0x87: {  	[sflag:s20] =	ssyncset.done @!p0 $0x0  }
0x88: {  	[sflag:s20] =	ssyncadd.s32 @!p0 $0xFFFFE700  }
0x89: {  	_ =	swait.ge @!p0 [sflag:s20], $0x1900  }
0x8a: {  	[sflag:s20] =	ssyncset.done @!p0 $0x0  }
0x8b: {  	s28 =	simm.s32 @!p0 $0x8800;
	[sflag:s20] =	ssyncadd.s32 @!p0 $0xFFFFE700;
	s20 =	sadd.s32 @!p0 $0x100, s0  }
0x8c: {  	[tilespmem:s28], [sflag:$0x3] =	stream.indirect.gather @!p0 [hbm4b:s2+s25], $0x80, s20, s25, $0xb8;
	[tilespmem:$0x1C000] =	vst v63  }
0x8d: {  	_ =	swait.ge [sflag:s22], $0x3200  }
0x8e: {  	[sflag:s22] =	ssyncset.done $0x0  }
0x8f: {  	s20 =	sadd.s32 $0x1500, s16;
	s28 =	simm.s32 $0xBC00;
	[sflag:s22] =	ssyncadd.s32 $0xFFFFCE00  }
0x90: {  	[hbm4b:s20+s3] =	stream.linear.scatter [tilespmem:s28], [sflag:$0xC], $0x1900, $0x38;
	[tilespmem:$0x1C000] =	vst v63  }
0x91: {  	s28 =	sadd.s32 s23, s10;
	s20 =	simm.s32 @!p0 $0xC  }
0x92: {  	[hbm4b:s28+s3] =	stream.linear.scatter [tilespmem:s24], [sflag:$0xC], $0x1900, $0x38;
	[tilespmem:$0x1C000] =	vst v63  }
0x93: {  	_ =	swait.ge @!p0 [sflag:s20], $0x1900  }
0x94: {  	[sflag:s20] =	ssyncset.done @!p0 $0x0  }
0x95: {  	[sflag:s20] =	ssyncadd.s32 @!p0 $0xFFFFE700  }
0x96: {  	_ =	swait.ge @!p0 [sflag:s20], $0x1900  }
0x97: {  	[sflag:s20] =	ssyncset.done @!p0 $0x0  }
0x98: {  	s28 =	simm.s32 @!p0 $0xBC00;
	[sflag:s20] =	ssyncadd.s32 @!p0 $0xFFFFE700;
	s20 =	sadd.s32 @!p0 $0x180, s0  }
0x99: {  	[tilespmem:s28], [sflag:$0x4] =	stream.indirect.gather @!p0 [hbm4b:s2+s25], $0x80, s20, s25, $0xb8;
	[tilespmem:$0x1C000] =	vst v63  }
0x9a: {  	_ =	swait.ge [sflag:s26], $0x3200  }
0x9b: {  	[sflag:s26] =	ssyncset.done $0x0  }
0x9c: {  	s20 =	sadd.s32 $0x1C00, s16;
	s28 =	simm.s32 $0xF000;
	[sflag:s26] =	ssyncadd.s32 $0xFFFFCE00  }
0x9d: {  	[hbm4b:s20+s3] =	stream.linear.scatter [tilespmem:s28], [sflag:$0xD], $0x1900, $0x38;
	[tilespmem:$0x1C000] =	vst v63  }
0x9e: {  	s28 =	sadd.s32 $0x1F80, s16;
	s20 =	simm.s32 @!p0 $0xD  }
0x9f: {  	[hbm4b:s28+s3] =	stream.linear.scatter [tilespmem:s29], [sflag:$0xD], $0x1900, $0x38;
	[tilespmem:$0x1C000] =	vst v63  }
0xa0: {  	_ =	swait.ge @!p0 [sflag:s20], $0x1900  }
0xa1: {  	[sflag:s20] =	ssyncset.done @!p0 $0x0  }
0xa2: {  	[sflag:s20] =	ssyncadd.s32 @!p0 $0xFFFFE700  }
0xa3: {  	_ =	swait.ge @!p0 [sflag:s20], $0x1900  }
0xa4: {  	[sflag:s20] =	ssyncset.done @!p0 $0x0  }
0xa5: {  	s28 =	simm.s32 @!p0 $0xF000;
	[sflag:s20] =	ssyncadd.s32 @!p0 $0xFFFFE700;
	s20 =	sadd.s32 @!p0 $0x200, s0  }
0xa6: {  	[tilespmem:s28], [sflag:$0x5] =	stream.indirect.gather @!p0 [hbm4b:s2+s25], $0x80, s20, s25, $0xb8;
	[tilespmem:$0x1C000] =	vst v63  }
0xa7: {  	_ =	swait.ge [sflag:s4], $0x3200  }
0xa8: {  	[sflag:s4] =	ssyncset.done $0x0  }
0xa9: {  	s20 =	sadd.s32 $0x2300, s16;
	s28 =	simm.s32 $0x12400;
	[sflag:s4] =	ssyncadd.s32 $0xFFFFCE00  }
0xaa: {  	[hbm4b:s20+s3] =	stream.linear.scatter [tilespmem:s28], [sflag:$0xE], $0x1900, $0x38;
	[tilespmem:$0x1C000] =	vst v63  }
0xab: {  	s28 =	sadd.s32 s23, s9;
	s20 =	simm.s32 @!p0 $0xE  }
0xac: {  	[hbm4b:s28+s3] =	stream.linear.scatter [tilespmem:s5], [sflag:$0xE], $0x1900, $0x38;
	[tilespmem:$0x1C000] =	vst v63  }
0xad: {  	_ =	swait.ge @!p0 [sflag:s20], $0x1900  }
0xae: {  	[sflag:s20] =	ssyncset.done @!p0 $0x0  }
0xaf: {  	[sflag:s20] =	ssyncadd.s32 @!p0 $0xFFFFE700  }
0xb0: {  	_ =	swait.ge @!p0 [sflag:s20], $0x1900  }
0xb1: {  	[sflag:s20] =	ssyncset.done @!p0 $0x0  }
0xb2: {  	s28 =	simm.s32 @!p0 $0x12400;
	[sflag:s20] =	ssyncadd.s32 @!p0 $0xFFFFE700;
	s20 =	sadd.s32 @!p0 $0x280, s0  }
0xb3: {  	[tilespmem:s28], [sflag:$0x6] =	stream.indirect.gather @!p0 [hbm4b:s2+s25], $0x80, s20, s25, $0xb8;
	[tilespmem:$0x1C000] =	vst v63  }
0xb4: {  	_ =	swait.ge [sflag:s13], $0x3200  }
0xb5: {  	[sflag:s13] =	ssyncset.done $0x0  }
0xb6: {  	s20 =	sadd.s32 $0x2A00, s16;
	s28 =	simm.s32 $0x15800;
	[sflag:s13] =	ssyncadd.s32 $0xFFFFCE00  }
0xb7: {  	[hbm4b:s20+s3] =	stream.linear.scatter [tilespmem:s28], [sflag:$0xF], $0x1900, $0x38;
	[tilespmem:$0x1C000] =	vst v63  }
0xb8: {  	s28 =	sadd.s32 s23, s8;
	s20 =	simm.s32 @!p0 $0xF  }
0xb9: {  	[hbm4b:s28+s3] =	stream.linear.scatter [tilespmem:s15], [sflag:$0xF], $0x1900, $0x38;
	[tilespmem:$0x1C000] =	vst v63  }
0xba: {  	_ =	swait.ge @!p0 [sflag:s20], $0x1900  }
0xbb: {  	[sflag:s20] =	ssyncset.done @!p0 $0x0  }
0xbc: {  	[sflag:s20] =	ssyncadd.s32 @!p0 $0xFFFFE700  }
0xbd: {  	_ =	swait.ge @!p0 [sflag:s20], $0x1900  }
0xbe: {  	[sflag:s20] =	ssyncset.done @!p0 $0x0  }
0xbf: {  	s28 =	simm.s32 @!p0 $0x15800;
	[sflag:s20] =	ssyncadd.s32 @!p0 $0xFFFFE700;
	s20 =	sadd.s32 @!p0 $0x300, s0  }
0xc0: {  	[tilespmem:s28], [sflag:$0x7] =	stream.indirect.gather @!p0 [hbm4b:s2+s25], $0x80, s20, s25, $0xb8;
	[tilespmem:$0x1C000] =	vst v63  }
0xc1: {  	_ =	swait.ge [sflag:s17], $0x3200  }
.Ltmp2:
0xc2: {  	[sflag:s17] =	ssyncset.done $0x0;
	(pc) =	sbr.rel @p0 .LBB2_4-.Ltmp2, $4  }
0xc3: {  	s16 =	sadd.s32 $0x3100, s16;
	[sflag:s17] =	ssyncadd.s32 $0xFFFFCE00  }
0xc4: {  	[hbm4b:s16+s3] =	stream.linear.scatter [tilespmem:s30], [sflag:$0x10], $0x1900, $0x38;
	[tilespmem:$0x1C000] =	vst v63  }
0xc5: {  	s28 =	sadd.s32 s23, s6  }
0xc6: {  	[hbm4b:s28+s3] =	stream.linear.scatter [tilespmem:s19], [sflag:$0x10], $0x1900, $0x38;
	[tilespmem:$0x1C000] =	vst v63  }
0xc7: {  	_ =	swait.ge [sflag:s21], $0x1900  }
0xc8: {  	[sflag:s21] =	ssyncset.done $0x0  }
.Ltmp3:
0xc9: {  	[sflag:s21] =	ssyncadd.s32 $0xFFFFE700;
	(pc) =	sbr.rel .LBB2_2-.Ltmp3, $4  }
0xca: {  	_ =	swait.ge [sflag:s21], $0x1900  }
0xcb: {  	s16 =	sadd.s32 $0x380, s0;
	[sflag:s21] =	ssyncset.done $0x0  }
0xcc: {  	s23 =	sadd.s32 $0x3800, s23;
	s0 =	sadd.s32 $0x400, s0;
	[sflag:s21] =	ssyncadd.s32 $0xFFFFE700  }
0xcd: {  	[tilespmem:s30], [sflag:$0x8] =	stream.indirect.gather [hbm4b:s2+s14], $0x80, s16, s14, $0xb8;
	[tilespmem:$0x1C000] =	vst v63  }
.LBB2_5:
0xce: {  	_ =	sfence.sel $0x180000  }
0xcf: {  	[bflag:$0x0] =	sbarrier.arrive $0xFFFF  }
0xd0: {  	_ =	strace $0x90000047  }
0xd1: {  	s0 =	stileid.u32;
	[bflag:$0x2] =	sbarrier.arrive $0xFFFF  }
0xd2: {  	p0 =	sne.s32 s0, $0x0;
	s0 =	rddreg [dreg:$0x3]  }
0xd3: {  	s0 =	sadd.s32 @!p0 $0x100000, s0  }
0xd4: {  	[sflag:s0] =	ssyncadd.tile.s32 @!p0 $0x1;
	_ =	shalt  }
.Lfunc_end2:
_tile_overlayer_lowered:
.L_overlay_start_2:
0xd5: {  	(tag) =	ssettag $0x2  }
0xd6: {  	s0 =	rddreg [dreg:$0x0];
	s2 =	stileid.u32  }
0xd7: {  	s1 =	rddreg [dreg:$0x1];
	p0 =	sne.s32 s2, $0x0  }
0xd8: {  	s3 =	rddreg [dreg:$0x2];
	[bflag:$0x3] =	sbarrier.arrive $0xFFFF;
	s2 =	simm.s32 @!p0 $0x1C11  }
0xd9: {  	[timem:s3], [sflag:s2] =	dma.local @!p0 [hbm:s0], s1  }
0xda: {  	s0 =	simm.s32 @!p0 $0x11  }
0xdb: {  	_ =	swait.ge @!p0 [sflag:s0], s1  }
0xdc: {  	s1 =	ssub.s32 @!p0 $0x0, s1;
	[sflag:s0] =	ssyncset.done @!p0 $0x0  }
0xdd: {  	[sflag:s0] =	ssyncadd.s32 @!p0 s1  }
0xde: {  	[bflag:$0x3] =	sbarrier.arrive $0xFFFF  }
0xdf: {  	_ =	shalt  }

</sc_bundles>
